<compile_context>
chip_gen: v7x
topology: tpu7x:2x2x1
jax: 0.10.2.dev20260603
libtpu: 0.0.44.dev20260713+nightly
codegen_flags: <defaults>
</compile_context>

<pallas_src>
import functools

import jax
import jax.numpy as jnp
from jax import lax
from jax.experimental import pallas as pl
from jax.experimental.pallas import tpu as pltpu
from jax.experimental.pallas import tpu_sc as plsc

_N_CORES = 2
_N_SUBCORES = 16
_NW = _N_CORES * _N_SUBCORES
_LANES = 16

_CHUNK = 40
_NBUF = 2
_GBLK = 25
_DROWS = 200


def _make_sc_partials(N, D, E):
    ew = E // _NW
    nchunk = ew // _CHUNK
    nblk = nchunk // _GBLK
    nzc = N // _CHUNK
    ndc = N // _DROWS
    nsl = D // _LANES

    def body(src_hbm, dst_hbm, node_hbm, ef_hbm, part_hbm,
             sidx_v, didx_v, rows_v, ef_v, msg_v, acc_sh,
             sem_g, sem_e, sem_s, sem_i, sem_z):
        cid = lax.axis_index("c")
        sid = lax.axis_index("s")
        wid = sid * _N_CORES + cid

        def ef_slice(c):
            base = pl.multiple_of(wid * ew + c * _CHUNK, 8)
            return ef_hbm.at[pl.ds(base, _CHUNK)]

        def idx_refs(c):
            blk = c // _GBLK
            bb = lax.rem(blk, 2)
            cc = lax.rem(c, _GBLK)
            return sidx_v.at[bb, cc], didx_v.at[bb, cc]

        def issue(c, b):
            si, _ = idx_refs(c)
            pltpu.async_copy(node_hbm.at[si], rows_v.at[b], sem_g[b])
            pltpu.async_copy(ef_slice(c), ef_v.at[b], sem_e[b])

        def wait_loads(c, b):
            si, _ = idx_refs(c)
            pltpu.make_async_copy(
                node_hbm.at[si], rows_v.at[b], sem_g[b]).wait()
            pltpu.make_async_copy(
                ef_slice(c), ef_v.at[b], sem_e[b]).wait()

        def compute(b):
            def row(i, _):
                for j in range(nsl):
                    sl = pl.ds(j * _LANES, _LANES)
                    msg_v[b, i, sl] = jnp.maximum(
                        rows_v[b, i, sl] + ef_v[b, i, sl], 0.0)
                return 0
            lax.fori_loop(0, _CHUNK, row, 0)

        def scatter(c, b):
            _, di = idx_refs(c)
            pltpu.async_copy(msg_v.at[b], acc_sh.at[di], sem_s[b], add=True)

        def wait_scatter(b):
            pltpu.make_async_copy(
                msg_v.at[b], acc_sh.at[didx_v.at[0, 0]], sem_s[b]).wait()

        def issue_idx_block(blk):
            bb = lax.rem(blk, 2)
            pltpu.async_copy(src_hbm.at[wid, blk], sidx_v.at[bb], sem_i)
            pltpu.async_copy(dst_hbm.at[wid, blk], didx_v.at[bb], sem_i)

        def wait_idx_block(blk):
            bb = lax.rem(blk, 2)
            pltpu.make_async_copy(
                src_hbm.at[wid, blk], sidx_v.at[bb], sem_i).wait()
            pltpu.make_async_copy(
                dst_hbm.at[wid, blk], didx_v.at[bb], sem_i).wait()

        issue_idx_block(0)
        wait_idx_block(0)
        for b in range(_NBUF):
            issue(b, b)

        def zrow(i, _):
            for j in range(nsl):
                msg_v[0, i, pl.ds(j * _LANES, _LANES)] = jnp.zeros(
                    (_LANES,), jnp.float32)
            return 0
        lax.fori_loop(0, _CHUNK, zrow, 0)
        nzt = (nzc + _N_SUBCORES - 1) // _N_SUBCORES
        for t in range(nzt):
            j = t * _N_SUBCORES + sid

            @pl.when(j < nzc)
            def _():
                r0 = pl.multiple_of(j * _CHUNK, 8)
                pltpu.async_copy(msg_v.at[0], acc_sh.at[pl.ds(r0, _CHUNK)],
                                 sem_z)
        for t in range(nzt):
            j = t * _N_SUBCORES + sid

            @pl.when(j < nzc)
            def _():
                pltpu.make_async_copy(
                    msg_v.at[0], acc_sh.at[pl.ds(0, _CHUNK)], sem_z).wait()
        plsc.subcore_barrier()

        def pair(g, _):
            for b in range(_NBUF):
                c = g * _NBUF + b
                cc = lax.rem(c, _GBLK)
                blk = c // _GBLK
                wait_loads(c, b)

                @pl.when(c >= _NBUF)
                def _():
                    wait_scatter(b)
                compute(b)

                @pl.when(jnp.logical_and(cc == 4, blk + 1 < nblk))
                def _():
                    issue_idx_block(blk + 1)

                @pl.when(jnp.logical_and(cc == _GBLK - 2, blk + 1 < nblk))
                def _():
                    wait_idx_block(blk + 1)

                @pl.when(c + _NBUF < nchunk)
                def _():
                    issue(c + _NBUF, b)
                scatter(c, b)
            return 0
        lax.fori_loop(0, nchunk // _NBUF, pair, 0)
        for b in range(_NBUF):
            wait_scatter(b)

        plsc.subcore_barrier()
        for t in range((ndc + _N_SUBCORES - 1) // _N_SUBCORES):
            j = t * _N_SUBCORES + sid

            @pl.when(j < ndc)
            def _():
                r0 = pl.multiple_of(j * _DROWS, 8)
                pltpu.sync_copy(acc_sh.at[pl.ds(r0, _DROWS)],
                                part_hbm.at[cid, pl.ds(r0, _DROWS)])

    mesh = plsc.VectorSubcoreMesh(core_axis_name="c", subcore_axis_name="s")
    return pl.kernel(
        body,
        out_type=jax.ShapeDtypeStruct((_N_CORES, N, D), jnp.float32),
        mesh=mesh,
        scratch_types=[
            pltpu.VMEM((2, _GBLK, _CHUNK), jnp.int32),
            pltpu.VMEM((2, _GBLK, _CHUNK), jnp.int32),
            pltpu.VMEM((_NBUF, _CHUNK, D), jnp.float32),
            pltpu.VMEM((_NBUF, _CHUNK, D), jnp.float32),
            pltpu.VMEM((_NBUF, _CHUNK, D), jnp.float32),
            pltpu.VMEM_SHARED((N, D), jnp.float32),
            [pltpu.SemaphoreType.DMA] * _NBUF,
            [pltpu.SemaphoreType.DMA] * _NBUF,
            [pltpu.SemaphoreType.DMA] * _NBUF,
            pltpu.SemaphoreType.DMA,
            pltpu.SemaphoreType.DMA,
        ],
    )


def _combine_body(eps_ref, x_ref, p0_ref, p1_ref, o_ref):
    o_ref[...] = (x_ref[...] * (1.0 + eps_ref[0])
                  + p0_ref[...] + p1_ref[...])


def _combine(eps, node_feat, p0, p1):
    N, D = node_feat.shape
    br = 1000
    return pl.pallas_call(
        _combine_body,
        out_shape=jax.ShapeDtypeStruct((N, D), jnp.float32),
        grid=(N // br,),
        in_specs=[
            pl.BlockSpec(memory_space=pltpu.SMEM),
            pl.BlockSpec((br, D), lambda i: (i, 0)),
            pl.BlockSpec((br, D), lambda i: (i, 0)),
            pl.BlockSpec((br, D), lambda i: (i, 0)),
        ],
        out_specs=pl.BlockSpec((br, D), lambda i: (i, 0)),
    )(eps, node_feat, p0, p1)


def kernel(node_feat, edge_index, edge_feat, eps):
    N, D = node_feat.shape
    E = edge_feat.shape[0]
    ew = E // _NW
    nchunk = ew // _CHUNK
    nblk = nchunk // _GBLK
    src = edge_index[0].astype(jnp.int32).reshape(_NW, nblk, _GBLK, _CHUNK)
    dst = edge_index[1].astype(jnp.int32).reshape(_NW, nblk, _GBLK, _CHUNK)
    partials = _make_sc_partials(N, D, E)(src, dst, node_feat, edge_feat)
    return _combine(eps.astype(jnp.float32), node_feat,
                    partials[0], partials[1])

# --- scband reference (transcript-rebuilt; emitter-appended) ---
"""Pipeline reference for scband-gineconv-81157702025494 (READ-ONLY COPY).

The authoritative reference and input builder live on the scoring server;
editing this copy changes nothing except your own understanding.
"""

import jax, jax.numpy as jnp
import numpy as np

N_NODES = 10000
N_EDGES = 320000
D_FEAT = 128


def setup_inputs(seed: int = 0) -> dict:
    key = jax.random.key(seed)
    k1, k2, k3 = jax.random.split(key, 3)
    node_feat = jax.random.normal(k1, (N_NODES, D_FEAT), dtype=jnp.float32)
    edge_index = jax.random.randint(k2, (2, N_EDGES), 0, N_NODES, dtype=jnp.int64)
    edge_feat = jax.random.normal(k3, (N_EDGES, D_FEAT), dtype=jnp.float32)
    # eps buffer (learn_eps=False, init_eps=0)
    eps = jnp.zeros((1,), dtype=jnp.float32)
    return {"node_feat": node_feat, "edge_index": edge_index, "edge_feat": edge_feat, "eps": eps}


def reference(node_feat, edge_index, edge_feat, eps):
    src = edge_index[0]
    dst = edge_index[1]
    N = node_feat.shape[0]
    # message: relu(x_src + e)
    msg = jax.nn.relu(jnp.take(node_feat, src, axis=0) + edge_feat)
    # scatter-sum aggregation by destination node
    neigh = jax.ops.segment_sum(msg, dst, num_segments=N)
    rst = (1.0 + eps) * node_feat + neigh
    # apply_func is None -> identity
    return rst

if __name__ == "__main__":
    import jax
    _d = setup_inputs()
    print(jax.jit(kernel)(*tuple(_d.values())))

</pallas_src>

<mosaic_0001>
#map = affine_map<(d0, d1) -> (0, 0, 0, 0)>
#map1 = affine_map<(d0, d1) -> (0, 0)>
#map2 = affine_map<(d0, d1) -> (0, 0, 0)>
module attributes {stable_mosaic.version = 14 : i64} {
  func.func @body(%arg0: i32, %arg1: i32, %arg2: memref<32x10x25x40xi32, #tpu.memory_space<hbm>>, %arg3: memref<32x10x25x40xi32, #tpu.memory_space<hbm>>, %arg4: memref<10000x128xf32, #tpu.memory_space<hbm>>, %arg5: memref<320000x128xf32, #tpu.memory_space<hbm>>, %arg6: memref<2x10000x128xf32, #tpu.memory_space<hbm>>, %arg7: memref<2x25x40xi32, #tpu.memory_space<vmem>>, %arg8: memref<2x25x40xi32, #tpu.memory_space<vmem>>, %arg9: memref<2x40x128xf32, #tpu.memory_space<vmem>>, %arg10: memref<2x40x128xf32, #tpu.memory_space<vmem>>, %arg11: memref<2x40x128xf32, #tpu.memory_space<vmem>>, %arg12: memref<10000x128xf32, #tpu.memory_space<vmem_shared>>, %arg13: memref<!tpu.dma_semaphore, #tpu.memory_space<semaphore_mem>>, %arg14: memref<!tpu.dma_semaphore, #tpu.memory_space<semaphore_mem>>, %arg15: memref<!tpu.dma_semaphore, #tpu.memory_space<semaphore_mem>>, %arg16: memref<!tpu.dma_semaphore, #tpu.memory_space<semaphore_mem>>, %arg17: memref<!tpu.dma_semaphore, #tpu.memory_space<semaphore_mem>>, %arg18: memref<!tpu.dma_semaphore, #tpu.memory_space<semaphore_mem>>, %arg19: memref<!tpu.dma_semaphore, #tpu.memory_space<semaphore_mem>>, %arg20: memref<!tpu.dma_semaphore, #tpu.memory_space<semaphore_mem>>) attributes {dimension_semantics = [#tpu.dimension_semantics<core_parallel>, #tpu.dimension_semantics<subcore_parallel>], iteration_bounds = array<i64: 2, 16>, scalar_prefetch = 0 : i64, scratch_operands = 14 : i64, tpu.core_type = #tpu.core_type<sc_vector_subcore>, window_params = [{transform_indices = #map}, {transform_indices = #map}, {transform_indices = #map1}, {transform_indices = #map1}, {transform_indices = #map2}]} {
    %mul3A = arith.constant 2 : i32
    %mul3A_0 = arith.muli %arg1, %mul3A : i32
    %add3A = arith.addi %mul3A_0, %arg0 : i32
    %rem3A = arith.constant 0 : i32
    %rem3A_1 = arith.constant 2 : i32
    %rem3A_2 = arith.remsi %rem3A, %rem3A_1 : i32
    %dma_start3A = arith.constant 0 : i32
    %dma_start3A_3 = arith.constant 0 : i32
    %dma_start3A_4 = arith.constant 0 : i32
    %dma_start3A_5 = tpu.memref_slice %arg7[%rem3A_2, %dma_start3A_3, %dma_start3A_4] : memref<2x25x40xi32, #tpu.memory_space<vmem>> -> memref<1x25x40xi32, #tpu.memory_space<vmem>>
    %dma_start3A_6 = tpu.memref_squeeze %dma_start3A_5 : memref<1x25x40xi32, #tpu.memory_space<vmem>> -> memref<25x40xi32, #tpu.memory_space<vmem>>
    %dma_start3A_7 = arith.constant 0 : i32
    %dma_start3A_8 = arith.constant 0 : i32
    %dma_start3A_9 = tpu.memref_slice %arg2[%add3A, %dma_start3A, %dma_start3A_7, %dma_start3A_8] : memref<32x10x25x40xi32, #tpu.memory_space<hbm>> -> memref<1x1x25x40xi32, #tpu.memory_space<hbm>>
    %dma_start3A_10 = tpu.memref_squeeze %dma_start3A_9 : memref<1x1x25x40xi32, #tpu.memory_space<hbm>> -> memref<25x40xi32, #tpu.memory_space<hbm>>
    %dma_start3A_11 = arith.constant 0 : i32
    %dma_start3A_12 = arith.constant 0 : i32
    %dma_start3A_13 = tpu.memref_slice %arg7[%rem3A_2, %dma_start3A_11, %dma_start3A_12] : memref<2x25x40xi32, #tpu.memory_space<vmem>> -> memref<1x25x40xi32, #tpu.memory_space<vmem>>
    %dma_start3A_14 = tpu.memref_squeeze %dma_start3A_13 : memref<1x25x40xi32, #tpu.memory_space<vmem>> -> memref<25x40xi32, #tpu.memory_space<vmem>>
    %dma_start3A_15 = arith.constant 0 : i32
    %dma_start3A_16 = arith.constant 0 : i32
    %dma_start3A_17 = tpu.memref_slice %arg2[%add3A, %dma_start3A, %dma_start3A_15, %dma_start3A_16] : memref<32x10x25x40xi32, #tpu.memory_space<hbm>> -> memref<1x1x25x40xi32, #tpu.memory_space<hbm>>
    %dma_start3A_18 = tpu.memref_squeeze %dma_start3A_17 : memref<1x1x25x40xi32, #tpu.memory_space<hbm>> -> memref<25x40xi32, #tpu.memory_space<hbm>>
    tpu.enqueue_dma source(%dma_start3A_18 : memref<25x40xi32, #tpu.memory_space<hbm>>) target(%dma_start3A_14 : memref<25x40xi32, #tpu.memory_space<vmem>>) target_semaphore(%arg19 : memref<!tpu.dma_semaphore, #tpu.memory_space<semaphore_mem>>)
    %dma_start3A_19 = arith.constant 0 : i32
    %dma_start3A_20 = arith.constant 0 : i32
    %dma_start3A_21 = arith.constant 0 : i32
    %dma_start3A_22 = tpu.memref_slice %arg8[%rem3A_2, %dma_start3A_20, %dma_start3A_21] : memref<2x25x40xi32, #tpu.memory_space<vmem>> -> memref<1x25x40xi32, #tpu.memory_space<vmem>>
    %dma_start3A_23 = tpu.memref_squeeze %dma_start3A_22 : memref<1x25x40xi32, #tpu.memory_space<vmem>> -> memref<25x40xi32, #tpu.memory_space<vmem>>
    %dma_start3A_24 = arith.constant 0 : i32
    %dma_start3A_25 = arith.constant 0 : i32
    %dma_start3A_26 = tpu.memref_slice %arg3[%add3A, %dma_start3A_19, %dma_start3A_24, %dma_start3A_25] : memref<32x10x25x40xi32, #tpu.memory_space<hbm>> -> memref<1x1x25x40xi32, #tpu.memory_space<hbm>>
    %dma_start3A_27 = tpu.memref_squeeze %dma_start3A_26 : memref<1x1x25x40xi32, #tpu.memory_space<hbm>> -> memref<25x40xi32, #tpu.memory_space<hbm>>
    %dma_start3A_28 = arith.constant 0 : i32
    %dma_start3A_29 = arith.constant 0 : i32
    %dma_start3A_30 = tpu.memref_slice %arg8[%rem3A_2, %dma_start3A_28, %dma_start3A_29] : memref<2x25x40xi32, #tpu.memory_space<vmem>> -> memref<1x25x40xi32, #tpu.memory_space<vmem>>
    %dma_start3A_31 = tpu.memref_squeeze %dma_start3A_30 : memref<1x25x40xi32, #tpu.memory_space<vmem>> -> memref<25x40xi32, #tpu.memory_space<vmem>>
    %dma_start3A_32 = arith.constant 0 : i32
    %dma_start3A_33 = arith.constant 0 : i32
    %dma_start3A_34 = tpu.memref_slice %arg3[%add3A, %dma_start3A_19, %dma_start3A_32, %dma_start3A_33] : memref<32x10x25x40xi32, #tpu.memory_space<hbm>> -> memref<1x1x25x40xi32, #tpu.memory_space<hbm>>
    %dma_start3A_35 = tpu.memref_squeeze %dma_start3A_34 : memref<1x1x25x40xi32, #tpu.memory_space<hbm>> -> memref<25x40xi32, #tpu.memory_space<hbm>>
    tpu.enqueue_dma source(%dma_start3A_35 : memref<25x40xi32, #tpu.memory_space<hbm>>) target(%dma_start3A_31 : memref<25x40xi32, #tpu.memory_space<vmem>>) target_semaphore(%arg19 : memref<!tpu.dma_semaphore, #tpu.memory_space<semaphore_mem>>)
    %rem3A_36 = arith.constant 0 : i32
    %rem3A_37 = arith.constant 2 : i32
    %rem3A_38 = arith.remsi %rem3A_36, %rem3A_37 : i32
    %dma_wait3A = arith.constant 0 : i32
    %dma_wait3A_39 = arith.constant 0 : i32
    %dma_wait3A_40 = arith.constant 0 : i32
    %dma_wait3A_41 = tpu.memref_slice %arg7[%rem3A_38, %dma_wait3A_39, %dma_wait3A_40] : memref<2x25x40xi32, #tpu.memory_space<vmem>> -> memref<1x25x40xi32, #tpu.memory_space<vmem>>
    %dma_wait3A_42 = tpu.memref_squeeze %dma_wait3A_41 : memref<1x25x40xi32, #tpu.memory_space<vmem>> -> memref<25x40xi32, #tpu.memory_space<vmem>>
    %dma_wait3A_43 = arith.constant 0 : i32
    %dma_wait3A_44 = arith.constant 0 : i32
    %dma_wait3A_45 = tpu.memref_slice %arg2[%add3A, %dma_wait3A, %dma_wait3A_43, %dma_wait3A_44] : memref<32x10x25x40xi32, #tpu.memory_space<hbm>> -> memref<1x1x25x40xi32, #tpu.memory_space<hbm>>
    %dma_wait3A_46 = tpu.memref_squeeze %dma_wait3A_45 : memref<1x1x25x40xi32, #tpu.memory_space<hbm>> -> memref<25x40xi32, #tpu.memory_space<hbm>>
    %dma_wait3A_47 = arith.constant 0 : i32
    %dma_wait3A_48 = arith.constant 0 : i32
    %dma_wait3A_49 = tpu.memref_slice %arg7[%rem3A_38, %dma_wait3A_47, %dma_wait3A_48] : memref<2x25x40xi32, #tpu.memory_space<vmem>> -> memref<1x25x40xi32, #tpu.memory_space<vmem>>
    %dma_wait3A_50 = tpu.memref_squeeze %dma_wait3A_49 : memref<1x25x40xi32, #tpu.memory_space<vmem>> -> memref<25x40xi32, #tpu.memory_space<vmem>>
    %dma_wait3A_51 = arith.constant 0 : i32
    %dma_wait3A_52 = arith.constant 0 : i32
    %dma_wait3A_53 = tpu.memref_slice %arg2[%add3A, %dma_wait3A, %dma_wait3A_51, %dma_wait3A_52] : memref<32x10x25x40xi32, #tpu.memory_space<hbm>> -> memref<1x1x25x40xi32, #tpu.memory_space<hbm>>
    %dma_wait3A_54 = tpu.memref_squeeze %dma_wait3A_53 : memref<1x1x25x40xi32, #tpu.memory_space<hbm>> -> memref<25x40xi32, #tpu.memory_space<hbm>>
    tpu.wait_dma2 semaphore(%arg19 : memref<!tpu.dma_semaphore, #tpu.memory_space<semaphore_mem>>) src(%dma_wait3A_54 : memref<25x40xi32, #tpu.memory_space<hbm>>) dst(%dma_wait3A_50 : memref<25x40xi32, #tpu.memory_space<vmem>>)
    %dma_wait3A_55 = arith.constant 0 : i32
    %dma_wait3A_56 = arith.constant 0 : i32
    %dma_wait3A_57 = arith.constant 0 : i32
    %dma_wait3A_58 = tpu.memref_slice %arg8[%rem3A_38, %dma_wait3A_56, %dma_wait3A_57] : memref<2x25x40xi32, #tpu.memory_space<vmem>> -> memref<1x25x40xi32, #tpu.memory_space<vmem>>
    %dma_wait3A_59 = tpu.memref_squeeze %dma_wait3A_58 : memref<1x25x40xi32, #tpu.memory_space<vmem>> -> memref<25x40xi32, #tpu.memory_space<vmem>>
    %dma_wait3A_60 = arith.constant 0 : i32
    %dma_wait3A_61 = arith.constant 0 : i32
    %dma_wait3A_62 = tpu.memref_slice %arg3[%add3A, %dma_wait3A_55, %dma_wait3A_60, %dma_wait3A_61] : memref<32x10x25x40xi32, #tpu.memory_space<hbm>> -> memref<1x1x25x40xi32, #tpu.memory_space<hbm>>
    %dma_wait3A_63 = tpu.memref_squeeze %dma_wait3A_62 : memref<1x1x25x40xi32, #tpu.memory_space<hbm>> -> memref<25x40xi32, #tpu.memory_space<hbm>>
    %dma_wait3A_64 = arith.constant 0 : i32
    %dma_wait3A_65 = arith.constant 0 : i32
    %dma_wait3A_66 = tpu.memref_slice %arg8[%rem3A_38, %dma_wait3A_64, %dma_wait3A_65] : memref<2x25x40xi32, #tpu.memory_space<vmem>> -> memref<1x25x40xi32, #tpu.memory_space<vmem>>
    %dma_wait3A_67 = tpu.memref_squeeze %dma_wait3A_66 : memref<1x25x40xi32, #tpu.memory_space<vmem>> -> memref<25x40xi32, #tpu.memory_space<vmem>>
    %dma_wait3A_68 = arith.constant 0 : i32
    %dma_wait3A_69 = arith.constant 0 : i32
    %dma_wait3A_70 = tpu.memref_slice %arg3[%add3A, %dma_wait3A_55, %dma_wait3A_68, %dma_wait3A_69] : memref<32x10x25x40xi32, #tpu.memory_space<hbm>> -> memref<1x1x25x40xi32, #tpu.memory_space<hbm>>
    %dma_wait3A_71 = tpu.memref_squeeze %dma_wait3A_70 : memref<1x1x25x40xi32, #tpu.memory_space<hbm>> -> memref<25x40xi32, #tpu.memory_space<hbm>>
    tpu.wait_dma2 semaphore(%arg19 : memref<!tpu.dma_semaphore, #tpu.memory_space<semaphore_mem>>) src(%dma_wait3A_71 : memref<25x40xi32, #tpu.memory_space<hbm>>) dst(%dma_wait3A_67 : memref<25x40xi32, #tpu.memory_space<vmem>>)
    %rem3A_72 = arith.constant 0 : i32
    %rem3A_73 = arith.constant 2 : i32
    %rem3A_74 = arith.remsi %rem3A_72, %rem3A_73 : i32
    %rem3A_75 = arith.constant 0 : i32
    %rem3A_76 = arith.constant 25 : i32
    %rem3A_77 = arith.remsi %rem3A_75, %rem3A_76 : i32
    %dma_start3A_78 = arith.constant 0 : i32
    %dma_start3A_79 = arith.constant 0 : i32
    %dma_start3A_80 = arith.constant 0 : i32
    %dma_start3A_81 = tpu.memref_slice %arg9[%dma_start3A_78, %dma_start3A_79, %dma_start3A_80] : memref<2x40x128xf32, #tpu.memory_space<vmem>> -> memref<1x40x128xf32, #tpu.memory_space<vmem>>
    %dma_start3A_82 = tpu.memref_squeeze %dma_start3A_81 : memref<1x40x128xf32, #tpu.memory_space<vmem>> -> memref<40x128xf32, #tpu.memory_space<vmem>>
    %dma_start3A_83 = arith.constant 0 : i32
    %dma_start3A_84 = tpu.memref_slice %arg7[%rem3A_74, %rem3A_77, %dma_start3A_83] : memref<2x25x40xi32, #tpu.memory_space<vmem>> -> memref<1x1x40xi32, #tpu.memory_space<vmem>>
    %dma_start3A_85 = tpu.memref_squeeze %dma_start3A_84 : memref<1x1x40xi32, #tpu.memory_space<vmem>> -> memref<40xi32, #tpu.memory_space<vmem>>
    %dma_start3A_86 = arith.constant 0 : i32
    %dma_start3A_87 = arith.constant 0 : i32
    %dma_start3A_88 = tpu.memref_slice %arg4[%dma_start3A_86, %dma_start3A_87] : memref<10000x128xf32, #tpu.memory_space<hbm>> -> memref<10000x128xf32, #tpu.memory_space<hbm>>
    tpu.enqueue_indirect_dma source(%dma_start3A_88 : memref<10000x128xf32, #tpu.memory_space<hbm>>) target(%dma_start3A_82 : memref<40x128xf32, #tpu.memory_space<vmem>>) offsets(%dma_start3A_85 : memref<40xi32, #tpu.memory_space<vmem>>) semaphore(%arg13 : memref<!tpu.dma_semaphore, #tpu.memory_space<semaphore_mem>>)
    %mul3A_89 = arith.constant 10000 : i32
    %mul3A_90 = arith.muli %add3A, %mul3A_89 : i32
    %add3A_91 = arith.constant 0 : i32
    %add3A_92 = arith.addi %mul3A_90, %add3A_91 : i32
    %multiple_of3A = tpu.assume_multiple %add3A_92, 8 : i32
    %dma_start3A_93 = arith.constant 0 : i32
    %dma_start3A_94 = arith.constant 0 : i32
    %dma_start3A_95 = arith.constant 0 : i32
    %dma_start3A_96 = tpu.memref_slice %arg10[%dma_start3A_93, %dma_start3A_94, %dma_start3A_95] : memref<2x40x128xf32, #tpu.memory_space<vmem>> -> memref<1x40x128xf32, #tpu.memory_space<vmem>>
    %dma_start3A_97 = tpu.memref_squeeze %dma_start3A_96 : memref<1x40x128xf32, #tpu.memory_space<vmem>> -> memref<40x128xf32, #tpu.memory_space<vmem>>
    %dma_start3A_98 = arith.constant 0 : i32
    %dma_start3A_99 = tpu.memref_slice %arg5[%multiple_of3A, %dma_start3A_98] : memref<320000x128xf32, #tpu.memory_space<hbm>> -> memref<40x128xf32, #tpu.memory_space<hbm>>
    %dma_start3A_100 = arith.constant 0 : i32
    %dma_start3A_101 = arith.constant 0 : i32
    %dma_start3A_102 = tpu.memref_slice %arg10[%dma_start3A_93, %dma_start3A_100, %dma_start3A_101] : memref<2x40x128xf32, #tpu.memory_space<vmem>> -> memref<1x40x128xf32, #tpu.memory_space<vmem>>
    %dma_start3A_103 = tpu.memref_squeeze %dma_start3A_102 : memref<1x40x128xf32, #tpu.memory_space<vmem>> -> memref<40x128xf32, #tpu.memory_space<vmem>>
    %dma_start3A_104 = arith.constant 0 : i32
    %dma_start3A_105 = tpu.memref_slice %arg5[%multiple_of3A, %dma_start3A_104] : memref<320000x128xf32, #tpu.memory_space<hbm>> -> memref<40x128xf32, #tpu.memory_space<hbm>>
    tpu.enqueue_dma source(%dma_start3A_105 : memref<40x128xf32, #tpu.memory_space<hbm>>) target(%dma_start3A_103 : memref<40x128xf32, #tpu.memory_space<vmem>>) target_semaphore(%arg15 : memref<!tpu.dma_semaphore, #tpu.memory_space<semaphore_mem>>)
    %rem3A_106 = arith.constant 0 : i32
    %rem3A_107 = arith.constant 2 : i32
    %rem3A_108 = arith.remsi %rem3A_106, %rem3A_107 : i32
    %rem3A_109 = arith.constant 1 : i32
    %rem3A_110 = arith.constant 25 : i32
    %rem3A_111 = arith.remsi %rem3A_109, %rem3A_110 : i32
    %dma_start3A_112 = arith.constant 1 : i32
    %dma_start3A_113 = arith.constant 0 : i32
    %dma_start3A_114 = arith.constant 0 : i32
    %dma_start3A_115 = tpu.memref_slice %arg9[%dma_start3A_112, %dma_start3A_113, %dma_start3A_114] : memref<2x40x128xf32, #tpu.memory_space<vmem>> -> memref<1x40x128xf32, #tpu.memory_space<vmem>>
    %dma_start3A_116 = tpu.memref_squeeze %dma_start3A_115 : memref<1x40x128xf32, #tpu.memory_space<vmem>> -> memref<40x128xf32, #tpu.memory_space<vmem>>
    %dma_start3A_117 = arith.constant 0 : i32
    %dma_start3A_118 = tpu.memref_slice %arg7[%rem3A_108, %rem3A_111, %dma_start3A_117] : memref<2x25x40xi32, #tpu.memory_space<vmem>> -> memref<1x1x40xi32, #tpu.memory_space<vmem>>
    %dma_start3A_119 = tpu.memref_squeeze %dma_start3A_118 : memref<1x1x40xi32, #tpu.memory_space<vmem>> -> memref<40xi32, #tpu.memory_space<vmem>>
    %dma_start3A_120 = arith.constant 0 : i32
    %dma_start3A_121 = arith.constant 0 : i32
    %dma_start3A_122 = tpu.memref_slice %arg4[%dma_start3A_120, %dma_start3A_121] : memref<10000x128xf32, #tpu.memory_space<hbm>> -> memref<10000x128xf32, #tpu.memory_space<hbm>>
    tpu.enqueue_indirect_dma source(%dma_start3A_122 : memref<10000x128xf32, #tpu.memory_space<hbm>>) target(%dma_start3A_116 : memref<40x128xf32, #tpu.memory_space<vmem>>) offsets(%dma_start3A_119 : memref<40xi32, #tpu.memory_space<vmem>>) semaphore(%arg14 : memref<!tpu.dma_semaphore, #tpu.memory_space<semaphore_mem>>)
    %mul3A_123 = arith.constant 10000 : i32
    %mul3A_124 = arith.muli %add3A, %mul3A_123 : i32
    %add3A_125 = arith.constant 40 : i32
    %add3A_126 = arith.addi %mul3A_124, %add3A_125 : i32
    %multiple_of3A_127 = tpu.assume_multiple %add3A_126, 8 : i32
    %dma_start3A_128 = arith.constant 1 : i32
    %dma_start3A_129 = arith.constant 0 : i32
    %dma_start3A_130 = arith.constant 0 : i32
    %dma_start3A_131 = tpu.memref_slice %arg10[%dma_start3A_128, %dma_start3A_129, %dma_start3A_130] : memref<2x40x128xf32, #tpu.memory_space<vmem>> -> memref<1x40x128xf32, #tpu.memory_space<vmem>>
    %dma_start3A_132 = tpu.memref_squeeze %dma_start3A_131 : memref<1x40x128xf32, #tpu.memory_space<vmem>> -> memref<40x128xf32, #tpu.memory_space<vmem>>
    %dma_start3A_133 = arith.constant 0 : i32
    %dma_start3A_134 = tpu.memref_slice %arg5[%multiple_of3A_127, %dma_start3A_133] : memref<320000x128xf32, #tpu.memory_space<hbm>> -> memref<40x128xf32, #tpu.memory_space<hbm>>
    %dma_start3A_135 = arith.constant 0 : i32
    %dma_start3A_136 = arith.constant 0 : i32
    %dma_start3A_137 = tpu.memref_slice %arg10[%dma_start3A_128, %dma_start3A_135, %dma_start3A_136] : memref<2x40x128xf32, #tpu.memory_space<vmem>> -> memref<1x40x128xf32, #tpu.memory_space<vmem>>
    %dma_start3A_138 = tpu.memref_squeeze %dma_start3A_137 : memref<1x40x128xf32, #tpu.memory_space<vmem>> -> memref<40x128xf32, #tpu.memory_space<vmem>>
    %dma_start3A_139 = arith.constant 0 : i32
    %dma_start3A_140 = tpu.memref_slice %arg5[%multiple_of3A_127, %dma_start3A_139] : memref<320000x128xf32, #tpu.memory_space<hbm>> -> memref<40x128xf32, #tpu.memory_space<hbm>>
    tpu.enqueue_dma source(%dma_start3A_140 : memref<40x128xf32, #tpu.memory_space<hbm>>) target(%dma_start3A_138 : memref<40x128xf32, #tpu.memory_space<vmem>>) target_semaphore(%arg16 : memref<!tpu.dma_semaphore, #tpu.memory_space<semaphore_mem>>)
    %scan3A = arith.constant 0 : i32
    %scan3A_141 = arith.constant 0 : i32
    %scan3A_142 = arith.constant 40 : i32
    %scan3A_143 = arith.addi %scan3A_141, %scan3A_142 : i32
    %scan3A_144 = arith.constant 1 : i32
    %scan3A_145 = scf.for %scan3A_430 = %scan3A_141 to %scan3A_143 step %scan3A_144 iter_args(%scan3A_431 = %scan3A) -> (i32)  : i32 {
      %broadcast_in_dim3A = arith.constant 0.000000e+00 : f32
      %broadcast_in_dim3A_432 = vector.broadcast %broadcast_in_dim3A : f32 to vector<16xf32>
      %swap3A = arith.constant 0 : i32
      %swap3A_433 = arith.index_cast %swap3A : i32 to index
      %swap3A_434 = arith.index_cast %scan3A_430 : i32 to index
      %swap3A_435 = arith.constant 0 : index
      %swap3A_436 = tpu.vector_load %arg11[%swap3A_433, %swap3A_434, %swap3A_435] {strides = array<i32>} : memref<2x40x128xf32, #tpu.memory_space<vmem>>, vector<1x1x16xf32>,
      %swap3A_437 = vector.shape_cast %swap3A_436 : vector<1x1x16xf32> to vector<16xf32>
      %swap3A_438 = vector.shape_cast %broadcast_in_dim3A_432 : vector<16xf32> to vector<1x1x16xf32>
      tpu.vector_store %arg11[%swap3A_433, %swap3A_434, %swap3A_435], %swap3A_438 {strides = array<i32>} : memref<2x40x128xf32, #tpu.memory_space<vmem>>, vector<1x1x16xf32>,
      %broadcast_in_dim3A_439 = arith.constant 0.000000e+00 : f32
      %broadcast_in_dim3A_440 = vector.broadcast %broadcast_in_dim3A_439 : f32 to vector<16xf32>
      %swap3A_441 = arith.constant 0 : i32
      %swap3A_442 = arith.index_cast %swap3A_441 : i32 to index
      %swap3A_443 = arith.index_cast %scan3A_430 : i32 to index
      %swap3A_444 = arith.constant 16 : index
      %swap3A_445 = tpu.vector_load %arg11[%swap3A_442, %swap3A_443, %swap3A_444] {strides = array<i32>} : memref<2x40x128xf32, #tpu.memory_space<vmem>>, vector<1x1x16xf32>,
      %swap3A_446 = vector.shape_cast %swap3A_445 : vector<1x1x16xf32> to vector<16xf32>
      %swap3A_447 = vector.shape_cast %broadcast_in_dim3A_440 : vector<16xf32> to vector<1x1x16xf32>
      tpu.vector_store %arg11[%swap3A_442, %swap3A_443, %swap3A_444], %swap3A_447 {strides = array<i32>} : memref<2x40x128xf32, #tpu.memory_space<vmem>>, vector<1x1x16xf32>,
      %broadcast_in_dim3A_448 = arith.constant 0.000000e+00 : f32
      %broadcast_in_dim3A_449 = vector.broadcast %broadcast_in_dim3A_448 : f32 to vector<16xf32>
      %swap3A_450 = arith.constant 0 : i32
      %swap3A_451 = arith.index_cast %swap3A_450 : i32 to index
      %swap3A_452 = arith.index_cast %scan3A_430 : i32 to index
      %swap3A_453 = arith.constant 32 : index
      %swap3A_454 = tpu.vector_load %arg11[%swap3A_451, %swap3A_452, %swap3A_453] {strides = array<i32>} : memref<2x40x128xf32, #tpu.memory_space<vmem>>, vector<1x1x16xf32>,
      %swap3A_455 = vector.shape_cast %swap3A_454 : vector<1x1x16xf32> to vector<16xf32>
      %swap3A_456 = vector.shape_cast %broadcast_in_dim3A_449 : vector<16xf32> to vector<1x1x16xf32>
      tpu.vector_store %arg11[%swap3A_451, %swap3A_452, %swap3A_453], %swap3A_456 {strides = array<i32>} : memref<2x40x128xf32, #tpu.memory_space<vmem>>, vector<1x1x16xf32>,
      %broadcast_in_dim3A_457 = arith.constant 0.000000e+00 : f32
      %broadcast_in_dim3A_458 = vector.broadcast %broadcast_in_dim3A_457 : f32 to vector<16xf32>
      %swap3A_459 = arith.constant 0 : i32
      %swap3A_460 = arith.index_cast %swap3A_459 : i32 to index
      %swap3A_461 = arith.index_cast %scan3A_430 : i32 to index
      %swap3A_462 = arith.constant 48 : index
      %swap3A_463 = tpu.vector_load %arg11[%swap3A_460, %swap3A_461, %swap3A_462] {strides = array<i32>} : memref<2x40x128xf32, #tpu.memory_space<vmem>>, vector<1x1x16xf32>,
      %swap3A_464 = vector.shape_cast %swap3A_463 : vector<1x1x16xf32> to vector<16xf32>
      %swap3A_465 = vector.shape_cast %broadcast_in_dim3A_458 : vector<16xf32> to vector<1x1x16xf32>
      tpu.vector_store %arg11[%swap3A_460, %swap3A_461, %swap3A_462], %swap3A_465 {strides = array<i32>} : memref<2x40x128xf32, #tpu.memory_space<vmem>>, vector<1x1x16xf32>,
      %broadcast_in_dim3A_466 = arith.constant 0.000000e+00 : f32
      %broadcast_in_dim3A_467 = vector.broadcast %broadcast_in_dim3A_466 : f32 to vector<16xf32>
      %swap3A_468 = arith.constant 0 : i32
      %swap3A_469 = arith.index_cast %swap3A_468 : i32 to index
      %swap3A_470 = arith.index_cast %scan3A_430 : i32 to index
      %swap3A_471 = arith.constant 64 : index
      %swap3A_472 = tpu.vector_load %arg11[%swap3A_469, %swap3A_470, %swap3A_471] {strides = array<i32>} : memref<2x40x128xf32, #tpu.memory_space<vmem>>, vector<1x1x16xf32>,
      %swap3A_473 = vector.shape_cast %swap3A_472 : vector<1x1x16xf32> to vector<16xf32>
      %swap3A_474 = vector.shape_cast %broadcast_in_dim3A_467 : vector<16xf32> to vector<1x1x16xf32>
      tpu.vector_store %arg11[%swap3A_469, %swap3A_470, %swap3A_471], %swap3A_474 {strides = array<i32>} : memref<2x40x128xf32, #tpu.memory_space<vmem>>, vector<1x1x16xf32>,
      %broadcast_in_dim3A_475 = arith.constant 0.000000e+00 : f32
      %broadcast_in_dim3A_476 = vector.broadcast %broadcast_in_dim3A_475 : f32 to vector<16xf32>
      %swap3A_477 = arith.constant 0 : i32
      %swap3A_478 = arith.index_cast %swap3A_477 : i32 to index
      %swap3A_479 = arith.index_cast %scan3A_430 : i32 to index
      %swap3A_480 = arith.constant 80 : index
      %swap3A_481 = tpu.vector_load %arg11[%swap3A_478, %swap3A_479, %swap3A_480] {strides = array<i32>} : memref<2x40x128xf32, #tpu.memory_space<vmem>>, vector<1x1x16xf32>,
      %swap3A_482 = vector.shape_cast %swap3A_481 : vector<1x1x16xf32> to vector<16xf32>
      %swap3A_483 = vector.shape_cast %broadcast_in_dim3A_476 : vector<16xf32> to vector<1x1x16xf32>
      tpu.vector_store %arg11[%swap3A_478, %swap3A_479, %swap3A_480], %swap3A_483 {strides = array<i32>} : memref<2x40x128xf32, #tpu.memory_space<vmem>>, vector<1x1x16xf32>,
      %broadcast_in_dim3A_484 = arith.constant 0.000000e+00 : f32
      %broadcast_in_dim3A_485 = vector.broadcast %broadcast_in_dim3A_484 : f32 to vector<16xf32>
      %swap3A_486 = arith.constant 0 : i32
      %swap3A_487 = arith.index_cast %swap3A_486 : i32 to index
      %swap3A_488 = arith.index_cast %scan3A_430 : i32 to index
      %swap3A_489 = arith.constant 96 : index
      %swap3A_490 = tpu.vector_load %arg11[%swap3A_487, %swap3A_488, %swap3A_489] {strides = array<i32>} : memref<2x40x128xf32, #tpu.memory_space<vmem>>, vector<1x1x16xf32>,
      %swap3A_491 = vector.shape_cast %swap3A_490 : vector<1x1x16xf32> to vector<16xf32>
      %swap3A_492 = vector.shape_cast %broadcast_in_dim3A_485 : vector<16xf32> to vector<1x1x16xf32>
      tpu.vector_store %arg11[%swap3A_487, %swap3A_488, %swap3A_489], %swap3A_492 {strides = array<i32>} : memref<2x40x128xf32, #tpu.memory_space<vmem>>, vector<1x1x16xf32>,
      %broadcast_in_dim3A_493 = arith.constant 0.000000e+00 : f32
      %broadcast_in_dim3A_494 = vector.broadcast %broadcast_in_dim3A_493 : f32 to vector<16xf32>
      %swap3A_495 = arith.constant 0 : i32
      %swap3A_496 = arith.index_cast %swap3A_495 : i32 to index
      %swap3A_497 = arith.index_cast %scan3A_430 : i32 to index
      %swap3A_498 = arith.constant 112 : index
      %swap3A_499 = tpu.vector_load %arg11[%swap3A_496, %swap3A_497, %swap3A_498] {strides = array<i32>} : memref<2x40x128xf32, #tpu.memory_space<vmem>>, vector<1x1x16xf32>,
      %swap3A_500 = vector.shape_cast %swap3A_499 : vector<1x1x16xf32> to vector<16xf32>
      %swap3A_501 = vector.shape_cast %broadcast_in_dim3A_494 : vector<16xf32> to vector<1x1x16xf32>
      tpu.vector_store %arg11[%swap3A_496, %swap3A_497, %swap3A_498], %swap3A_501 {strides = array<i32>} : memref<2x40x128xf32, #tpu.memory_space<vmem>>, vector<1x1x16xf32>,
      %scan3A_502 = arith.constant 0 : i32
      scf.yield %scan3A_502 : i32
    }
    %scan3A_146 = arith.constant 40 : i32
    %add3A_147 = arith.constant 0 : i32
    %add3A_148 = arith.addi %add3A_147, %arg1 : i32
    %lt3A = arith.constant 250 : i32
    %lt3A_149 = arith.cmpi slt, %add3A_148, %lt3A : i32
    %convert_element_type3A = arith.extui %lt3A_149 : i1 to i32
    %cond3A = arith.constant 0 : i32
    %cond3A_150 = arith.cmpi ne, %convert_element_type3A, %cond3A : i32
    scf.if %cond3A_150 {
      %mul3A_430 = arith.constant 40 : i32
      %mul3A_431 = arith.muli %add3A_148, %mul3A_430 : i32
      %multiple_of3A_432 = tpu.assume_multiple %mul3A_431, 8 : i32
      %dma_start3A_433 = arith.constant 0 : i32
      %dma_start3A_434 = arith.constant 0 : i32
      %dma_start3A_435 = arith.constant 0 : i32
      %dma_start3A_436 = tpu.memref_slice %arg11[%dma_start3A_433, %dma_start3A_434, %dma_start3A_435] : memref<2x40x128xf32, #tpu.memory_space<vmem>> -> memref<1x40x128xf32, #tpu.memory_space<vmem>>
      %dma_start3A_437 = tpu.memref_squeeze %dma_start3A_436 : memref<1x40x128xf32, #tpu.memory_space<vmem>> -> memref<40x128xf32, #tpu.memory_space<vmem>>
      %dma_start3A_438 = arith.constant 0 : i32
      %dma_start3A_439 = tpu.memref_slice %arg12[%multiple_of3A_432, %dma_start3A_438] : memref<10000x128xf32, #tpu.memory_space<vmem_shared>> -> memref<40x128xf32, #tpu.memory_space<vmem_shared>>
      %dma_start3A_440 = arith.constant 0 : i32
      %dma_start3A_441 = tpu.memref_slice %arg12[%multiple_of3A_432, %dma_start3A_440] : memref<10000x128xf32, #tpu.memory_space<vmem_shared>> -> memref<40x128xf32, #tpu.memory_space<vmem_shared>>
      %dma_start3A_442 = arith.constant 0 : i32
      %dma_start3A_443 = arith.constant 0 : i32
      %dma_start3A_444 = tpu.memref_slice %arg11[%dma_start3A_433, %dma_start3A_442, %dma_start3A_443] : memref<2x40x128xf32, #tpu.memory_space<vmem>> -> memref<1x40x128xf32, #tpu.memory_space<vmem>>
      %dma_start3A_445 = tpu.memref_squeeze %dma_start3A_444 : memref<1x40x128xf32, #tpu.memory_space<vmem>> -> memref<40x128xf32, #tpu.memory_space<vmem>>
      tpu.enqueue_dma source(%dma_start3A_445 : memref<40x128xf32, #tpu.memory_space<vmem>>) target(%dma_start3A_441 : memref<40x128xf32, #tpu.memory_space<vmem_shared>>) target_semaphore(%arg20 : memref<!tpu.dma_semaphore, #tpu.memory_space<semaphore_mem>>)
    } else {
    }
    %add3A_151 = arith.constant 16 : i32
    %add3A_152 = arith.addi %add3A_151, %arg1 : i32
    %lt3A_153 = arith.constant 250 : i32
    %lt3A_154 = arith.cmpi slt, %add3A_152, %lt3A_153 : i32
    %convert_element_type3A_155 = arith.extui %lt3A_154 : i1 to i32
    %cond3A_156 = arith.constant 0 : i32
    %cond3A_157 = arith.cmpi ne, %convert_element_type3A_155, %cond3A_156 : i32
    scf.if %cond3A_157 {
      %mul3A_430 = arith.constant 40 : i32
      %mul3A_431 = arith.muli %add3A_152, %mul3A_430 : i32
      %multiple_of3A_432 = tpu.assume_multiple %mul3A_431, 8 : i32
      %dma_start3A_433 = arith.constant 0 : i32
      %dma_start3A_434 = arith.constant 0 : i32
      %dma_start3A_435 = arith.constant 0 : i32
      %dma_start3A_436 = tpu.memref_slice %arg11[%dma_start3A_433, %dma_start3A_434, %dma_start3A_435] : memref<2x40x128xf32, #tpu.memory_space<vmem>> -> memref<1x40x128xf32, #tpu.memory_space<vmem>>
      %dma_start3A_437 = tpu.memref_squeeze %dma_start3A_436 : memref<1x40x128xf32, #tpu.memory_space<vmem>> -> memref<40x128xf32, #tpu.memory_space<vmem>>
      %dma_start3A_438 = arith.constant 0 : i32
      %dma_start3A_439 = tpu.memref_slice %arg12[%multiple_of3A_432, %dma_start3A_438] : memref<10000x128xf32, #tpu.memory_space<vmem_shared>> -> memref<40x128xf32, #tpu.memory_space<vmem_shared>>
      %dma_start3A_440 = arith.constant 0 : i32
      %dma_start3A_441 = tpu.memref_slice %arg12[%multiple_of3A_432, %dma_start3A_440] : memref<10000x128xf32, #tpu.memory_space<vmem_shared>> -> memref<40x128xf32, #tpu.memory_space<vmem_shared>>
      %dma_start3A_442 = arith.constant 0 : i32
      %dma_start3A_443 = arith.constant 0 : i32
      %dma_start3A_444 = tpu.memref_slice %arg11[%dma_start3A_433, %dma_start3A_442, %dma_start3A_443] : memref<2x40x128xf32, #tpu.memory_space<vmem>> -> memref<1x40x128xf32, #tpu.memory_space<vmem>>
      %dma_start3A_445 = tpu.memref_squeeze %dma_start3A_444 : memref<1x40x128xf32, #tpu.memory_space<vmem>> -> memref<40x128xf32, #tpu.memory_space<vmem>>
      tpu.enqueue_dma source(%dma_start3A_445 : memref<40x128xf32, #tpu.memory_space<vmem>>) target(%dma_start3A_441 : memref<40x128xf32, #tpu.memory_space<vmem_shared>>) target_semaphore(%arg20 : memref<!tpu.dma_semaphore, #tpu.memory_space<semaphore_mem>>)
    } else {
    }
    %add3A_158 = arith.constant 32 : i32
    %add3A_159 = arith.addi %add3A_158, %arg1 : i32
    %lt3A_160 = arith.constant 250 : i32
    %lt3A_161 = arith.cmpi slt, %add3A_159, %lt3A_160 : i32
    %convert_element_type3A_162 = arith.extui %lt3A_161 : i1 to i32
    %cond3A_163 = arith.constant 0 : i32
    %cond3A_164 = arith.cmpi ne, %convert_element_type3A_162, %cond3A_163 : i32
    scf.if %cond3A_164 {
      %mul3A_430 = arith.constant 40 : i32
      %mul3A_431 = arith.muli %add3A_159, %mul3A_430 : i32
      %multiple_of3A_432 = tpu.assume_multiple %mul3A_431, 8 : i32
      %dma_start3A_433 = arith.constant 0 : i32
      %dma_start3A_434 = arith.constant 0 : i32
      %dma_start3A_435 = arith.constant 0 : i32
      %dma_start3A_436 = tpu.memref_slice %arg11[%dma_start3A_433, %dma_start3A_434, %dma_start3A_435] : memref<2x40x128xf32, #tpu.memory_space<vmem>> -> memref<1x40x128xf32, #tpu.memory_space<vmem>>
      %dma_start3A_437 = tpu.memref_squeeze %dma_start3A_436 : memref<1x40x128xf32, #tpu.memory_space<vmem>> -> memref<40x128xf32, #tpu.memory_space<vmem>>
      %dma_start3A_438 = arith.constant 0 : i32
      %dma_start3A_439 = tpu.memref_slice %arg12[%multiple_of3A_432, %dma_start3A_438] : memref<10000x128xf32, #tpu.memory_space<vmem_shared>> -> memref<40x128xf32, #tpu.memory_space<vmem_shared>>
      %dma_start3A_440 = arith.constant 0 : i32
      %dma_start3A_441 = tpu.memref_slice %arg12[%multiple_of3A_432, %dma_start3A_440] : memref<10000x128xf32, #tpu.memory_space<vmem_shared>> -> memref<40x128xf32, #tpu.memory_space<vmem_shared>>
      %dma_start3A_442 = arith.constant 0 : i32
      %dma_start3A_443 = arith.constant 0 : i32
      %dma_start3A_444 = tpu.memref_slice %arg11[%dma_start3A_433, %dma_start3A_442, %dma_start3A_443] : memref<2x40x128xf32, #tpu.memory_space<vmem>> -> memref<1x40x128xf32, #tpu.memory_space<vmem>>
      %dma_start3A_445 = tpu.memref_squeeze %dma_start3A_444 : memref<1x40x128xf32, #tpu.memory_space<vmem>> -> memref<40x128xf32, #tpu.memory_space<vmem>>
      tpu.enqueue_dma source(%dma_start3A_445 : memref<40x128xf32, #tpu.memory_space<vmem>>) target(%dma_start3A_441 : memref<40x128xf32, #tpu.memory_space<vmem_shared>>) target_semaphore(%arg20 : memref<!tpu.dma_semaphore, #tpu.memory_space<semaphore_mem>>)
    } else {
    }
    %add3A_165 = arith.constant 48 : i32
    %add3A_166 = arith.addi %add3A_165, %arg1 : i32
    %lt3A_167 = arith.constant 250 : i32
    %lt3A_168 = arith.cmpi slt, %add3A_166, %lt3A_167 : i32
    %convert_element_type3A_169 = arith.extui %lt3A_168 : i1 to i32
    %cond3A_170 = arith.constant 0 : i32
    %cond3A_171 = arith.cmpi ne, %convert_element_type3A_169, %cond3A_170 : i32
    scf.if %cond3A_171 {
      %mul3A_430 = arith.constant 40 : i32
      %mul3A_431 = arith.muli %add3A_166, %mul3A_430 : i32
      %multiple_of3A_432 = tpu.assume_multiple %mul3A_431, 8 : i32
      %dma_start3A_433 = arith.constant 0 : i32
      %dma_start3A_434 = arith.constant 0 : i32
      %dma_start3A_435 = arith.constant 0 : i32
      %dma_start3A_436 = tpu.memref_slice %arg11[%dma_start3A_433, %dma_start3A_434, %dma_start3A_435] : memref<2x40x128xf32, #tpu.memory_space<vmem>> -> memref<1x40x128xf32, #tpu.memory_space<vmem>>
      %dma_start3A_437 = tpu.memref_squeeze %dma_start3A_436 : memref<1x40x128xf32, #tpu.memory_space<vmem>> -> memref<40x128xf32, #tpu.memory_space<vmem>>
      %dma_start3A_438 = arith.constant 0 : i32
      %dma_start3A_439 = tpu.memref_slice %arg12[%multiple_of3A_432, %dma_start3A_438] : memref<10000x128xf32, #tpu.memory_space<vmem_shared>> -> memref<40x128xf32, #tpu.memory_space<vmem_shared>>
      %dma_start3A_440 = arith.constant 0 : i32
      %dma_start3A_441 = tpu.memref_slice %arg12[%multiple_of3A_432, %dma_start3A_440] : memref<10000x128xf32, #tpu.memory_space<vmem_shared>> -> memref<40x128xf32, #tpu.memory_space<vmem_shared>>
      %dma_start3A_442 = arith.constant 0 : i32
      %dma_start3A_443 = arith.constant 0 : i32
      %dma_start3A_444 = tpu.memref_slice %arg11[%dma_start3A_433, %dma_start3A_442, %dma_start3A_443] : memref<2x40x128xf32, #tpu.memory_space<vmem>> -> memref<1x40x128xf32, #tpu.memory_space<vmem>>
      %dma_start3A_445 = tpu.memref_squeeze %dma_start3A_444 : memref<1x40x128xf32, #tpu.memory_space<vmem>> -> memref<40x128xf32, #tpu.memory_space<vmem>>
      tpu.enqueue_dma source(%dma_start3A_445 : memref<40x128xf32, #tpu.memory_space<vmem>>) target(%dma_start3A_441 : memref<40x128xf32, #tpu.memory_space<vmem_shared>>) target_semaphore(%arg20 : memref<!tpu.dma_semaphore, #tpu.memory_space<semaphore_mem>>)
    } else {
    }
    %add3A_172 = arith.constant 64 : i32
    %add3A_173 = arith.addi %add3A_172, %arg1 : i32
    %lt3A_174 = arith.constant 250 : i32
    %lt3A_175 = arith.cmpi slt, %add3A_173, %lt3A_174 : i32
    %convert_element_type3A_176 = arith.extui %lt3A_175 : i1 to i32
    %cond3A_177 = arith.constant 0 : i32
    %cond3A_178 = arith.cmpi ne, %convert_element_type3A_176, %cond3A_177 : i32
    scf.if %cond3A_178 {
      %mul3A_430 = arith.constant 40 : i32
      %mul3A_431 = arith.muli %add3A_173, %mul3A_430 : i32
      %multiple_of3A_432 = tpu.assume_multiple %mul3A_431, 8 : i32
      %dma_start3A_433 = arith.constant 0 : i32
      %dma_start3A_434 = arith.constant 0 : i32
      %dma_start3A_435 = arith.constant 0 : i32
      %dma_start3A_436 = tpu.memref_slice %arg11[%dma_start3A_433, %dma_start3A_434, %dma_start3A_435] : memref<2x40x128xf32, #tpu.memory_space<vmem>> -> memref<1x40x128xf32, #tpu.memory_space<vmem>>
      %dma_start3A_437 = tpu.memref_squeeze %dma_start3A_436 : memref<1x40x128xf32, #tpu.memory_space<vmem>> -> memref<40x128xf32, #tpu.memory_space<vmem>>
      %dma_start3A_438 = arith.constant 0 : i32
      %dma_start3A_439 = tpu.memref_slice %arg12[%multiple_of3A_432, %dma_start3A_438] : memref<10000x128xf32, #tpu.memory_space<vmem_shared>> -> memref<40x128xf32, #tpu.memory_space<vmem_shared>>
      %dma_start3A_440 = arith.constant 0 : i32
      %dma_start3A_441 = tpu.memref_slice %arg12[%multiple_of3A_432, %dma_start3A_440] : memref<10000x128xf32, #tpu.memory_space<vmem_shared>> -> memref<40x128xf32, #tpu.memory_space<vmem_shared>>
      %dma_start3A_442 = arith.constant 0 : i32
      %dma_start3A_443 = arith.constant 0 : i32
      %dma_start3A_444 = tpu.memref_slice %arg11[%dma_start3A_433, %dma_start3A_442, %dma_start3A_443] : memref<2x40x128xf32, #tpu.memory_space<vmem>> -> memref<1x40x128xf32, #tpu.memory_space<vmem>>
      %dma_start3A_445 = tpu.memref_squeeze %dma_start3A_444 : memref<1x40x128xf32, #tpu.memory_space<vmem>> -> memref<40x128xf32, #tpu.memory_space<vmem>>
      tpu.enqueue_dma source(%dma_start3A_445 : memref<40x128xf32, #tpu.memory_space<vmem>>) target(%dma_start3A_441 : memref<40x128xf32, #tpu.memory_space<vmem_shared>>) target_semaphore(%arg20 : memref<!tpu.dma_semaphore, #tpu.memory_space<semaphore_mem>>)
    } else {
    }
    %add3A_179 = arith.constant 80 : i32
    %add3A_180 = arith.addi %add3A_179, %arg1 : i32
    %lt3A_181 = arith.constant 250 : i32
    %lt3A_182 = arith.cmpi slt, %add3A_180, %lt3A_181 : i32
    %convert_element_type3A_183 = arith.extui %lt3A_182 : i1 to i32
    %cond3A_184 = arith.constant 0 : i32
    %cond3A_185 = arith.cmpi ne, %convert_element_type3A_183, %cond3A_184 : i32
    scf.if %cond3A_185 {
      %mul3A_430 = arith.constant 40 : i32
      %mul3A_431 = arith.muli %add3A_180, %mul3A_430 : i32
      %multiple_of3A_432 = tpu.assume_multiple %mul3A_431, 8 : i32
      %dma_start3A_433 = arith.constant 0 : i32
      %dma_start3A_434 = arith.constant 0 : i32
      %dma_start3A_435 = arith.constant 0 : i32
      %dma_start3A_436 = tpu.memref_slice %arg11[%dma_start3A_433, %dma_start3A_434, %dma_start3A_435] : memref<2x40x128xf32, #tpu.memory_space<vmem>> -> memref<1x40x128xf32, #tpu.memory_space<vmem>>
      %dma_start3A_437 = tpu.memref_squeeze %dma_start3A_436 : memref<1x40x128xf32, #tpu.memory_space<vmem>> -> memref<40x128xf32, #tpu.memory_space<vmem>>
      %dma_start3A_438 = arith.constant 0 : i32
      %dma_start3A_439 = tpu.memref_slice %arg12[%multiple_of3A_432, %dma_start3A_438] : memref<10000x128xf32, #tpu.memory_space<vmem_shared>> -> memref<40x128xf32, #tpu.memory_space<vmem_shared>>
      %dma_start3A_440 = arith.constant 0 : i32
      %dma_start3A_441 = tpu.memref_slice %arg12[%multiple_of3A_432, %dma_start3A_440] : memref<10000x128xf32, #tpu.memory_space<vmem_shared>> -> memref<40x128xf32, #tpu.memory_space<vmem_shared>>
      %dma_start3A_442 = arith.constant 0 : i32
      %dma_start3A_443 = arith.constant 0 : i32
      %dma_start3A_444 = tpu.memref_slice %arg11[%dma_start3A_433, %dma_start3A_442, %dma_start3A_443] : memref<2x40x128xf32, #tpu.memory_space<vmem>> -> memref<1x40x128xf32, #tpu.memory_space<vmem>>
      %dma_start3A_445 = tpu.memref_squeeze %dma_start3A_444 : memref<1x40x128xf32, #tpu.memory_space<vmem>> -> memref<40x128xf32, #tpu.memory_space<vmem>>
      tpu.enqueue_dma source(%dma_start3A_445 : memref<40x128xf32, #tpu.memory_space<vmem>>) target(%dma_start3A_441 : memref<40x128xf32, #tpu.memory_space<vmem_shared>>) target_semaphore(%arg20 : memref<!tpu.dma_semaphore, #tpu.memory_space<semaphore_mem>>)
    } else {
    }
    %add3A_186 = arith.constant 96 : i32
    %add3A_187 = arith.addi %add3A_186, %arg1 : i32
    %lt3A_188 = arith.constant 250 : i32
    %lt3A_189 = arith.cmpi slt, %add3A_187, %lt3A_188 : i32
    %convert_element_type3A_190 = arith.extui %lt3A_189 : i1 to i32
    %cond3A_191 = arith.constant 0 : i32
    %cond3A_192 = arith.cmpi ne, %convert_element_type3A_190, %cond3A_191 : i32
    scf.if %cond3A_192 {
      %mul3A_430 = arith.constant 40 : i32
      %mul3A_431 = arith.muli %add3A_187, %mul3A_430 : i32
      %multiple_of3A_432 = tpu.assume_multiple %mul3A_431, 8 : i32
      %dma_start3A_433 = arith.constant 0 : i32
      %dma_start3A_434 = arith.constant 0 : i32
      %dma_start3A_435 = arith.constant 0 : i32
      %dma_start3A_436 = tpu.memref_slice %arg11[%dma_start3A_433, %dma_start3A_434, %dma_start3A_435] : memref<2x40x128xf32, #tpu.memory_space<vmem>> -> memref<1x40x128xf32, #tpu.memory_space<vmem>>
      %dma_start3A_437 = tpu.memref_squeeze %dma_start3A_436 : memref<1x40x128xf32, #tpu.memory_space<vmem>> -> memref<40x128xf32, #tpu.memory_space<vmem>>
      %dma_start3A_438 = arith.constant 0 : i32
      %dma_start3A_439 = tpu.memref_slice %arg12[%multiple_of3A_432, %dma_start3A_438] : memref<10000x128xf32, #tpu.memory_space<vmem_shared>> -> memref<40x128xf32, #tpu.memory_space<vmem_shared>>
      %dma_start3A_440 = arith.constant 0 : i32
      %dma_start3A_441 = tpu.memref_slice %arg12[%multiple_of3A_432, %dma_start3A_440] : memref<10000x128xf32, #tpu.memory_space<vmem_shared>> -> memref<40x128xf32, #tpu.memory_space<vmem_shared>>
      %dma_start3A_442 = arith.constant 0 : i32
      %dma_start3A_443 = arith.constant 0 : i32
      %dma_start3A_444 = tpu.memref_slice %arg11[%dma_start3A_433, %dma_start3A_442, %dma_start3A_443] : memref<2x40x128xf32, #tpu.memory_space<vmem>> -> memref<1x40x128xf32, #tpu.memory_space<vmem>>
      %dma_start3A_445 = tpu.memref_squeeze %dma_start3A_444 : memref<1x40x128xf32, #tpu.memory_space<vmem>> -> memref<40x128xf32, #tpu.memory_space<vmem>>
      tpu.enqueue_dma source(%dma_start3A_445 : memref<40x128xf32, #tpu.memory_space<vmem>>) target(%dma_start3A_441 : memref<40x128xf32, #tpu.memory_space<vmem_shared>>) target_semaphore(%arg20 : memref<!tpu.dma_semaphore, #tpu.memory_space<semaphore_mem>>)
    } else {
    }
    %add3A_193 = arith.constant 112 : i32
    %add3A_194 = arith.addi %add3A_193, %arg1 : i32
    %lt3A_195 = arith.constant 250 : i32
    %lt3A_196 = arith.cmpi slt, %add3A_194, %lt3A_195 : i32
    %convert_element_type3A_197 = arith.extui %lt3A_196 : i1 to i32
    %cond3A_198 = arith.constant 0 : i32
    %cond3A_199 = arith.cmpi ne, %convert_element_type3A_197, %cond3A_198 : i32
    scf.if %cond3A_199 {
      %mul3A_430 = arith.constant 40 : i32
      %mul3A_431 = arith.muli %add3A_194, %mul3A_430 : i32
      %multiple_of3A_432 = tpu.assume_multiple %mul3A_431, 8 : i32
      %dma_start3A_433 = arith.constant 0 : i32
      %dma_start3A_434 = arith.constant 0 : i32
      %dma_start3A_435 = arith.constant 0 : i32
      %dma_start3A_436 = tpu.memref_slice %arg11[%dma_start3A_433, %dma_start3A_434, %dma_start3A_435] : memref<2x40x128xf32, #tpu.memory_space<vmem>> -> memref<1x40x128xf32, #tpu.memory_space<vmem>>
      %dma_start3A_437 = tpu.memref_squeeze %dma_start3A_436 : memref<1x40x128xf32, #tpu.memory_space<vmem>> -> memref<40x128xf32, #tpu.memory_space<vmem>>
      %dma_start3A_438 = arith.constant 0 : i32
      %dma_start3A_439 = tpu.memref_slice %arg12[%multiple_of3A_432, %dma_start3A_438] : memref<10000x128xf32, #tpu.memory_space<vmem_shared>> -> memref<40x128xf32, #tpu.memory_space<vmem_shared>>
      %dma_start3A_440 = arith.constant 0 : i32
      %dma_start3A_441 = tpu.memref_slice %arg12[%multiple_of3A_432, %dma_start3A_440] : memref<10000x128xf32, #tpu.memory_space<vmem_shared>> -> memref<40x128xf32, #tpu.memory_space<vmem_shared>>
      %dma_start3A_442 = arith.constant 0 : i32
      %dma_start3A_443 = arith.constant 0 : i32
      %dma_start3A_444 = tpu.memref_slice %arg11[%dma_start3A_433, %dma_start3A_442, %dma_start3A_443] : memref<2x40x128xf32, #tpu.memory_space<vmem>> -> memref<1x40x128xf32, #tpu.memory_space<vmem>>
      %dma_start3A_445 = tpu.memref_squeeze %dma_start3A_444 : memref<1x40x128xf32, #tpu.memory_space<vmem>> -> memref<40x128xf32, #tpu.memory_space<vmem>>
      tpu.enqueue_dma source(%dma_start3A_445 : memref<40x128xf32, #tpu.memory_space<vmem>>) target(%dma_start3A_441 : memref<40x128xf32, #tpu.memory_space<vmem_shared>>) target_semaphore(%arg20 : memref<!tpu.dma_semaphore, #tpu.memory_space<semaphore_mem>>)
    } else {
    }
    %add3A_200 = arith.constant 128 : i32
    %add3A_201 = arith.addi %add3A_200, %arg1 : i32
    %lt3A_202 = arith.constant 250 : i32
    %lt3A_203 = arith.cmpi slt, %add3A_201, %lt3A_202 : i32
    %convert_element_type3A_204 = arith.extui %lt3A_203 : i1 to i32
    %cond3A_205 = arith.constant 0 : i32
    %cond3A_206 = arith.cmpi ne, %convert_element_type3A_204, %cond3A_205 : i32
    scf.if %cond3A_206 {
      %mul3A_430 = arith.constant 40 : i32
      %mul3A_431 = arith.muli %add3A_201, %mul3A_430 : i32
      %multiple_of3A_432 = tpu.assume_multiple %mul3A_431, 8 : i32
      %dma_start3A_433 = arith.constant 0 : i32
      %dma_start3A_434 = arith.constant 0 : i32
      %dma_start3A_435 = arith.constant 0 : i32
      %dma_start3A_436 = tpu.memref_slice %arg11[%dma_start3A_433, %dma_start3A_434, %dma_start3A_435] : memref<2x40x128xf32, #tpu.memory_space<vmem>> -> memref<1x40x128xf32, #tpu.memory_space<vmem>>
      %dma_start3A_437 = tpu.memref_squeeze %dma_start3A_436 : memref<1x40x128xf32, #tpu.memory_space<vmem>> -> memref<40x128xf32, #tpu.memory_space<vmem>>
      %dma_start3A_438 = arith.constant 0 : i32
      %dma_start3A_439 = tpu.memref_slice %arg12[%multiple_of3A_432, %dma_start3A_438] : memref<10000x128xf32, #tpu.memory_space<vmem_shared>> -> memref<40x128xf32, #tpu.memory_space<vmem_shared>>
      %dma_start3A_440 = arith.constant 0 : i32
      %dma_start3A_441 = tpu.memref_slice %arg12[%multiple_of3A_432, %dma_start3A_440] : memref<10000x128xf32, #tpu.memory_space<vmem_shared>> -> memref<40x128xf32, #tpu.memory_space<vmem_shared>>
      %dma_start3A_442 = arith.constant 0 : i32
      %dma_start3A_443 = arith.constant 0 : i32
      %dma_start3A_444 = tpu.memref_slice %arg11[%dma_start3A_433, %dma_start3A_442, %dma_start3A_443] : memref<2x40x128xf32, #tpu.memory_space<vmem>> -> memref<1x40x128xf32, #tpu.memory_space<vmem>>
      %dma_start3A_445 = tpu.memref_squeeze %dma_start3A_444 : memref<1x40x128xf32, #tpu.memory_space<vmem>> -> memref<40x128xf32, #tpu.memory_space<vmem>>
      tpu.enqueue_dma source(%dma_start3A_445 : memref<40x128xf32, #tpu.memory_space<vmem>>) target(%dma_start3A_441 : memref<40x128xf32, #tpu.memory_space<vmem_shared>>) target_semaphore(%arg20 : memref<!tpu.dma_semaphore, #tpu.memory_space<semaphore_mem>>)
    } else {
    }
    %add3A_207 = arith.constant 144 : i32
    %add3A_208 = arith.addi %add3A_207, %arg1 : i32
    %lt3A_209 = arith.constant 250 : i32
    %lt3A_210 = arith.cmpi slt, %add3A_208, %lt3A_209 : i32
    %convert_element_type3A_211 = arith.extui %lt3A_210 : i1 to i32
    %cond3A_212 = arith.constant 0 : i32
    %cond3A_213 = arith.cmpi ne, %convert_element_type3A_211, %cond3A_212 : i32
    scf.if %cond3A_213 {
      %mul3A_430 = arith.constant 40 : i32
      %mul3A_431 = arith.muli %add3A_208, %mul3A_430 : i32
      %multiple_of3A_432 = tpu.assume_multiple %mul3A_431, 8 : i32
      %dma_start3A_433 = arith.constant 0 : i32
      %dma_start3A_434 = arith.constant 0 : i32
      %dma_start3A_435 = arith.constant 0 : i32
      %dma_start3A_436 = tpu.memref_slice %arg11[%dma_start3A_433, %dma_start3A_434, %dma_start3A_435] : memref<2x40x128xf32, #tpu.memory_space<vmem>> -> memref<1x40x128xf32, #tpu.memory_space<vmem>>
      %dma_start3A_437 = tpu.memref_squeeze %dma_start3A_436 : memref<1x40x128xf32, #tpu.memory_space<vmem>> -> memref<40x128xf32, #tpu.memory_space<vmem>>
      %dma_start3A_438 = arith.constant 0 : i32
      %dma_start3A_439 = tpu.memref_slice %arg12[%multiple_of3A_432, %dma_start3A_438] : memref<10000x128xf32, #tpu.memory_space<vmem_shared>> -> memref<40x128xf32, #tpu.memory_space<vmem_shared>>
      %dma_start3A_440 = arith.constant 0 : i32
      %dma_start3A_441 = tpu.memref_slice %arg12[%multiple_of3A_432, %dma_start3A_440] : memref<10000x128xf32, #tpu.memory_space<vmem_shared>> -> memref<40x128xf32, #tpu.memory_space<vmem_shared>>
      %dma_start3A_442 = arith.constant 0 : i32
      %dma_start3A_443 = arith.constant 0 : i32
      %dma_start3A_444 = tpu.memref_slice %arg11[%dma_start3A_433, %dma_start3A_442, %dma_start3A_443] : memref<2x40x128xf32, #tpu.memory_space<vmem>> -> memref<1x40x128xf32, #tpu.memory_space<vmem>>
      %dma_start3A_445 = tpu.memref_squeeze %dma_start3A_444 : memref<1x40x128xf32, #tpu.memory_space<vmem>> -> memref<40x128xf32, #tpu.memory_space<vmem>>
      tpu.enqueue_dma source(%dma_start3A_445 : memref<40x128xf32, #tpu.memory_space<vmem>>) target(%dma_start3A_441 : memref<40x128xf32, #tpu.memory_space<vmem_shared>>) target_semaphore(%arg20 : memref<!tpu.dma_semaphore, #tpu.memory_space<semaphore_mem>>)
    } else {
    }
    %add3A_214 = arith.constant 160 : i32
    %add3A_215 = arith.addi %add3A_214, %arg1 : i32
    %lt3A_216 = arith.constant 250 : i32
    %lt3A_217 = arith.cmpi slt, %add3A_215, %lt3A_216 : i32
    %convert_element_type3A_218 = arith.extui %lt3A_217 : i1 to i32
    %cond3A_219 = arith.constant 0 : i32
    %cond3A_220 = arith.cmpi ne, %convert_element_type3A_218, %cond3A_219 : i32
    scf.if %cond3A_220 {
      %mul3A_430 = arith.constant 40 : i32
      %mul3A_431 = arith.muli %add3A_215, %mul3A_430 : i32
      %multiple_of3A_432 = tpu.assume_multiple %mul3A_431, 8 : i32
      %dma_start3A_433 = arith.constant 0 : i32
      %dma_start3A_434 = arith.constant 0 : i32
      %dma_start3A_435 = arith.constant 0 : i32
      %dma_start3A_436 = tpu.memref_slice %arg11[%dma_start3A_433, %dma_start3A_434, %dma_start3A_435] : memref<2x40x128xf32, #tpu.memory_space<vmem>> -> memref<1x40x128xf32, #tpu.memory_space<vmem>>
      %dma_start3A_437 = tpu.memref_squeeze %dma_start3A_436 : memref<1x40x128xf32, #tpu.memory_space<vmem>> -> memref<40x128xf32, #tpu.memory_space<vmem>>
      %dma_start3A_438 = arith.constant 0 : i32
      %dma_start3A_439 = tpu.memref_slice %arg12[%multiple_of3A_432, %dma_start3A_438] : memref<10000x128xf32, #tpu.memory_space<vmem_shared>> -> memref<40x128xf32, #tpu.memory_space<vmem_shared>>
      %dma_start3A_440 = arith.constant 0 : i32
      %dma_start3A_441 = tpu.memref_slice %arg12[%multiple_of3A_432, %dma_start3A_440] : memref<10000x128xf32, #tpu.memory_space<vmem_shared>> -> memref<40x128xf32, #tpu.memory_space<vmem_shared>>
      %dma_start3A_442 = arith.constant 0 : i32
      %dma_start3A_443 = arith.constant 0 : i32
      %dma_start3A_444 = tpu.memref_slice %arg11[%dma_start3A_433, %dma_start3A_442, %dma_start3A_443] : memref<2x40x128xf32, #tpu.memory_space<vmem>> -> memref<1x40x128xf32, #tpu.memory_space<vmem>>
      %dma_start3A_445 = tpu.memref_squeeze %dma_start3A_444 : memref<1x40x128xf32, #tpu.memory_space<vmem>> -> memref<40x128xf32, #tpu.memory_space<vmem>>
      tpu.enqueue_dma source(%dma_start3A_445 : memref<40x128xf32, #tpu.memory_space<vmem>>) target(%dma_start3A_441 : memref<40x128xf32, #tpu.memory_space<vmem_shared>>) target_semaphore(%arg20 : memref<!tpu.dma_semaphore, #tpu.memory_space<semaphore_mem>>)
    } else {
    }
    %add3A_221 = arith.constant 176 : i32
    %add3A_222 = arith.addi %add3A_221, %arg1 : i32
    %lt3A_223 = arith.constant 250 : i32
    %lt3A_224 = arith.cmpi slt, %add3A_222, %lt3A_223 : i32
    %convert_element_type3A_225 = arith.extui %lt3A_224 : i1 to i32
    %cond3A_226 = arith.constant 0 : i32
    %cond3A_227 = arith.cmpi ne, %convert_element_type3A_225, %cond3A_226 : i32
    scf.if %cond3A_227 {
      %mul3A_430 = arith.constant 40 : i32
      %mul3A_431 = arith.muli %add3A_222, %mul3A_430 : i32
      %multiple_of3A_432 = tpu.assume_multiple %mul3A_431, 8 : i32
      %dma_start3A_433 = arith.constant 0 : i32
      %dma_start3A_434 = arith.constant 0 : i32
      %dma_start3A_435 = arith.constant 0 : i32
      %dma_start3A_436 = tpu.memref_slice %arg11[%dma_start3A_433, %dma_start3A_434, %dma_start3A_435] : memref<2x40x128xf32, #tpu.memory_space<vmem>> -> memref<1x40x128xf32, #tpu.memory_space<vmem>>
      %dma_start3A_437 = tpu.memref_squeeze %dma_start3A_436 : memref<1x40x128xf32, #tpu.memory_space<vmem>> -> memref<40x128xf32, #tpu.memory_space<vmem>>
      %dma_start3A_438 = arith.constant 0 : i32
      %dma_start3A_439 = tpu.memref_slice %arg12[%multiple_of3A_432, %dma_start3A_438] : memref<10000x128xf32, #tpu.memory_space<vmem_shared>> -> memref<40x128xf32, #tpu.memory_space<vmem_shared>>
      %dma_start3A_440 = arith.constant 0 : i32
      %dma_start3A_441 = tpu.memref_slice %arg12[%multiple_of3A_432, %dma_start3A_440] : memref<10000x128xf32, #tpu.memory_space<vmem_shared>> -> memref<40x128xf32, #tpu.memory_space<vmem_shared>>
      %dma_start3A_442 = arith.constant 0 : i32
      %dma_start3A_443 = arith.constant 0 : i32
      %dma_start3A_444 = tpu.memref_slice %arg11[%dma_start3A_433, %dma_start3A_442, %dma_start3A_443] : memref<2x40x128xf32, #tpu.memory_space<vmem>> -> memref<1x40x128xf32, #tpu.memory_space<vmem>>
      %dma_start3A_445 = tpu.memref_squeeze %dma_start3A_444 : memref<1x40x128xf32, #tpu.memory_space<vmem>> -> memref<40x128xf32, #tpu.memory_space<vmem>>
      tpu.enqueue_dma source(%dma_start3A_445 : memref<40x128xf32, #tpu.memory_space<vmem>>) target(%dma_start3A_441 : memref<40x128xf32, #tpu.memory_space<vmem_shared>>) target_semaphore(%arg20 : memref<!tpu.dma_semaphore, #tpu.memory_space<semaphore_mem>>)
    } else {
    }
    %add3A_228 = arith.constant 192 : i32
    %add3A_229 = arith.addi %add3A_228, %arg1 : i32
    %lt3A_230 = arith.constant 250 : i32
    %lt3A_231 = arith.cmpi slt, %add3A_229, %lt3A_230 : i32
    %convert_element_type3A_232 = arith.extui %lt3A_231 : i1 to i32
    %cond3A_233 = arith.constant 0 : i32
    %cond3A_234 = arith.cmpi ne, %convert_element_type3A_232, %cond3A_233 : i32
    scf.if %cond3A_234 {
      %mul3A_430 = arith.constant 40 : i32
      %mul3A_431 = arith.muli %add3A_229, %mul3A_430 : i32
      %multiple_of3A_432 = tpu.assume_multiple %mul3A_431, 8 : i32
      %dma_start3A_433 = arith.constant 0 : i32
      %dma_start3A_434 = arith.constant 0 : i32
      %dma_start3A_435 = arith.constant 0 : i32
      %dma_start3A_436 = tpu.memref_slice %arg11[%dma_start3A_433, %dma_start3A_434, %dma_start3A_435] : memref<2x40x128xf32, #tpu.memory_space<vmem>> -> memref<1x40x128xf32, #tpu.memory_space<vmem>>
      %dma_start3A_437 = tpu.memref_squeeze %dma_start3A_436 : memref<1x40x128xf32, #tpu.memory_space<vmem>> -> memref<40x128xf32, #tpu.memory_space<vmem>>
      %dma_start3A_438 = arith.constant 0 : i32
      %dma_start3A_439 = tpu.memref_slice %arg12[%multiple_of3A_432, %dma_start3A_438] : memref<10000x128xf32, #tpu.memory_space<vmem_shared>> -> memref<40x128xf32, #tpu.memory_space<vmem_shared>>
      %dma_start3A_440 = arith.constant 0 : i32
      %dma_start3A_441 = tpu.memref_slice %arg12[%multiple_of3A_432, %dma_start3A_440] : memref<10000x128xf32, #tpu.memory_space<vmem_shared>> -> memref<40x128xf32, #tpu.memory_space<vmem_shared>>
      %dma_start3A_442 = arith.constant 0 : i32
      %dma_start3A_443 = arith.constant 0 : i32
      %dma_start3A_444 = tpu.memref_slice %arg11[%dma_start3A_433, %dma_start3A_442, %dma_start3A_443] : memref<2x40x128xf32, #tpu.memory_space<vmem>> -> memref<1x40x128xf32, #tpu.memory_space<vmem>>
      %dma_start3A_445 = tpu.memref_squeeze %dma_start3A_444 : memref<1x40x128xf32, #tpu.memory_space<vmem>> -> memref<40x128xf32, #tpu.memory_space<vmem>>
      tpu.enqueue_dma source(%dma_start3A_445 : memref<40x128xf32, #tpu.memory_space<vmem>>) target(%dma_start3A_441 : memref<40x128xf32, #tpu.memory_space<vmem_shared>>) target_semaphore(%arg20 : memref<!tpu.dma_semaphore, #tpu.memory_space<semaphore_mem>>)
    } else {
    }
    %add3A_235 = arith.constant 208 : i32
    %add3A_236 = arith.addi %add3A_235, %arg1 : i32
    %lt3A_237 = arith.constant 250 : i32
    %lt3A_238 = arith.cmpi slt, %add3A_236, %lt3A_237 : i32
    %convert_element_type3A_239 = arith.extui %lt3A_238 : i1 to i32
    %cond3A_240 = arith.constant 0 : i32
    %cond3A_241 = arith.cmpi ne, %convert_element_type3A_239, %cond3A_240 : i32
    scf.if %cond3A_241 {
      %mul3A_430 = arith.constant 40 : i32
      %mul3A_431 = arith.muli %add3A_236, %mul3A_430 : i32
      %multiple_of3A_432 = tpu.assume_multiple %mul3A_431, 8 : i32
      %dma_start3A_433 = arith.constant 0 : i32
      %dma_start3A_434 = arith.constant 0 : i32
      %dma_start3A_435 = arith.constant 0 : i32
      %dma_start3A_436 = tpu.memref_slice %arg11[%dma_start3A_433, %dma_start3A_434, %dma_start3A_435] : memref<2x40x128xf32, #tpu.memory_space<vmem>> -> memref<1x40x128xf32, #tpu.memory_space<vmem>>
      %dma_start3A_437 = tpu.memref_squeeze %dma_start3A_436 : memref<1x40x128xf32, #tpu.memory_space<vmem>> -> memref<40x128xf32, #tpu.memory_space<vmem>>
      %dma_start3A_438 = arith.constant 0 : i32
      %dma_start3A_439 = tpu.memref_slice %arg12[%multiple_of3A_432, %dma_start3A_438] : memref<10000x128xf32, #tpu.memory_space<vmem_shared>> -> memref<40x128xf32, #tpu.memory_space<vmem_shared>>
      %dma_start3A_440 = arith.constant 0 : i32
      %dma_start3A_441 = tpu.memref_slice %arg12[%multiple_of3A_432, %dma_start3A_440] : memref<10000x128xf32, #tpu.memory_space<vmem_shared>> -> memref<40x128xf32, #tpu.memory_space<vmem_shared>>
      %dma_start3A_442 = arith.constant 0 : i32
      %dma_start3A_443 = arith.constant 0 : i32
      %dma_start3A_444 = tpu.memref_slice %arg11[%dma_start3A_433, %dma_start3A_442, %dma_start3A_443] : memref<2x40x128xf32, #tpu.memory_space<vmem>> -> memref<1x40x128xf32, #tpu.memory_space<vmem>>
      %dma_start3A_445 = tpu.memref_squeeze %dma_start3A_444 : memref<1x40x128xf32, #tpu.memory_space<vmem>> -> memref<40x128xf32, #tpu.memory_space<vmem>>
      tpu.enqueue_dma source(%dma_start3A_445 : memref<40x128xf32, #tpu.memory_space<vmem>>) target(%dma_start3A_441 : memref<40x128xf32, #tpu.memory_space<vmem_shared>>) target_semaphore(%arg20 : memref<!tpu.dma_semaphore, #tpu.memory_space<semaphore_mem>>)
    } else {
    }
    %add3A_242 = arith.constant 224 : i32
    %add3A_243 = arith.addi %add3A_242, %arg1 : i32
    %lt3A_244 = arith.constant 250 : i32
    %lt3A_245 = arith.cmpi slt, %add3A_243, %lt3A_244 : i32
    %convert_element_type3A_246 = arith.extui %lt3A_245 : i1 to i32
    %cond3A_247 = arith.constant 0 : i32
    %cond3A_248 = arith.cmpi ne, %convert_element_type3A_246, %cond3A_247 : i32
    scf.if %cond3A_248 {
      %mul3A_430 = arith.constant 40 : i32
      %mul3A_431 = arith.muli %add3A_243, %mul3A_430 : i32
      %multiple_of3A_432 = tpu.assume_multiple %mul3A_431, 8 : i32
      %dma_start3A_433 = arith.constant 0 : i32
      %dma_start3A_434 = arith.constant 0 : i32
      %dma_start3A_435 = arith.constant 0 : i32
      %dma_start3A_436 = tpu.memref_slice %arg11[%dma_start3A_433, %dma_start3A_434, %dma_start3A_435] : memref<2x40x128xf32, #tpu.memory_space<vmem>> -> memref<1x40x128xf32, #tpu.memory_space<vmem>>
      %dma_start3A_437 = tpu.memref_squeeze %dma_start3A_436 : memref<1x40x128xf32, #tpu.memory_space<vmem>> -> memref<40x128xf32, #tpu.memory_space<vmem>>
      %dma_start3A_438 = arith.constant 0 : i32
      %dma_start3A_439 = tpu.memref_slice %arg12[%multiple_of3A_432, %dma_start3A_438] : memref<10000x128xf32, #tpu.memory_space<vmem_shared>> -> memref<40x128xf32, #tpu.memory_space<vmem_shared>>
      %dma_start3A_440 = arith.constant 0 : i32
      %dma_start3A_441 = tpu.memref_slice %arg12[%multiple_of3A_432, %dma_start3A_440] : memref<10000x128xf32, #tpu.memory_space<vmem_shared>> -> memref<40x128xf32, #tpu.memory_space<vmem_shared>>
      %dma_start3A_442 = arith.constant 0 : i32
      %dma_start3A_443 = arith.constant 0 : i32
      %dma_start3A_444 = tpu.memref_slice %arg11[%dma_start3A_433, %dma_start3A_442, %dma_start3A_443] : memref<2x40x128xf32, #tpu.memory_space<vmem>> -> memref<1x40x128xf32, #tpu.memory_space<vmem>>
      %dma_start3A_445 = tpu.memref_squeeze %dma_start3A_444 : memref<1x40x128xf32, #tpu.memory_space<vmem>> -> memref<40x128xf32, #tpu.memory_space<vmem>>
      tpu.enqueue_dma source(%dma_start3A_445 : memref<40x128xf32, #tpu.memory_space<vmem>>) target(%dma_start3A_441 : memref<40x128xf32, #tpu.memory_space<vmem_shared>>) target_semaphore(%arg20 : memref<!tpu.dma_semaphore, #tpu.memory_space<semaphore_mem>>)
    } else {
    }
    %add3A_249 = arith.constant 240 : i32
    %add3A_250 = arith.addi %add3A_249, %arg1 : i32
    %lt3A_251 = arith.constant 250 : i32
    %lt3A_252 = arith.cmpi slt, %add3A_250, %lt3A_251 : i32
    %convert_element_type3A_253 = arith.extui %lt3A_252 : i1 to i32
    %cond3A_254 = arith.constant 0 : i32
    %cond3A_255 = arith.cmpi ne, %convert_element_type3A_253, %cond3A_254 : i32
    scf.if %cond3A_255 {
      %mul3A_430 = arith.constant 40 : i32
      %mul3A_431 = arith.muli %add3A_250, %mul3A_430 : i32
      %multiple_of3A_432 = tpu.assume_multiple %mul3A_431, 8 : i32
      %dma_start3A_433 = arith.constant 0 : i32
      %dma_start3A_434 = arith.constant 0 : i32
      %dma_start3A_435 = arith.constant 0 : i32
      %dma_start3A_436 = tpu.memref_slice %arg11[%dma_start3A_433, %dma_start3A_434, %dma_start3A_435] : memref<2x40x128xf32, #tpu.memory_space<vmem>> -> memref<1x40x128xf32, #tpu.memory_space<vmem>>
      %dma_start3A_437 = tpu.memref_squeeze %dma_start3A_436 : memref<1x40x128xf32, #tpu.memory_space<vmem>> -> memref<40x128xf32, #tpu.memory_space<vmem>>
      %dma_start3A_438 = arith.constant 0 : i32
      %dma_start3A_439 = tpu.memref_slice %arg12[%multiple_of3A_432, %dma_start3A_438] : memref<10000x128xf32, #tpu.memory_space<vmem_shared>> -> memref<40x128xf32, #tpu.memory_space<vmem_shared>>
      %dma_start3A_440 = arith.constant 0 : i32
      %dma_start3A_441 = tpu.memref_slice %arg12[%multiple_of3A_432, %dma_start3A_440] : memref<10000x128xf32, #tpu.memory_space<vmem_shared>> -> memref<40x128xf32, #tpu.memory_space<vmem_shared>>
      %dma_start3A_442 = arith.constant 0 : i32
      %dma_start3A_443 = arith.constant 0 : i32
      %dma_start3A_444 = tpu.memref_slice %arg11[%dma_start3A_433, %dma_start3A_442, %dma_start3A_443] : memref<2x40x128xf32, #tpu.memory_space<vmem>> -> memref<1x40x128xf32, #tpu.memory_space<vmem>>
      %dma_start3A_445 = tpu.memref_squeeze %dma_start3A_444 : memref<1x40x128xf32, #tpu.memory_space<vmem>> -> memref<40x128xf32, #tpu.memory_space<vmem>>
      tpu.enqueue_dma source(%dma_start3A_445 : memref<40x128xf32, #tpu.memory_space<vmem>>) target(%dma_start3A_441 : memref<40x128xf32, #tpu.memory_space<vmem_shared>>) target_semaphore(%arg20 : memref<!tpu.dma_semaphore, #tpu.memory_space<semaphore_mem>>)
    } else {
    }
    %add3A_256 = arith.constant 0 : i32
    %add3A_257 = arith.addi %add3A_256, %arg1 : i32
    %lt3A_258 = arith.constant 250 : i32
    %lt3A_259 = arith.cmpi slt, %add3A_257, %lt3A_258 : i32
    %convert_element_type3A_260 = arith.extui %lt3A_259 : i1 to i32
    %cond3A_261 = arith.constant 0 : i32
    %cond3A_262 = arith.cmpi ne, %convert_element_type3A_260, %cond3A_261 : i32
    scf.if %cond3A_262 {
      %dma_wait3A_430 = arith.constant 0 : i32
      %dma_wait3A_431 = arith.constant 0 : i32
      %dma_wait3A_432 = arith.constant 0 : i32
      %dma_wait3A_433 = tpu.memref_slice %arg11[%dma_wait3A_430, %dma_wait3A_431, %dma_wait3A_432] : memref<2x40x128xf32, #tpu.memory_space<vmem>> -> memref<1x40x128xf32, #tpu.memory_space<vmem>>
      %dma_wait3A_434 = tpu.memref_squeeze %dma_wait3A_433 : memref<1x40x128xf32, #tpu.memory_space<vmem>> -> memref<40x128xf32, #tpu.memory_space<vmem>>
      %dma_wait3A_435 = arith.constant 0 : i32
      %dma_wait3A_436 = arith.constant 0 : i32
      %dma_wait3A_437 = tpu.memref_slice %arg12[%dma_wait3A_435, %dma_wait3A_436] : memref<10000x128xf32, #tpu.memory_space<vmem_shared>> -> memref<40x128xf32, #tpu.memory_space<vmem_shared>>
      %dma_wait3A_438 = arith.constant 0 : i32
      %dma_wait3A_439 = arith.constant 0 : i32
      %dma_wait3A_440 = tpu.memref_slice %arg12[%dma_wait3A_438, %dma_wait3A_439] : memref<10000x128xf32, #tpu.memory_space<vmem_shared>> -> memref<40x128xf32, #tpu.memory_space<vmem_shared>>
      %dma_wait3A_441 = arith.constant 0 : i32
      %dma_wait3A_442 = arith.constant 0 : i32
      %dma_wait3A_443 = tpu.memref_slice %arg11[%dma_wait3A_430, %dma_wait3A_441, %dma_wait3A_442] : memref<2x40x128xf32, #tpu.memory_space<vmem>> -> memref<1x40x128xf32, #tpu.memory_space<vmem>>
      %dma_wait3A_444 = tpu.memref_squeeze %dma_wait3A_443 : memref<1x40x128xf32, #tpu.memory_space<vmem>> -> memref<40x128xf32, #tpu.memory_space<vmem>>
      tpu.wait_dma2 semaphore(%arg20 : memref<!tpu.dma_semaphore, #tpu.memory_space<semaphore_mem>>) src(%dma_wait3A_444 : memref<40x128xf32, #tpu.memory_space<vmem>>) dst(%dma_wait3A_440 : memref<40x128xf32, #tpu.memory_space<vmem_shared>>)
    } else {
    }
    %add3A_263 = arith.constant 16 : i32
    %add3A_264 = arith.addi %add3A_263, %arg1 : i32
    %lt3A_265 = arith.constant 250 : i32
    %lt3A_266 = arith.cmpi slt, %add3A_264, %lt3A_265 : i32
    %convert_element_type3A_267 = arith.extui %lt3A_266 : i1 to i32
    %cond3A_268 = arith.constant 0 : i32
    %cond3A_269 = arith.cmpi ne, %convert_element_type3A_267, %cond3A_268 : i32
    scf.if %cond3A_269 {
      %dma_wait3A_430 = arith.constant 0 : i32
      %dma_wait3A_431 = arith.constant 0 : i32
      %dma_wait3A_432 = arith.constant 0 : i32
      %dma_wait3A_433 = tpu.memref_slice %arg11[%dma_wait3A_430, %dma_wait3A_431, %dma_wait3A_432] : memref<2x40x128xf32, #tpu.memory_space<vmem>> -> memref<1x40x128xf32, #tpu.memory_space<vmem>>
      %dma_wait3A_434 = tpu.memref_squeeze %dma_wait3A_433 : memref<1x40x128xf32, #tpu.memory_space<vmem>> -> memref<40x128xf32, #tpu.memory_space<vmem>>
      %dma_wait3A_435 = arith.constant 0 : i32
      %dma_wait3A_436 = arith.constant 0 : i32
      %dma_wait3A_437 = tpu.memref_slice %arg12[%dma_wait3A_435, %dma_wait3A_436] : memref<10000x128xf32, #tpu.memory_space<vmem_shared>> -> memref<40x128xf32, #tpu.memory_space<vmem_shared>>
      %dma_wait3A_438 = arith.constant 0 : i32
      %dma_wait3A_439 = arith.constant 0 : i32
      %dma_wait3A_440 = tpu.memref_slice %arg12[%dma_wait3A_438, %dma_wait3A_439] : memref<10000x128xf32, #tpu.memory_space<vmem_shared>> -> memref<40x128xf32, #tpu.memory_space<vmem_shared>>
      %dma_wait3A_441 = arith.constant 0 : i32
      %dma_wait3A_442 = arith.constant 0 : i32
      %dma_wait3A_443 = tpu.memref_slice %arg11[%dma_wait3A_430, %dma_wait3A_441, %dma_wait3A_442] : memref<2x40x128xf32, #tpu.memory_space<vmem>> -> memref<1x40x128xf32, #tpu.memory_space<vmem>>
      %dma_wait3A_444 = tpu.memref_squeeze %dma_wait3A_443 : memref<1x40x128xf32, #tpu.memory_space<vmem>> -> memref<40x128xf32, #tpu.memory_space<vmem>>
      tpu.wait_dma2 semaphore(%arg20 : memref<!tpu.dma_semaphore, #tpu.memory_space<semaphore_mem>>) src(%dma_wait3A_444 : memref<40x128xf32, #tpu.memory_space<vmem>>) dst(%dma_wait3A_440 : memref<40x128xf32, #tpu.memory_space<vmem_shared>>)
    } else {
    }
    %add3A_270 = arith.constant 32 : i32
    %add3A_271 = arith.addi %add3A_270, %arg1 : i32
    %lt3A_272 = arith.constant 250 : i32
    %lt3A_273 = arith.cmpi slt, %add3A_271, %lt3A_272 : i32
    %convert_element_type3A_274 = arith.extui %lt3A_273 : i1 to i32
    %cond3A_275 = arith.constant 0 : i32
    %cond3A_276 = arith.cmpi ne, %convert_element_type3A_274, %cond3A_275 : i32
    scf.if %cond3A_276 {
      %dma_wait3A_430 = arith.constant 0 : i32
      %dma_wait3A_431 = arith.constant 0 : i32
      %dma_wait3A_432 = arith.constant 0 : i32
      %dma_wait3A_433 = tpu.memref_slice %arg11[%dma_wait3A_430, %dma_wait3A_431, %dma_wait3A_432] : memref<2x40x128xf32, #tpu.memory_space<vmem>> -> memref<1x40x128xf32, #tpu.memory_space<vmem>>
      %dma_wait3A_434 = tpu.memref_squeeze %dma_wait3A_433 : memref<1x40x128xf32, #tpu.memory_space<vmem>> -> memref<40x128xf32, #tpu.memory_space<vmem>>
      %dma_wait3A_435 = arith.constant 0 : i32
      %dma_wait3A_436 = arith.constant 0 : i32
      %dma_wait3A_437 = tpu.memref_slice %arg12[%dma_wait3A_435, %dma_wait3A_436] : memref<10000x128xf32, #tpu.memory_space<vmem_shared>> -> memref<40x128xf32, #tpu.memory_space<vmem_shared>>
      %dma_wait3A_438 = arith.constant 0 : i32
      %dma_wait3A_439 = arith.constant 0 : i32
      %dma_wait3A_440 = tpu.memref_slice %arg12[%dma_wait3A_438, %dma_wait3A_439] : memref<10000x128xf32, #tpu.memory_space<vmem_shared>> -> memref<40x128xf32, #tpu.memory_space<vmem_shared>>
      %dma_wait3A_441 = arith.constant 0 : i32
      %dma_wait3A_442 = arith.constant 0 : i32
      %dma_wait3A_443 = tpu.memref_slice %arg11[%dma_wait3A_430, %dma_wait3A_441, %dma_wait3A_442] : memref<2x40x128xf32, #tpu.memory_space<vmem>> -> memref<1x40x128xf32, #tpu.memory_space<vmem>>
      %dma_wait3A_444 = tpu.memref_squeeze %dma_wait3A_443 : memref<1x40x128xf32, #tpu.memory_space<vmem>> -> memref<40x128xf32, #tpu.memory_space<vmem>>
      tpu.wait_dma2 semaphore(%arg20 : memref<!tpu.dma_semaphore, #tpu.memory_space<semaphore_mem>>) src(%dma_wait3A_444 : memref<40x128xf32, #tpu.memory_space<vmem>>) dst(%dma_wait3A_440 : memref<40x128xf32, #tpu.memory_space<vmem_shared>>)
    } else {
    }
    %add3A_277 = arith.constant 48 : i32
    %add3A_278 = arith.addi %add3A_277, %arg1 : i32
    %lt3A_279 = arith.constant 250 : i32
    %lt3A_280 = arith.cmpi slt, %add3A_278, %lt3A_279 : i32
    %convert_element_type3A_281 = arith.extui %lt3A_280 : i1 to i32
    %cond3A_282 = arith.constant 0 : i32
    %cond3A_283 = arith.cmpi ne, %convert_element_type3A_281, %cond3A_282 : i32
    scf.if %cond3A_283 {
      %dma_wait3A_430 = arith.constant 0 : i32
      %dma_wait3A_431 = arith.constant 0 : i32
      %dma_wait3A_432 = arith.constant 0 : i32
      %dma_wait3A_433 = tpu.memref_slice %arg11[%dma_wait3A_430, %dma_wait3A_431, %dma_wait3A_432] : memref<2x40x128xf32, #tpu.memory_space<vmem>> -> memref<1x40x128xf32, #tpu.memory_space<vmem>>
      %dma_wait3A_434 = tpu.memref_squeeze %dma_wait3A_433 : memref<1x40x128xf32, #tpu.memory_space<vmem>> -> memref<40x128xf32, #tpu.memory_space<vmem>>
      %dma_wait3A_435 = arith.constant 0 : i32
      %dma_wait3A_436 = arith.constant 0 : i32
      %dma_wait3A_437 = tpu.memref_slice %arg12[%dma_wait3A_435, %dma_wait3A_436] : memref<10000x128xf32, #tpu.memory_space<vmem_shared>> -> memref<40x128xf32, #tpu.memory_space<vmem_shared>>
      %dma_wait3A_438 = arith.constant 0 : i32
      %dma_wait3A_439 = arith.constant 0 : i32
      %dma_wait3A_440 = tpu.memref_slice %arg12[%dma_wait3A_438, %dma_wait3A_439] : memref<10000x128xf32, #tpu.memory_space<vmem_shared>> -> memref<40x128xf32, #tpu.memory_space<vmem_shared>>
      %dma_wait3A_441 = arith.constant 0 : i32
      %dma_wait3A_442 = arith.constant 0 : i32
      %dma_wait3A_443 = tpu.memref_slice %arg11[%dma_wait3A_430, %dma_wait3A_441, %dma_wait3A_442] : memref<2x40x128xf32, #tpu.memory_space<vmem>> -> memref<1x40x128xf32, #tpu.memory_space<vmem>>
      %dma_wait3A_444 = tpu.memref_squeeze %dma_wait3A_443 : memref<1x40x128xf32, #tpu.memory_space<vmem>> -> memref<40x128xf32, #tpu.memory_space<vmem>>
      tpu.wait_dma2 semaphore(%arg20 : memref<!tpu.dma_semaphore, #tpu.memory_space<semaphore_mem>>) src(%dma_wait3A_444 : memref<40x128xf32, #tpu.memory_space<vmem>>) dst(%dma_wait3A_440 : memref<40x128xf32, #tpu.memory_space<vmem_shared>>)
    } else {
    }
    %add3A_284 = arith.constant 64 : i32
    %add3A_285 = arith.addi %add3A_284, %arg1 : i32
    %lt3A_286 = arith.constant 250 : i32
    %lt3A_287 = arith.cmpi slt, %add3A_285, %lt3A_286 : i32
    %convert_element_type3A_288 = arith.extui %lt3A_287 : i1 to i32
    %cond3A_289 = arith.constant 0 : i32
    %cond3A_290 = arith.cmpi ne, %convert_element_type3A_288, %cond3A_289 : i32
    scf.if %cond3A_290 {
      %dma_wait3A_430 = arith.constant 0 : i32
      %dma_wait3A_431 = arith.constant 0 : i32
      %dma_wait3A_432 = arith.constant 0 : i32
      %dma_wait3A_433 = tpu.memref_slice %arg11[%dma_wait3A_430, %dma_wait3A_431, %dma_wait3A_432] : memref<2x40x128xf32, #tpu.memory_space<vmem>> -> memref<1x40x128xf32, #tpu.memory_space<vmem>>
      %dma_wait3A_434 = tpu.memref_squeeze %dma_wait3A_433 : memref<1x40x128xf32, #tpu.memory_space<vmem>> -> memref<40x128xf32, #tpu.memory_space<vmem>>
      %dma_wait3A_435 = arith.constant 0 : i32
      %dma_wait3A_436 = arith.constant 0 : i32
      %dma_wait3A_437 = tpu.memref_slice %arg12[%dma_wait3A_435, %dma_wait3A_436] : memref<10000x128xf32, #tpu.memory_space<vmem_shared>> -> memref<40x128xf32, #tpu.memory_space<vmem_shared>>
      %dma_wait3A_438 = arith.constant 0 : i32
      %dma_wait3A_439 = arith.constant 0 : i32
      %dma_wait3A_440 = tpu.memref_slice %arg12[%dma_wait3A_438, %dma_wait3A_439] : memref<10000x128xf32, #tpu.memory_space<vmem_shared>> -> memref<40x128xf32, #tpu.memory_space<vmem_shared>>
      %dma_wait3A_441 = arith.constant 0 : i32
      %dma_wait3A_442 = arith.constant 0 : i32
      %dma_wait3A_443 = tpu.memref_slice %arg11[%dma_wait3A_430, %dma_wait3A_441, %dma_wait3A_442] : memref<2x40x128xf32, #tpu.memory_space<vmem>> -> memref<1x40x128xf32, #tpu.memory_space<vmem>>
      %dma_wait3A_444 = tpu.memref_squeeze %dma_wait3A_443 : memref<1x40x128xf32, #tpu.memory_space<vmem>> -> memref<40x128xf32, #tpu.memory_space<vmem>>
      tpu.wait_dma2 semaphore(%arg20 : memref<!tpu.dma_semaphore, #tpu.memory_space<semaphore_mem>>) src(%dma_wait3A_444 : memref<40x128xf32, #tpu.memory_space<vmem>>) dst(%dma_wait3A_440 : memref<40x128xf32, #tpu.memory_space<vmem_shared>>)
    } else {
    }
    %add3A_291 = arith.constant 80 : i32
    %add3A_292 = arith.addi %add3A_291, %arg1 : i32
    %lt3A_293 = arith.constant 250 : i32
    %lt3A_294 = arith.cmpi slt, %add3A_292, %lt3A_293 : i32
    %convert_element_type3A_295 = arith.extui %lt3A_294 : i1 to i32
    %cond3A_296 = arith.constant 0 : i32
    %cond3A_297 = arith.cmpi ne, %convert_element_type3A_295, %cond3A_296 : i32
    scf.if %cond3A_297 {
      %dma_wait3A_430 = arith.constant 0 : i32
      %dma_wait3A_431 = arith.constant 0 : i32
      %dma_wait3A_432 = arith.constant 0 : i32
      %dma_wait3A_433 = tpu.memref_slice %arg11[%dma_wait3A_430, %dma_wait3A_431, %dma_wait3A_432] : memref<2x40x128xf32, #tpu.memory_space<vmem>> -> memref<1x40x128xf32, #tpu.memory_space<vmem>>
      %dma_wait3A_434 = tpu.memref_squeeze %dma_wait3A_433 : memref<1x40x128xf32, #tpu.memory_space<vmem>> -> memref<40x128xf32, #tpu.memory_space<vmem>>
      %dma_wait3A_435 = arith.constant 0 : i32
      %dma_wait3A_436 = arith.constant 0 : i32
      %dma_wait3A_437 = tpu.memref_slice %arg12[%dma_wait3A_435, %dma_wait3A_436] : memref<10000x128xf32, #tpu.memory_space<vmem_shared>> -> memref<40x128xf32, #tpu.memory_space<vmem_shared>>
      %dma_wait3A_438 = arith.constant 0 : i32
      %dma_wait3A_439 = arith.constant 0 : i32
      %dma_wait3A_440 = tpu.memref_slice %arg12[%dma_wait3A_438, %dma_wait3A_439] : memref<10000x128xf32, #tpu.memory_space<vmem_shared>> -> memref<40x128xf32, #tpu.memory_space<vmem_shared>>
      %dma_wait3A_441 = arith.constant 0 : i32
      %dma_wait3A_442 = arith.constant 0 : i32
      %dma_wait3A_443 = tpu.memref_slice %arg11[%dma_wait3A_430, %dma_wait3A_441, %dma_wait3A_442] : memref<2x40x128xf32, #tpu.memory_space<vmem>> -> memref<1x40x128xf32, #tpu.memory_space<vmem>>
      %dma_wait3A_444 = tpu.memref_squeeze %dma_wait3A_443 : memref<1x40x128xf32, #tpu.memory_space<vmem>> -> memref<40x128xf32, #tpu.memory_space<vmem>>
      tpu.wait_dma2 semaphore(%arg20 : memref<!tpu.dma_semaphore, #tpu.memory_space<semaphore_mem>>) src(%dma_wait3A_444 : memref<40x128xf32, #tpu.memory_space<vmem>>) dst(%dma_wait3A_440 : memref<40x128xf32, #tpu.memory_space<vmem_shared>>)
    } else {
    }
    %add3A_298 = arith.constant 96 : i32
    %add3A_299 = arith.addi %add3A_298, %arg1 : i32
    %lt3A_300 = arith.constant 250 : i32
    %lt3A_301 = arith.cmpi slt, %add3A_299, %lt3A_300 : i32
    %convert_element_type3A_302 = arith.extui %lt3A_301 : i1 to i32
    %cond3A_303 = arith.constant 0 : i32
    %cond3A_304 = arith.cmpi ne, %convert_element_type3A_302, %cond3A_303 : i32
    scf.if %cond3A_304 {
      %dma_wait3A_430 = arith.constant 0 : i32
      %dma_wait3A_431 = arith.constant 0 : i32
      %dma_wait3A_432 = arith.constant 0 : i32
      %dma_wait3A_433 = tpu.memref_slice %arg11[%dma_wait3A_430, %dma_wait3A_431, %dma_wait3A_432] : memref<2x40x128xf32, #tpu.memory_space<vmem>> -> memref<1x40x128xf32, #tpu.memory_space<vmem>>
      %dma_wait3A_434 = tpu.memref_squeeze %dma_wait3A_433 : memref<1x40x128xf32, #tpu.memory_space<vmem>> -> memref<40x128xf32, #tpu.memory_space<vmem>>
      %dma_wait3A_435 = arith.constant 0 : i32
      %dma_wait3A_436 = arith.constant 0 : i32
      %dma_wait3A_437 = tpu.memref_slice %arg12[%dma_wait3A_435, %dma_wait3A_436] : memref<10000x128xf32, #tpu.memory_space<vmem_shared>> -> memref<40x128xf32, #tpu.memory_space<vmem_shared>>
      %dma_wait3A_438 = arith.constant 0 : i32
      %dma_wait3A_439 = arith.constant 0 : i32
      %dma_wait3A_440 = tpu.memref_slice %arg12[%dma_wait3A_438, %dma_wait3A_439] : memref<10000x128xf32, #tpu.memory_space<vmem_shared>> -> memref<40x128xf32, #tpu.memory_space<vmem_shared>>
      %dma_wait3A_441 = arith.constant 0 : i32
      %dma_wait3A_442 = arith.constant 0 : i32
      %dma_wait3A_443 = tpu.memref_slice %arg11[%dma_wait3A_430, %dma_wait3A_441, %dma_wait3A_442] : memref<2x40x128xf32, #tpu.memory_space<vmem>> -> memref<1x40x128xf32, #tpu.memory_space<vmem>>
      %dma_wait3A_444 = tpu.memref_squeeze %dma_wait3A_443 : memref<1x40x128xf32, #tpu.memory_space<vmem>> -> memref<40x128xf32, #tpu.memory_space<vmem>>
      tpu.wait_dma2 semaphore(%arg20 : memref<!tpu.dma_semaphore, #tpu.memory_space<semaphore_mem>>) src(%dma_wait3A_444 : memref<40x128xf32, #tpu.memory_space<vmem>>) dst(%dma_wait3A_440 : memref<40x128xf32, #tpu.memory_space<vmem_shared>>)
    } else {
    }
    %add3A_305 = arith.constant 112 : i32
    %add3A_306 = arith.addi %add3A_305, %arg1 : i32
    %lt3A_307 = arith.constant 250 : i32
    %lt3A_308 = arith.cmpi slt, %add3A_306, %lt3A_307 : i32
    %convert_element_type3A_309 = arith.extui %lt3A_308 : i1 to i32
    %cond3A_310 = arith.constant 0 : i32
    %cond3A_311 = arith.cmpi ne, %convert_element_type3A_309, %cond3A_310 : i32
    scf.if %cond3A_311 {
      %dma_wait3A_430 = arith.constant 0 : i32
      %dma_wait3A_431 = arith.constant 0 : i32
      %dma_wait3A_432 = arith.constant 0 : i32
      %dma_wait3A_433 = tpu.memref_slice %arg11[%dma_wait3A_430, %dma_wait3A_431, %dma_wait3A_432] : memref<2x40x128xf32, #tpu.memory_space<vmem>> -> memref<1x40x128xf32, #tpu.memory_space<vmem>>
      %dma_wait3A_434 = tpu.memref_squeeze %dma_wait3A_433 : memref<1x40x128xf32, #tpu.memory_space<vmem>> -> memref<40x128xf32, #tpu.memory_space<vmem>>
      %dma_wait3A_435 = arith.constant 0 : i32
      %dma_wait3A_436 = arith.constant 0 : i32
      %dma_wait3A_437 = tpu.memref_slice %arg12[%dma_wait3A_435, %dma_wait3A_436] : memref<10000x128xf32, #tpu.memory_space<vmem_shared>> -> memref<40x128xf32, #tpu.memory_space<vmem_shared>>
      %dma_wait3A_438 = arith.constant 0 : i32
      %dma_wait3A_439 = arith.constant 0 : i32
      %dma_wait3A_440 = tpu.memref_slice %arg12[%dma_wait3A_438, %dma_wait3A_439] : memref<10000x128xf32, #tpu.memory_space<vmem_shared>> -> memref<40x128xf32, #tpu.memory_space<vmem_shared>>
      %dma_wait3A_441 = arith.constant 0 : i32
      %dma_wait3A_442 = arith.constant 0 : i32
      %dma_wait3A_443 = tpu.memref_slice %arg11[%dma_wait3A_430, %dma_wait3A_441, %dma_wait3A_442] : memref<2x40x128xf32, #tpu.memory_space<vmem>> -> memref<1x40x128xf32, #tpu.memory_space<vmem>>
      %dma_wait3A_444 = tpu.memref_squeeze %dma_wait3A_443 : memref<1x40x128xf32, #tpu.memory_space<vmem>> -> memref<40x128xf32, #tpu.memory_space<vmem>>
      tpu.wait_dma2 semaphore(%arg20 : memref<!tpu.dma_semaphore, #tpu.memory_space<semaphore_mem>>) src(%dma_wait3A_444 : memref<40x128xf32, #tpu.memory_space<vmem>>) dst(%dma_wait3A_440 : memref<40x128xf32, #tpu.memory_space<vmem_shared>>)
    } else {
    }
    %add3A_312 = arith.constant 128 : i32
    %add3A_313 = arith.addi %add3A_312, %arg1 : i32
    %lt3A_314 = arith.constant 250 : i32
    %lt3A_315 = arith.cmpi slt, %add3A_313, %lt3A_314 : i32
    %convert_element_type3A_316 = arith.extui %lt3A_315 : i1 to i32
    %cond3A_317 = arith.constant 0 : i32
    %cond3A_318 = arith.cmpi ne, %convert_element_type3A_316, %cond3A_317 : i32
    scf.if %cond3A_318 {
      %dma_wait3A_430 = arith.constant 0 : i32
      %dma_wait3A_431 = arith.constant 0 : i32
      %dma_wait3A_432 = arith.constant 0 : i32
      %dma_wait3A_433 = tpu.memref_slice %arg11[%dma_wait3A_430, %dma_wait3A_431, %dma_wait3A_432] : memref<2x40x128xf32, #tpu.memory_space<vmem>> -> memref<1x40x128xf32, #tpu.memory_space<vmem>>
      %dma_wait3A_434 = tpu.memref_squeeze %dma_wait3A_433 : memref<1x40x128xf32, #tpu.memory_space<vmem>> -> memref<40x128xf32, #tpu.memory_space<vmem>>
      %dma_wait3A_435 = arith.constant 0 : i32
      %dma_wait3A_436 = arith.constant 0 : i32
      %dma_wait3A_437 = tpu.memref_slice %arg12[%dma_wait3A_435, %dma_wait3A_436] : memref<10000x128xf32, #tpu.memory_space<vmem_shared>> -> memref<40x128xf32, #tpu.memory_space<vmem_shared>>
      %dma_wait3A_438 = arith.constant 0 : i32
      %dma_wait3A_439 = arith.constant 0 : i32
      %dma_wait3A_440 = tpu.memref_slice %arg12[%dma_wait3A_438, %dma_wait3A_439] : memref<10000x128xf32, #tpu.memory_space<vmem_shared>> -> memref<40x128xf32, #tpu.memory_space<vmem_shared>>
      %dma_wait3A_441 = arith.constant 0 : i32
      %dma_wait3A_442 = arith.constant 0 : i32
      %dma_wait3A_443 = tpu.memref_slice %arg11[%dma_wait3A_430, %dma_wait3A_441, %dma_wait3A_442] : memref<2x40x128xf32, #tpu.memory_space<vmem>> -> memref<1x40x128xf32, #tpu.memory_space<vmem>>
      %dma_wait3A_444 = tpu.memref_squeeze %dma_wait3A_443 : memref<1x40x128xf32, #tpu.memory_space<vmem>> -> memref<40x128xf32, #tpu.memory_space<vmem>>
      tpu.wait_dma2 semaphore(%arg20 : memref<!tpu.dma_semaphore, #tpu.memory_space<semaphore_mem>>) src(%dma_wait3A_444 : memref<40x128xf32, #tpu.memory_space<vmem>>) dst(%dma_wait3A_440 : memref<40x128xf32, #tpu.memory_space<vmem_shared>>)
    } else {
    }
    %add3A_319 = arith.constant 144 : i32
    %add3A_320 = arith.addi %add3A_319, %arg1 : i32
    %lt3A_321 = arith.constant 250 : i32
    %lt3A_322 = arith.cmpi slt, %add3A_320, %lt3A_321 : i32
    %convert_element_type3A_323 = arith.extui %lt3A_322 : i1 to i32
    %cond3A_324 = arith.constant 0 : i32
    %cond3A_325 = arith.cmpi ne, %convert_element_type3A_323, %cond3A_324 : i32
    scf.if %cond3A_325 {
      %dma_wait3A_430 = arith.constant 0 : i32
      %dma_wait3A_431 = arith.constant 0 : i32
      %dma_wait3A_432 = arith.constant 0 : i32
      %dma_wait3A_433 = tpu.memref_slice %arg11[%dma_wait3A_430, %dma_wait3A_431, %dma_wait3A_432] : memref<2x40x128xf32, #tpu.memory_space<vmem>> -> memref<1x40x128xf32, #tpu.memory_space<vmem>>
      %dma_wait3A_434 = tpu.memref_squeeze %dma_wait3A_433 : memref<1x40x128xf32, #tpu.memory_space<vmem>> -> memref<40x128xf32, #tpu.memory_space<vmem>>
      %dma_wait3A_435 = arith.constant 0 : i32
      %dma_wait3A_436 = arith.constant 0 : i32
      %dma_wait3A_437 = tpu.memref_slice %arg12[%dma_wait3A_435, %dma_wait3A_436] : memref<10000x128xf32, #tpu.memory_space<vmem_shared>> -> memref<40x128xf32, #tpu.memory_space<vmem_shared>>
      %dma_wait3A_438 = arith.constant 0 : i32
      %dma_wait3A_439 = arith.constant 0 : i32
      %dma_wait3A_440 = tpu.memref_slice %arg12[%dma_wait3A_438, %dma_wait3A_439] : memref<10000x128xf32, #tpu.memory_space<vmem_shared>> -> memref<40x128xf32, #tpu.memory_space<vmem_shared>>
      %dma_wait3A_441 = arith.constant 0 : i32
      %dma_wait3A_442 = arith.constant 0 : i32
      %dma_wait3A_443 = tpu.memref_slice %arg11[%dma_wait3A_430, %dma_wait3A_441, %dma_wait3A_442] : memref<2x40x128xf32, #tpu.memory_space<vmem>> -> memref<1x40x128xf32, #tpu.memory_space<vmem>>
      %dma_wait3A_444 = tpu.memref_squeeze %dma_wait3A_443 : memref<1x40x128xf32, #tpu.memory_space<vmem>> -> memref<40x128xf32, #tpu.memory_space<vmem>>
      tpu.wait_dma2 semaphore(%arg20 : memref<!tpu.dma_semaphore, #tpu.memory_space<semaphore_mem>>) src(%dma_wait3A_444 : memref<40x128xf32, #tpu.memory_space<vmem>>) dst(%dma_wait3A_440 : memref<40x128xf32, #tpu.memory_space<vmem_shared>>)
    } else {
    }
    %add3A_326 = arith.constant 160 : i32
    %add3A_327 = arith.addi %add3A_326, %arg1 : i32
    %lt3A_328 = arith.constant 250 : i32
    %lt3A_329 = arith.cmpi slt, %add3A_327, %lt3A_328 : i32
    %convert_element_type3A_330 = arith.extui %lt3A_329 : i1 to i32
    %cond3A_331 = arith.constant 0 : i32
    %cond3A_332 = arith.cmpi ne, %convert_element_type3A_330, %cond3A_331 : i32
    scf.if %cond3A_332 {
      %dma_wait3A_430 = arith.constant 0 : i32
      %dma_wait3A_431 = arith.constant 0 : i32
      %dma_wait3A_432 = arith.constant 0 : i32
      %dma_wait3A_433 = tpu.memref_slice %arg11[%dma_wait3A_430, %dma_wait3A_431, %dma_wait3A_432] : memref<2x40x128xf32, #tpu.memory_space<vmem>> -> memref<1x40x128xf32, #tpu.memory_space<vmem>>
      %dma_wait3A_434 = tpu.memref_squeeze %dma_wait3A_433 : memref<1x40x128xf32, #tpu.memory_space<vmem>> -> memref<40x128xf32, #tpu.memory_space<vmem>>
      %dma_wait3A_435 = arith.constant 0 : i32
      %dma_wait3A_436 = arith.constant 0 : i32
      %dma_wait3A_437 = tpu.memref_slice %arg12[%dma_wait3A_435, %dma_wait3A_436] : memref<10000x128xf32, #tpu.memory_space<vmem_shared>> -> memref<40x128xf32, #tpu.memory_space<vmem_shared>>
      %dma_wait3A_438 = arith.constant 0 : i32
      %dma_wait3A_439 = arith.constant 0 : i32
      %dma_wait3A_440 = tpu.memref_slice %arg12[%dma_wait3A_438, %dma_wait3A_439] : memref<10000x128xf32, #tpu.memory_space<vmem_shared>> -> memref<40x128xf32, #tpu.memory_space<vmem_shared>>
      %dma_wait3A_441 = arith.constant 0 : i32
      %dma_wait3A_442 = arith.constant 0 : i32
      %dma_wait3A_443 = tpu.memref_slice %arg11[%dma_wait3A_430, %dma_wait3A_441, %dma_wait3A_442] : memref<2x40x128xf32, #tpu.memory_space<vmem>> -> memref<1x40x128xf32, #tpu.memory_space<vmem>>
      %dma_wait3A_444 = tpu.memref_squeeze %dma_wait3A_443 : memref<1x40x128xf32, #tpu.memory_space<vmem>> -> memref<40x128xf32, #tpu.memory_space<vmem>>
      tpu.wait_dma2 semaphore(%arg20 : memref<!tpu.dma_semaphore, #tpu.memory_space<semaphore_mem>>) src(%dma_wait3A_444 : memref<40x128xf32, #tpu.memory_space<vmem>>) dst(%dma_wait3A_440 : memref<40x128xf32, #tpu.memory_space<vmem_shared>>)
    } else {
    }
    %add3A_333 = arith.constant 176 : i32
    %add3A_334 = arith.addi %add3A_333, %arg1 : i32
    %lt3A_335 = arith.constant 250 : i32
    %lt3A_336 = arith.cmpi slt, %add3A_334, %lt3A_335 : i32
    %convert_element_type3A_337 = arith.extui %lt3A_336 : i1 to i32
    %cond3A_338 = arith.constant 0 : i32
    %cond3A_339 = arith.cmpi ne, %convert_element_type3A_337, %cond3A_338 : i32
    scf.if %cond3A_339 {
      %dma_wait3A_430 = arith.constant 0 : i32
      %dma_wait3A_431 = arith.constant 0 : i32
      %dma_wait3A_432 = arith.constant 0 : i32
      %dma_wait3A_433 = tpu.memref_slice %arg11[%dma_wait3A_430, %dma_wait3A_431, %dma_wait3A_432] : memref<2x40x128xf32, #tpu.memory_space<vmem>> -> memref<1x40x128xf32, #tpu.memory_space<vmem>>
      %dma_wait3A_434 = tpu.memref_squeeze %dma_wait3A_433 : memref<1x40x128xf32, #tpu.memory_space<vmem>> -> memref<40x128xf32, #tpu.memory_space<vmem>>
      %dma_wait3A_435 = arith.constant 0 : i32
      %dma_wait3A_436 = arith.constant 0 : i32
      %dma_wait3A_437 = tpu.memref_slice %arg12[%dma_wait3A_435, %dma_wait3A_436] : memref<10000x128xf32, #tpu.memory_space<vmem_shared>> -> memref<40x128xf32, #tpu.memory_space<vmem_shared>>
      %dma_wait3A_438 = arith.constant 0 : i32
      %dma_wait3A_439 = arith.constant 0 : i32
      %dma_wait3A_440 = tpu.memref_slice %arg12[%dma_wait3A_438, %dma_wait3A_439] : memref<10000x128xf32, #tpu.memory_space<vmem_shared>> -> memref<40x128xf32, #tpu.memory_space<vmem_shared>>
      %dma_wait3A_441 = arith.constant 0 : i32
      %dma_wait3A_442 = arith.constant 0 : i32
      %dma_wait3A_443 = tpu.memref_slice %arg11[%dma_wait3A_430, %dma_wait3A_441, %dma_wait3A_442] : memref<2x40x128xf32, #tpu.memory_space<vmem>> -> memref<1x40x128xf32, #tpu.memory_space<vmem>>
      %dma_wait3A_444 = tpu.memref_squeeze %dma_wait3A_443 : memref<1x40x128xf32, #tpu.memory_space<vmem>> -> memref<40x128xf32, #tpu.memory_space<vmem>>
      tpu.wait_dma2 semaphore(%arg20 : memref<!tpu.dma_semaphore, #tpu.memory_space<semaphore_mem>>) src(%dma_wait3A_444 : memref<40x128xf32, #tpu.memory_space<vmem>>) dst(%dma_wait3A_440 : memref<40x128xf32, #tpu.memory_space<vmem_shared>>)
    } else {
    }
    %add3A_340 = arith.constant 192 : i32
    %add3A_341 = arith.addi %add3A_340, %arg1 : i32
    %lt3A_342 = arith.constant 250 : i32
    %lt3A_343 = arith.cmpi slt, %add3A_341, %lt3A_342 : i32
    %convert_element_type3A_344 = arith.extui %lt3A_343 : i1 to i32
    %cond3A_345 = arith.constant 0 : i32
    %cond3A_346 = arith.cmpi ne, %convert_element_type3A_344, %cond3A_345 : i32
    scf.if %cond3A_346 {
      %dma_wait3A_430 = arith.constant 0 : i32
      %dma_wait3A_431 = arith.constant 0 : i32
      %dma_wait3A_432 = arith.constant 0 : i32
      %dma_wait3A_433 = tpu.memref_slice %arg11[%dma_wait3A_430, %dma_wait3A_431, %dma_wait3A_432] : memref<2x40x128xf32, #tpu.memory_space<vmem>> -> memref<1x40x128xf32, #tpu.memory_space<vmem>>
      %dma_wait3A_434 = tpu.memref_squeeze %dma_wait3A_433 : memref<1x40x128xf32, #tpu.memory_space<vmem>> -> memref<40x128xf32, #tpu.memory_space<vmem>>
      %dma_wait3A_435 = arith.constant 0 : i32
      %dma_wait3A_436 = arith.constant 0 : i32
      %dma_wait3A_437 = tpu.memref_slice %arg12[%dma_wait3A_435, %dma_wait3A_436] : memref<10000x128xf32, #tpu.memory_space<vmem_shared>> -> memref<40x128xf32, #tpu.memory_space<vmem_shared>>
      %dma_wait3A_438 = arith.constant 0 : i32
      %dma_wait3A_439 = arith.constant 0 : i32
      %dma_wait3A_440 = tpu.memref_slice %arg12[%dma_wait3A_438, %dma_wait3A_439] : memref<10000x128xf32, #tpu.memory_space<vmem_shared>> -> memref<40x128xf32, #tpu.memory_space<vmem_shared>>
      %dma_wait3A_441 = arith.constant 0 : i32
      %dma_wait3A_442 = arith.constant 0 : i32
      %dma_wait3A_443 = tpu.memref_slice %arg11[%dma_wait3A_430, %dma_wait3A_441, %dma_wait3A_442] : memref<2x40x128xf32, #tpu.memory_space<vmem>> -> memref<1x40x128xf32, #tpu.memory_space<vmem>>
      %dma_wait3A_444 = tpu.memref_squeeze %dma_wait3A_443 : memref<1x40x128xf32, #tpu.memory_space<vmem>> -> memref<40x128xf32, #tpu.memory_space<vmem>>
      tpu.wait_dma2 semaphore(%arg20 : memref<!tpu.dma_semaphore, #tpu.memory_space<semaphore_mem>>) src(%dma_wait3A_444 : memref<40x128xf32, #tpu.memory_space<vmem>>) dst(%dma_wait3A_440 : memref<40x128xf32, #tpu.memory_space<vmem_shared>>)
    } else {
    }
    %add3A_347 = arith.constant 208 : i32
    %add3A_348 = arith.addi %add3A_347, %arg1 : i32
    %lt3A_349 = arith.constant 250 : i32
    %lt3A_350 = arith.cmpi slt, %add3A_348, %lt3A_349 : i32
    %convert_element_type3A_351 = arith.extui %lt3A_350 : i1 to i32
    %cond3A_352 = arith.constant 0 : i32
    %cond3A_353 = arith.cmpi ne, %convert_element_type3A_351, %cond3A_352 : i32
    scf.if %cond3A_353 {
      %dma_wait3A_430 = arith.constant 0 : i32
      %dma_wait3A_431 = arith.constant 0 : i32
      %dma_wait3A_432 = arith.constant 0 : i32
      %dma_wait3A_433 = tpu.memref_slice %arg11[%dma_wait3A_430, %dma_wait3A_431, %dma_wait3A_432] : memref<2x40x128xf32, #tpu.memory_space<vmem>> -> memref<1x40x128xf32, #tpu.memory_space<vmem>>
      %dma_wait3A_434 = tpu.memref_squeeze %dma_wait3A_433 : memref<1x40x128xf32, #tpu.memory_space<vmem>> -> memref<40x128xf32, #tpu.memory_space<vmem>>
      %dma_wait3A_435 = arith.constant 0 : i32
      %dma_wait3A_436 = arith.constant 0 : i32
      %dma_wait3A_437 = tpu.memref_slice %arg12[%dma_wait3A_435, %dma_wait3A_436] : memref<10000x128xf32, #tpu.memory_space<vmem_shared>> -> memref<40x128xf32, #tpu.memory_space<vmem_shared>>
      %dma_wait3A_438 = arith.constant 0 : i32
      %dma_wait3A_439 = arith.constant 0 : i32
      %dma_wait3A_440 = tpu.memref_slice %arg12[%dma_wait3A_438, %dma_wait3A_439] : memref<10000x128xf32, #tpu.memory_space<vmem_shared>> -> memref<40x128xf32, #tpu.memory_space<vmem_shared>>
      %dma_wait3A_441 = arith.constant 0 : i32
      %dma_wait3A_442 = arith.constant 0 : i32
      %dma_wait3A_443 = tpu.memref_slice %arg11[%dma_wait3A_430, %dma_wait3A_441, %dma_wait3A_442] : memref<2x40x128xf32, #tpu.memory_space<vmem>> -> memref<1x40x128xf32, #tpu.memory_space<vmem>>
      %dma_wait3A_444 = tpu.memref_squeeze %dma_wait3A_443 : memref<1x40x128xf32, #tpu.memory_space<vmem>> -> memref<40x128xf32, #tpu.memory_space<vmem>>
      tpu.wait_dma2 semaphore(%arg20 : memref<!tpu.dma_semaphore, #tpu.memory_space<semaphore_mem>>) src(%dma_wait3A_444 : memref<40x128xf32, #tpu.memory_space<vmem>>) dst(%dma_wait3A_440 : memref<40x128xf32, #tpu.memory_space<vmem_shared>>)
    } else {
    }
    %add3A_354 = arith.constant 224 : i32
    %add3A_355 = arith.addi %add3A_354, %arg1 : i32
    %lt3A_356 = arith.constant 250 : i32
    %lt3A_357 = arith.cmpi slt, %add3A_355, %lt3A_356 : i32
    %convert_element_type3A_358 = arith.extui %lt3A_357 : i1 to i32
    %cond3A_359 = arith.constant 0 : i32
    %cond3A_360 = arith.cmpi ne, %convert_element_type3A_358, %cond3A_359 : i32
    scf.if %cond3A_360 {
      %dma_wait3A_430 = arith.constant 0 : i32
      %dma_wait3A_431 = arith.constant 0 : i32
      %dma_wait3A_432 = arith.constant 0 : i32
      %dma_wait3A_433 = tpu.memref_slice %arg11[%dma_wait3A_430, %dma_wait3A_431, %dma_wait3A_432] : memref<2x40x128xf32, #tpu.memory_space<vmem>> -> memref<1x40x128xf32, #tpu.memory_space<vmem>>
      %dma_wait3A_434 = tpu.memref_squeeze %dma_wait3A_433 : memref<1x40x128xf32, #tpu.memory_space<vmem>> -> memref<40x128xf32, #tpu.memory_space<vmem>>
      %dma_wait3A_435 = arith.constant 0 : i32
      %dma_wait3A_436 = arith.constant 0 : i32
      %dma_wait3A_437 = tpu.memref_slice %arg12[%dma_wait3A_435, %dma_wait3A_436] : memref<10000x128xf32, #tpu.memory_space<vmem_shared>> -> memref<40x128xf32, #tpu.memory_space<vmem_shared>>
      %dma_wait3A_438 = arith.constant 0 : i32
      %dma_wait3A_439 = arith.constant 0 : i32
      %dma_wait3A_440 = tpu.memref_slice %arg12[%dma_wait3A_438, %dma_wait3A_439] : memref<10000x128xf32, #tpu.memory_space<vmem_shared>> -> memref<40x128xf32, #tpu.memory_space<vmem_shared>>
      %dma_wait3A_441 = arith.constant 0 : i32
      %dma_wait3A_442 = arith.constant 0 : i32
      %dma_wait3A_443 = tpu.memref_slice %arg11[%dma_wait3A_430, %dma_wait3A_441, %dma_wait3A_442] : memref<2x40x128xf32, #tpu.memory_space<vmem>> -> memref<1x40x128xf32, #tpu.memory_space<vmem>>
      %dma_wait3A_444 = tpu.memref_squeeze %dma_wait3A_443 : memref<1x40x128xf32, #tpu.memory_space<vmem>> -> memref<40x128xf32, #tpu.memory_space<vmem>>
      tpu.wait_dma2 semaphore(%arg20 : memref<!tpu.dma_semaphore, #tpu.memory_space<semaphore_mem>>) src(%dma_wait3A_444 : memref<40x128xf32, #tpu.memory_space<vmem>>) dst(%dma_wait3A_440 : memref<40x128xf32, #tpu.memory_space<vmem_shared>>)
    } else {
    }
    %add3A_361 = arith.constant 240 : i32
    %add3A_362 = arith.addi %add3A_361, %arg1 : i32
    %lt3A_363 = arith.constant 250 : i32
    %lt3A_364 = arith.cmpi slt, %add3A_362, %lt3A_363 : i32
    %convert_element_type3A_365 = arith.extui %lt3A_364 : i1 to i32
    %cond3A_366 = arith.constant 0 : i32
    %cond3A_367 = arith.cmpi ne, %convert_element_type3A_365, %cond3A_366 : i32
    scf.if %cond3A_367 {
      %dma_wait3A_430 = arith.constant 0 : i32
      %dma_wait3A_431 = arith.constant 0 : i32
      %dma_wait3A_432 = arith.constant 0 : i32
      %dma_wait3A_433 = tpu.memref_slice %arg11[%dma_wait3A_430, %dma_wait3A_431, %dma_wait3A_432] : memref<2x40x128xf32, #tpu.memory_space<vmem>> -> memref<1x40x128xf32, #tpu.memory_space<vmem>>
      %dma_wait3A_434 = tpu.memref_squeeze %dma_wait3A_433 : memref<1x40x128xf32, #tpu.memory_space<vmem>> -> memref<40x128xf32, #tpu.memory_space<vmem>>
      %dma_wait3A_435 = arith.constant 0 : i32
      %dma_wait3A_436 = arith.constant 0 : i32
      %dma_wait3A_437 = tpu.memref_slice %arg12[%dma_wait3A_435, %dma_wait3A_436] : memref<10000x128xf32, #tpu.memory_space<vmem_shared>> -> memref<40x128xf32, #tpu.memory_space<vmem_shared>>
      %dma_wait3A_438 = arith.constant 0 : i32
      %dma_wait3A_439 = arith.constant 0 : i32
      %dma_wait3A_440 = tpu.memref_slice %arg12[%dma_wait3A_438, %dma_wait3A_439] : memref<10000x128xf32, #tpu.memory_space<vmem_shared>> -> memref<40x128xf32, #tpu.memory_space<vmem_shared>>
      %dma_wait3A_441 = arith.constant 0 : i32
      %dma_wait3A_442 = arith.constant 0 : i32
      %dma_wait3A_443 = tpu.memref_slice %arg11[%dma_wait3A_430, %dma_wait3A_441, %dma_wait3A_442] : memref<2x40x128xf32, #tpu.memory_space<vmem>> -> memref<1x40x128xf32, #tpu.memory_space<vmem>>
      %dma_wait3A_444 = tpu.memref_squeeze %dma_wait3A_443 : memref<1x40x128xf32, #tpu.memory_space<vmem>> -> memref<40x128xf32, #tpu.memory_space<vmem>>
      tpu.wait_dma2 semaphore(%arg20 : memref<!tpu.dma_semaphore, #tpu.memory_space<semaphore_mem>>) src(%dma_wait3A_444 : memref<40x128xf32, #tpu.memory_space<vmem>>) dst(%dma_wait3A_440 : memref<40x128xf32, #tpu.memory_space<vmem_shared>>)
    } else {
    }
    %barrier3A = arith.constant 0 : index
    tpu.barrier barrier_id(%barrier3A)
    %scan3A_368 = arith.constant 0 : i32
    %scan3A_369 = arith.constant 0 : i32
    %scan3A_370 = arith.constant 125 : i32
    %scan3A_371 = arith.addi %scan3A_369, %scan3A_370 : i32
    %scan3A_372 = arith.constant 1 : i32
    %scan3A_373 = scf.for %scan3A_430 = %scan3A_369 to %scan3A_371 step %scan3A_372 iter_args(%scan3A_431 = %scan3A_368) -> (i32)  : i32 {
      %mul3A_432 = arith.constant 2 : i32
      %mul3A_433 = arith.muli %scan3A_430, %mul3A_432 : i32
      %add3A_434 = arith.constant 0 : i32
      %add3A_435 = arith.addi %mul3A_433, %add3A_434 : i32
      %rem3A_436 = arith.constant 25 : i32
      %rem3A_437 = arith.remsi %add3A_435, %rem3A_436 : i32
      %jit3A = arith.constant 25 : i32
      %div3A = arith.divsi %add3A_435, %jit3A : i32
      %sign3A = arith.constant 0 : i32
      %sign3A_438 = arith.cmpi sgt, %add3A_435, %sign3A : i32
      %sign3A_439 = arith.extui %sign3A_438 : i1 to i32
      %sign3A_440 = arith.constant 0 : i32
      %sign3A_441 = arith.cmpi slt, %add3A_435, %sign3A_440 : i32
      %sign3A_442 = arith.extui %sign3A_441 : i1 to i32
      %sign3A_443 = arith.subi %sign3A_439, %sign3A_442 : i32
      %sign3A_444 = arith.constant 0 : i32
      %sign3A_445 = arith.cmpi sgt, %jit3A, %sign3A_444 : i32
      %sign3A_446 = arith.extui %sign3A_445 : i1 to i32
      %sign3A_447 = arith.constant 0 : i32
      %sign3A_448 = arith.cmpi slt, %jit3A, %sign3A_447 : i32
      %sign3A_449 = arith.extui %sign3A_448 : i1 to i32
      %sign3A_450 = arith.subi %sign3A_446, %sign3A_449 : i32
      %ne3A = arith.cmpi ne, %sign3A_443, %sign3A_450 : i32
      %rem3A_451 = arith.remsi %add3A_435, %jit3A : i32
      %ne3A_452 = arith.constant 0 : i32
      %ne3A_453 = arith.cmpi ne, %rem3A_451, %ne3A_452 : i32
      %and3A = arith.andi %ne3A, %ne3A_453 : i1
      %sub3A = arith.constant 1 : i32
      %sub3A_454 = arith.subi %div3A, %sub3A : i32
      %select_n3A = arith.select %and3A, %sub3A_454, %div3A : i32
      %jit3A_455 = arith.constant 25 : i32
      %div3A_456 = arith.divsi %add3A_435, %jit3A_455 : i32
      %sign3A_457 = arith.constant 0 : i32
      %sign3A_458 = arith.cmpi sgt, %add3A_435, %sign3A_457 : i32
      %sign3A_459 = arith.extui %sign3A_458 : i1 to i32
      %sign3A_460 = arith.constant 0 : i32
      %sign3A_461 = arith.cmpi slt, %add3A_435, %sign3A_460 : i32
      %sign3A_462 = arith.extui %sign3A_461 : i1 to i32
      %sign3A_463 = arith.subi %sign3A_459, %sign3A_462 : i32
      %sign3A_464 = arith.constant 0 : i32
      %sign3A_465 = arith.cmpi sgt, %jit3A_455, %sign3A_464 : i32
      %sign3A_466 = arith.extui %sign3A_465 : i1 to i32
      %sign3A_467 = arith.constant 0 : i32
      %sign3A_468 = arith.cmpi slt, %jit3A_455, %sign3A_467 : i32
      %sign3A_469 = arith.extui %sign3A_468 : i1 to i32
      %sign3A_470 = arith.subi %sign3A_466, %sign3A_469 : i32
      %ne3A_471 = arith.cmpi ne, %sign3A_463, %sign3A_470 : i32
      %rem3A_472 = arith.remsi %add3A_435, %jit3A_455 : i32
      %ne3A_473 = arith.constant 0 : i32
      %ne3A_474 = arith.cmpi ne, %rem3A_472, %ne3A_473 : i32
      %and3A_475 = arith.andi %ne3A_471, %ne3A_474 : i1
      %sub3A_476 = arith.constant 1 : i32
      %sub3A_477 = arith.subi %div3A_456, %sub3A_476 : i32
      %select_n3A_478 = arith.select %and3A_475, %sub3A_477, %div3A_456 : i32
      %rem3A_479 = arith.constant 2 : i32
      %rem3A_480 = arith.remsi %select_n3A_478, %rem3A_479 : i32
      %rem3A_481 = arith.constant 25 : i32
      %rem3A_482 = arith.remsi %add3A_435, %rem3A_481 : i32
      %dma_wait3A_483 = arith.constant 0 : i32
      %dma_wait3A_484 = arith.constant 0 : i32
      %dma_wait3A_485 = arith.constant 0 : i32
      %dma_wait3A_486 = tpu.memref_slice %arg9[%dma_wait3A_483, %dma_wait3A_484, %dma_wait3A_485] : memref<2x40x128xf32, #tpu.memory_space<vmem>> -> memref<1x40x128xf32, #tpu.memory_space<vmem>>
      %dma_wait3A_487 = tpu.memref_squeeze %dma_wait3A_486 : memref<1x40x128xf32, #tpu.memory_space<vmem>> -> memref<40x128xf32, #tpu.memory_space<vmem>>
      %dma_wait3A_488 = arith.constant 0 : i32
      %dma_wait3A_489 = tpu.memref_slice %arg7[%rem3A_480, %rem3A_482, %dma_wait3A_488] : memref<2x25x40xi32, #tpu.memory_space<vmem>> -> memref<1x1x40xi32, #tpu.memory_space<vmem>>
      %dma_wait3A_490 = tpu.memref_squeeze %dma_wait3A_489 : memref<1x1x40xi32, #tpu.memory_space<vmem>> -> memref<40xi32, #tpu.memory_space<vmem>>
      %dma_wait3A_491 = arith.constant 0 : i32
      %dma_wait3A_492 = arith.constant 0 : i32
      %dma_wait3A_493 = tpu.memref_slice %arg4[%dma_wait3A_491, %dma_wait3A_492] : memref<10000x128xf32, #tpu.memory_space<hbm>> -> memref<10000x128xf32, #tpu.memory_space<hbm>>
      tpu.wait_indirect_dma semaphore(%arg13 : memref<!tpu.dma_semaphore, #tpu.memory_space<semaphore_mem>>) src(%dma_wait3A_493 : memref<10000x128xf32, #tpu.memory_space<hbm>>) dst(%dma_wait3A_487 : memref<40x128xf32, #tpu.memory_space<vmem>>)
      %mul3A_494 = arith.constant 10000 : i32
      %mul3A_495 = arith.muli %add3A, %mul3A_494 : i32
      %mul3A_496 = arith.constant 40 : i32
      %mul3A_497 = arith.muli %add3A_435, %mul3A_496 : i32
      %add3A_498 = arith.addi %mul3A_495, %mul3A_497 : i32
      %multiple_of3A_499 = tpu.assume_multiple %add3A_498, 8 : i32
      %dma_wait3A_500 = arith.constant 0 : i32
      %dma_wait3A_501 = arith.constant 0 : i32
      %dma_wait3A_502 = arith.constant 0 : i32
      %dma_wait3A_503 = tpu.memref_slice %arg10[%dma_wait3A_500, %dma_wait3A_501, %dma_wait3A_502] : memref<2x40x128xf32, #tpu.memory_space<vmem>> -> memref<1x40x128xf32, #tpu.memory_space<vmem>>
      %dma_wait3A_504 = tpu.memref_squeeze %dma_wait3A_503 : memref<1x40x128xf32, #tpu.memory_space<vmem>> -> memref<40x128xf32, #tpu.memory_space<vmem>>
      %dma_wait3A_505 = arith.constant 0 : i32
      %dma_wait3A_506 = tpu.memref_slice %arg5[%multiple_of3A_499, %dma_wait3A_505] : memref<320000x128xf32, #tpu.memory_space<hbm>> -> memref<40x128xf32, #tpu.memory_space<hbm>>
      %dma_wait3A_507 = arith.constant 0 : i32
      %dma_wait3A_508 = arith.constant 0 : i32
      %dma_wait3A_509 = tpu.memref_slice %arg10[%dma_wait3A_500, %dma_wait3A_507, %dma_wait3A_508] : memref<2x40x128xf32, #tpu.memory_space<vmem>> -> memref<1x40x128xf32, #tpu.memory_space<vmem>>
      %dma_wait3A_510 = tpu.memref_squeeze %dma_wait3A_509 : memref<1x40x128xf32, #tpu.memory_space<vmem>> -> memref<40x128xf32, #tpu.memory_space<vmem>>
      %dma_wait3A_511 = arith.constant 0 : i32
      %dma_wait3A_512 = tpu.memref_slice %arg5[%multiple_of3A_499, %dma_wait3A_511] : memref<320000x128xf32, #tpu.memory_space<hbm>> -> memref<40x128xf32, #tpu.memory_space<hbm>>
      tpu.wait_dma2 semaphore(%arg15 : memref<!tpu.dma_semaphore, #tpu.memory_space<semaphore_mem>>) src(%dma_wait3A_512 : memref<40x128xf32, #tpu.memory_space<hbm>>) dst(%dma_wait3A_510 : memref<40x128xf32, #tpu.memory_space<vmem>>)
      %ge3A = arith.constant 2 : i32
      %ge3A_513 = arith.cmpi sge, %add3A_435, %ge3A : i32
      %convert_element_type3A_514 = arith.extui %ge3A_513 : i1 to i32
      %cond3A_515 = arith.constant 0 : i32
      %cond3A_516 = arith.cmpi ne, %convert_element_type3A_514, %cond3A_515 : i32
      scf.if %cond3A_516 {
        %dma_wait3A_756 = arith.constant 0 : i32
        %dma_wait3A_757 = arith.constant 0 : i32
        %dma_wait3A_758 = arith.constant 0 : i32
        %dma_wait3A_759 = arith.constant 0 : i32
        %dma_wait3A_760 = arith.constant 0 : i32
        %dma_wait3A_761 = tpu.memref_slice %arg11[%dma_wait3A_756, %dma_wait3A_759, %dma_wait3A_760] : memref<2x40x128xf32, #tpu.memory_space<vmem>> -> memref<1x40x128xf32, #tpu.memory_space<vmem>>
        %dma_wait3A_762 = tpu.memref_squeeze %dma_wait3A_761 : memref<1x40x128xf32, #tpu.memory_space<vmem>> -> memref<40x128xf32, #tpu.memory_space<vmem>>
        %dma_wait3A_763 = arith.constant 0 : i32
        %dma_wait3A_764 = tpu.memref_slice %arg8[%dma_wait3A_757, %dma_wait3A_758, %dma_wait3A_763] : memref<2x25x40xi32, #tpu.memory_space<vmem>> -> memref<1x1x40xi32, #tpu.memory_space<vmem>>
        %dma_wait3A_765 = tpu.memref_squeeze %dma_wait3A_764 : memref<1x1x40xi32, #tpu.memory_space<vmem>> -> memref<40xi32, #tpu.memory_space<vmem>>
        %dma_wait3A_766 = arith.constant 0 : i32
        %dma_wait3A_767 = arith.constant 0 : i32
        %dma_wait3A_768 = tpu.memref_slice %arg12[%dma_wait3A_766, %dma_wait3A_767] : memref<10000x128xf32, #tpu.memory_space<vmem_shared>> -> memref<10000x128xf32, #tpu.memory_space<vmem_shared>>
        tpu.wait_indirect_dma semaphore(%arg17 : memref<!tpu.dma_semaphore, #tpu.memory_space<semaphore_mem>>) src(%dma_wait3A_762 : memref<40x128xf32, #tpu.memory_space<vmem>>) dst(%dma_wait3A_768 : memref<10000x128xf32, #tpu.memory_space<vmem_shared>>)
      } else {
      }
      %scan3A_517 = arith.constant 0 : i32
      %scan3A_518 = arith.constant 0 : i32
      %scan3A_519 = arith.constant 40 : i32
      %scan3A_520 = arith.addi %scan3A_518, %scan3A_519 : i32
      %scan3A_521 = arith.constant 1 : i32
      %scan3A_522 = scf.for %scan3A_756 = %scan3A_518 to %scan3A_520 step %scan3A_521 iter_args(%scan3A_757 = %scan3A_517) -> (i32)  : i32 {
        %get3A = arith.constant 0 : i32
        %get3A_758 = arith.index_cast %get3A : i32 to index
        %get3A_759 = arith.index_cast %scan3A_756 : i32 to index
        %get3A_760 = arith.constant 0 : index
        %get3A_761 = tpu.vector_load %arg9[%get3A_758, %get3A_759, %get3A_760] {strides = array<i32>} : memref<2x40x128xf32, #tpu.memory_space<vmem>>, vector<1x1x16xf32>,
        %get3A_762 = vector.shape_cast %get3A_761 : vector<1x1x16xf32> to vector<16xf32>
        %get3A_763 = arith.constant 0 : i32
        %get3A_764 = arith.index_cast %get3A_763 : i32 to index
        %get3A_765 = arith.index_cast %scan3A_756 : i32 to index
        %get3A_766 = arith.constant 0 : index
        %get3A_767 = tpu.vector_load %arg10[%get3A_764, %get3A_765, %get3A_766] {strides = array<i32>} : memref<2x40x128xf32, #tpu.memory_space<vmem>>, vector<1x1x16xf32>,
        %get3A_768 = vector.shape_cast %get3A_767 : vector<1x1x16xf32> to vector<16xf32>
        %add3A_769 = arith.addf %get3A_762, %get3A_768 : vector<16xf32>
        %max3A = arith.constant 0.000000e+00 : f32
        %max3A_770 = vector.broadcast %max3A : f32 to vector<16xf32>
        %max3A_771 = arith.maximumf %add3A_769, %max3A_770 : vector<16xf32>
        %swap3A = arith.constant 0 : i32
        %swap3A_772 = arith.index_cast %swap3A : i32 to index
        %swap3A_773 = arith.index_cast %scan3A_756 : i32 to index
        %swap3A_774 = arith.constant 0 : index
        %swap3A_775 = tpu.vector_load %arg11[%swap3A_772, %swap3A_773, %swap3A_774] {strides = array<i32>} : memref<2x40x128xf32, #tpu.memory_space<vmem>>, vector<1x1x16xf32>,
        %swap3A_776 = vector.shape_cast %swap3A_775 : vector<1x1x16xf32> to vector<16xf32>
        %swap3A_777 = vector.shape_cast %max3A_771 : vector<16xf32> to vector<1x1x16xf32>
        tpu.vector_store %arg11[%swap3A_772, %swap3A_773, %swap3A_774], %swap3A_777 {strides = array<i32>} : memref<2x40x128xf32, #tpu.memory_space<vmem>>, vector<1x1x16xf32>,
        %get3A_778 = arith.constant 0 : i32
        %get3A_779 = arith.index_cast %get3A_778 : i32 to index
        %get3A_780 = arith.index_cast %scan3A_756 : i32 to index
        %get3A_781 = arith.constant 16 : index
        %get3A_782 = tpu.vector_load %arg9[%get3A_779, %get3A_780, %get3A_781] {strides = array<i32>} : memref<2x40x128xf32, #tpu.memory_space<vmem>>, vector<1x1x16xf32>,
        %get3A_783 = vector.shape_cast %get3A_782 : vector<1x1x16xf32> to vector<16xf32>
        %get3A_784 = arith.constant 0 : i32
        %get3A_785 = arith.index_cast %get3A_784 : i32 to index
        %get3A_786 = arith.index_cast %scan3A_756 : i32 to index
        %get3A_787 = arith.constant 16 : index
        %get3A_788 = tpu.vector_load %arg10[%get3A_785, %get3A_786, %get3A_787] {strides = array<i32>} : memref<2x40x128xf32, #tpu.memory_space<vmem>>, vector<1x1x16xf32>,
        %get3A_789 = vector.shape_cast %get3A_788 : vector<1x1x16xf32> to vector<16xf32>
        %add3A_790 = arith.addf %get3A_783, %get3A_789 : vector<16xf32>
        %max3A_791 = arith.constant 0.000000e+00 : f32
        %max3A_792 = vector.broadcast %max3A_791 : f32 to vector<16xf32>
        %max3A_793 = arith.maximumf %add3A_790, %max3A_792 : vector<16xf32>
        %swap3A_794 = arith.constant 0 : i32
        %swap3A_795 = arith.index_cast %swap3A_794 : i32 to index
        %swap3A_796 = arith.index_cast %scan3A_756 : i32 to index
        %swap3A_797 = arith.constant 16 : index
        %swap3A_798 = tpu.vector_load %arg11[%swap3A_795, %swap3A_796, %swap3A_797] {strides = array<i32>} : memref<2x40x128xf32, #tpu.memory_space<vmem>>, vector<1x1x16xf32>,
        %swap3A_799 = vector.shape_cast %swap3A_798 : vector<1x1x16xf32> to vector<16xf32>
        %swap3A_800 = vector.shape_cast %max3A_793 : vector<16xf32> to vector<1x1x16xf32>
        tpu.vector_store %arg11[%swap3A_795, %swap3A_796, %swap3A_797], %swap3A_800 {strides = array<i32>} : memref<2x40x128xf32, #tpu.memory_space<vmem>>, vector<1x1x16xf32>,
        %get3A_801 = arith.constant 0 : i32
        %get3A_802 = arith.index_cast %get3A_801 : i32 to index
        %get3A_803 = arith.index_cast %scan3A_756 : i32 to index
        %get3A_804 = arith.constant 32 : index
        %get3A_805 = tpu.vector_load %arg9[%get3A_802, %get3A_803, %get3A_804] {strides = array<i32>} : memref<2x40x128xf32, #tpu.memory_space<vmem>>, vector<1x1x16xf32>,
        %get3A_806 = vector.shape_cast %get3A_805 : vector<1x1x16xf32> to vector<16xf32>
        %get3A_807 = arith.constant 0 : i32
        %get3A_808 = arith.index_cast %get3A_807 : i32 to index
        %get3A_809 = arith.index_cast %scan3A_756 : i32 to index
        %get3A_810 = arith.constant 32 : index
        %get3A_811 = tpu.vector_load %arg10[%get3A_808, %get3A_809, %get3A_810] {strides = array<i32>} : memref<2x40x128xf32, #tpu.memory_space<vmem>>, vector<1x1x16xf32>,
        %get3A_812 = vector.shape_cast %get3A_811 : vector<1x1x16xf32> to vector<16xf32>
        %add3A_813 = arith.addf %get3A_806, %get3A_812 : vector<16xf32>
        %max3A_814 = arith.constant 0.000000e+00 : f32
        %max3A_815 = vector.broadcast %max3A_814 : f32 to vector<16xf32>
        %max3A_816 = arith.maximumf %add3A_813, %max3A_815 : vector<16xf32>
        %swap3A_817 = arith.constant 0 : i32
        %swap3A_818 = arith.index_cast %swap3A_817 : i32 to index
        %swap3A_819 = arith.index_cast %scan3A_756 : i32 to index
        %swap3A_820 = arith.constant 32 : index
        %swap3A_821 = tpu.vector_load %arg11[%swap3A_818, %swap3A_819, %swap3A_820] {strides = array<i32>} : memref<2x40x128xf32, #tpu.memory_space<vmem>>, vector<1x1x16xf32>,
        %swap3A_822 = vector.shape_cast %swap3A_821 : vector<1x1x16xf32> to vector<16xf32>
        %swap3A_823 = vector.shape_cast %max3A_816 : vector<16xf32> to vector<1x1x16xf32>
        tpu.vector_store %arg11[%swap3A_818, %swap3A_819, %swap3A_820], %swap3A_823 {strides = array<i32>} : memref<2x40x128xf32, #tpu.memory_space<vmem>>, vector<1x1x16xf32>,
        %get3A_824 = arith.constant 0 : i32
        %get3A_825 = arith.index_cast %get3A_824 : i32 to index
        %get3A_826 = arith.index_cast %scan3A_756 : i32 to index
        %get3A_827 = arith.constant 48 : index
        %get3A_828 = tpu.vector_load %arg9[%get3A_825, %get3A_826, %get3A_827] {strides = array<i32>} : memref<2x40x128xf32, #tpu.memory_space<vmem>>, vector<1x1x16xf32>,
        %get3A_829 = vector.shape_cast %get3A_828 : vector<1x1x16xf32> to vector<16xf32>
        %get3A_830 = arith.constant 0 : i32
        %get3A_831 = arith.index_cast %get3A_830 : i32 to index
        %get3A_832 = arith.index_cast %scan3A_756 : i32 to index
        %get3A_833 = arith.constant 48 : index
        %get3A_834 = tpu.vector_load %arg10[%get3A_831, %get3A_832, %get3A_833] {strides = array<i32>} : memref<2x40x128xf32, #tpu.memory_space<vmem>>, vector<1x1x16xf32>,
        %get3A_835 = vector.shape_cast %get3A_834 : vector<1x1x16xf32> to vector<16xf32>
        %add3A_836 = arith.addf %get3A_829, %get3A_835 : vector<16xf32>
        %max3A_837 = arith.constant 0.000000e+00 : f32
        %max3A_838 = vector.broadcast %max3A_837 : f32 to vector<16xf32>
        %max3A_839 = arith.maximumf %add3A_836, %max3A_838 : vector<16xf32>
        %swap3A_840 = arith.constant 0 : i32
        %swap3A_841 = arith.index_cast %swap3A_840 : i32 to index
        %swap3A_842 = arith.index_cast %scan3A_756 : i32 to index
        %swap3A_843 = arith.constant 48 : index
        %swap3A_844 = tpu.vector_load %arg11[%swap3A_841, %swap3A_842, %swap3A_843] {strides = array<i32>} : memref<2x40x128xf32, #tpu.memory_space<vmem>>, vector<1x1x16xf32>,
        %swap3A_845 = vector.shape_cast %swap3A_844 : vector<1x1x16xf32> to vector<16xf32>
        %swap3A_846 = vector.shape_cast %max3A_839 : vector<16xf32> to vector<1x1x16xf32>
        tpu.vector_store %arg11[%swap3A_841, %swap3A_842, %swap3A_843], %swap3A_846 {strides = array<i32>} : memref<2x40x128xf32, #tpu.memory_space<vmem>>, vector<1x1x16xf32>,
        %get3A_847 = arith.constant 0 : i32
        %get3A_848 = arith.index_cast %get3A_847 : i32 to index
        %get3A_849 = arith.index_cast %scan3A_756 : i32 to index
        %get3A_850 = arith.constant 64 : index
        %get3A_851 = tpu.vector_load %arg9[%get3A_848, %get3A_849, %get3A_850] {strides = array<i32>} : memref<2x40x128xf32, #tpu.memory_space<vmem>>, vector<1x1x16xf32>,
        %get3A_852 = vector.shape_cast %get3A_851 : vector<1x1x16xf32> to vector<16xf32>
        %get3A_853 = arith.constant 0 : i32
        %get3A_854 = arith.index_cast %get3A_853 : i32 to index
        %get3A_855 = arith.index_cast %scan3A_756 : i32 to index
        %get3A_856 = arith.constant 64 : index
        %get3A_857 = tpu.vector_load %arg10[%get3A_854, %get3A_855, %get3A_856] {strides = array<i32>} : memref<2x40x128xf32, #tpu.memory_space<vmem>>, vector<1x1x16xf32>,
        %get3A_858 = vector.shape_cast %get3A_857 : vector<1x1x16xf32> to vector<16xf32>
        %add3A_859 = arith.addf %get3A_852, %get3A_858 : vector<16xf32>
        %max3A_860 = arith.constant 0.000000e+00 : f32
        %max3A_861 = vector.broadcast %max3A_860 : f32 to vector<16xf32>
        %max3A_862 = arith.maximumf %add3A_859, %max3A_861 : vector<16xf32>
        %swap3A_863 = arith.constant 0 : i32
        %swap3A_864 = arith.index_cast %swap3A_863 : i32 to index
        %swap3A_865 = arith.index_cast %scan3A_756 : i32 to index
        %swap3A_866 = arith.constant 64 : index
        %swap3A_867 = tpu.vector_load %arg11[%swap3A_864, %swap3A_865, %swap3A_866] {strides = array<i32>} : memref<2x40x128xf32, #tpu.memory_space<vmem>>, vector<1x1x16xf32>,
        %swap3A_868 = vector.shape_cast %swap3A_867 : vector<1x1x16xf32> to vector<16xf32>
        %swap3A_869 = vector.shape_cast %max3A_862 : vector<16xf32> to vector<1x1x16xf32>
        tpu.vector_store %arg11[%swap3A_864, %swap3A_865, %swap3A_866], %swap3A_869 {strides = array<i32>} : memref<2x40x128xf32, #tpu.memory_space<vmem>>, vector<1x1x16xf32>,
        %get3A_870 = arith.constant 0 : i32
        %get3A_871 = arith.index_cast %get3A_870 : i32 to index
        %get3A_872 = arith.index_cast %scan3A_756 : i32 to index
        %get3A_873 = arith.constant 80 : index
        %get3A_874 = tpu.vector_load %arg9[%get3A_871, %get3A_872, %get3A_873] {strides = array<i32>} : memref<2x40x128xf32, #tpu.memory_space<vmem>>, vector<1x1x16xf32>,
        %get3A_875 = vector.shape_cast %get3A_874 : vector<1x1x16xf32> to vector<16xf32>
        %get3A_876 = arith.constant 0 : i32
        %get3A_877 = arith.index_cast %get3A_876 : i32 to index
        %get3A_878 = arith.index_cast %scan3A_756 : i32 to index
        %get3A_879 = arith.constant 80 : index
        %get3A_880 = tpu.vector_load %arg10[%get3A_877, %get3A_878, %get3A_879] {strides = array<i32>} : memref<2x40x128xf32, #tpu.memory_space<vmem>>, vector<1x1x16xf32>,
        %get3A_881 = vector.shape_cast %get3A_880 : vector<1x1x16xf32> to vector<16xf32>
        %add3A_882 = arith.addf %get3A_875, %get3A_881 : vector<16xf32>
        %max3A_883 = arith.constant 0.000000e+00 : f32
        %max3A_884 = vector.broadcast %max3A_883 : f32 to vector<16xf32>
        %max3A_885 = arith.maximumf %add3A_882, %max3A_884 : vector<16xf32>
        %swap3A_886 = arith.constant 0 : i32
        %swap3A_887 = arith.index_cast %swap3A_886 : i32 to index
        %swap3A_888 = arith.index_cast %scan3A_756 : i32 to index
        %swap3A_889 = arith.constant 80 : index
        %swap3A_890 = tpu.vector_load %arg11[%swap3A_887, %swap3A_888, %swap3A_889] {strides = array<i32>} : memref<2x40x128xf32, #tpu.memory_space<vmem>>, vector<1x1x16xf32>,
        %swap3A_891 = vector.shape_cast %swap3A_890 : vector<1x1x16xf32> to vector<16xf32>
        %swap3A_892 = vector.shape_cast %max3A_885 : vector<16xf32> to vector<1x1x16xf32>
        tpu.vector_store %arg11[%swap3A_887, %swap3A_888, %swap3A_889], %swap3A_892 {strides = array<i32>} : memref<2x40x128xf32, #tpu.memory_space<vmem>>, vector<1x1x16xf32>,
        %get3A_893 = arith.constant 0 : i32
        %get3A_894 = arith.index_cast %get3A_893 : i32 to index
        %get3A_895 = arith.index_cast %scan3A_756 : i32 to index
        %get3A_896 = arith.constant 96 : index
        %get3A_897 = tpu.vector_load %arg9[%get3A_894, %get3A_895, %get3A_896] {strides = array<i32>} : memref<2x40x128xf32, #tpu.memory_space<vmem>>, vector<1x1x16xf32>,
        %get3A_898 = vector.shape_cast %get3A_897 : vector<1x1x16xf32> to vector<16xf32>
        %get3A_899 = arith.constant 0 : i32
        %get3A_900 = arith.index_cast %get3A_899 : i32 to index
        %get3A_901 = arith.index_cast %scan3A_756 : i32 to index
        %get3A_902 = arith.constant 96 : index
        %get3A_903 = tpu.vector_load %arg10[%get3A_900, %get3A_901, %get3A_902] {strides = array<i32>} : memref<2x40x128xf32, #tpu.memory_space<vmem>>, vector<1x1x16xf32>,
        %get3A_904 = vector.shape_cast %get3A_903 : vector<1x1x16xf32> to vector<16xf32>
        %add3A_905 = arith.addf %get3A_898, %get3A_904 : vector<16xf32>
        %max3A_906 = arith.constant 0.000000e+00 : f32
        %max3A_907 = vector.broadcast %max3A_906 : f32 to vector<16xf32>
        %max3A_908 = arith.maximumf %add3A_905, %max3A_907 : vector<16xf32>
        %swap3A_909 = arith.constant 0 : i32
        %swap3A_910 = arith.index_cast %swap3A_909 : i32 to index
        %swap3A_911 = arith.index_cast %scan3A_756 : i32 to index
        %swap3A_912 = arith.constant 96 : index
        %swap3A_913 = tpu.vector_load %arg11[%swap3A_910, %swap3A_911, %swap3A_912] {strides = array<i32>} : memref<2x40x128xf32, #tpu.memory_space<vmem>>, vector<1x1x16xf32>,
        %swap3A_914 = vector.shape_cast %swap3A_913 : vector<1x1x16xf32> to vector<16xf32>
        %swap3A_915 = vector.shape_cast %max3A_908 : vector<16xf32> to vector<1x1x16xf32>
        tpu.vector_store %arg11[%swap3A_910, %swap3A_911, %swap3A_912], %swap3A_915 {strides = array<i32>} : memref<2x40x128xf32, #tpu.memory_space<vmem>>, vector<1x1x16xf32>,
        %get3A_916 = arith.constant 0 : i32
        %get3A_917 = arith.index_cast %get3A_916 : i32 to index
        %get3A_918 = arith.index_cast %scan3A_756 : i32 to index
        %get3A_919 = arith.constant 112 : index
        %get3A_920 = tpu.vector_load %arg9[%get3A_917, %get3A_918, %get3A_919] {strides = array<i32>} : memref<2x40x128xf32, #tpu.memory_space<vmem>>, vector<1x1x16xf32>,
        %get3A_921 = vector.shape_cast %get3A_920 : vector<1x1x16xf32> to vector<16xf32>
        %get3A_922 = arith.constant 0 : i32
        %get3A_923 = arith.index_cast %get3A_922 : i32 to index
        %get3A_924 = arith.index_cast %scan3A_756 : i32 to index
        %get3A_925 = arith.constant 112 : index
        %get3A_926 = tpu.vector_load %arg10[%get3A_923, %get3A_924, %get3A_925] {strides = array<i32>} : memref<2x40x128xf32, #tpu.memory_space<vmem>>, vector<1x1x16xf32>,
        %get3A_927 = vector.shape_cast %get3A_926 : vector<1x1x16xf32> to vector<16xf32>
        %add3A_928 = arith.addf %get3A_921, %get3A_927 : vector<16xf32>
        %max3A_929 = arith.constant 0.000000e+00 : f32
        %max3A_930 = vector.broadcast %max3A_929 : f32 to vector<16xf32>
        %max3A_931 = arith.maximumf %add3A_928, %max3A_930 : vector<16xf32>
        %swap3A_932 = arith.constant 0 : i32
        %swap3A_933 = arith.index_cast %swap3A_932 : i32 to index
        %swap3A_934 = arith.index_cast %scan3A_756 : i32 to index
        %swap3A_935 = arith.constant 112 : index
        %swap3A_936 = tpu.vector_load %arg11[%swap3A_933, %swap3A_934, %swap3A_935] {strides = array<i32>} : memref<2x40x128xf32, #tpu.memory_space<vmem>>, vector<1x1x16xf32>,
        %swap3A_937 = vector.shape_cast %swap3A_936 : vector<1x1x16xf32> to vector<16xf32>
        %swap3A_938 = vector.shape_cast %max3A_931 : vector<16xf32> to vector<1x1x16xf32>
        tpu.vector_store %arg11[%swap3A_933, %swap3A_934, %swap3A_935], %swap3A_938 {strides = array<i32>} : memref<2x40x128xf32, #tpu.memory_space<vmem>>, vector<1x1x16xf32>,
        %scan3A_939 = arith.constant 0 : i32
        scf.yield %scan3A_939 : i32
      }
      %scan3A_523 = arith.constant 40 : i32
      %eq3A = arith.constant 4 : i32
      %eq3A_524 = arith.cmpi eq, %rem3A_437, %eq3A : i32
      %add3A_525 = arith.constant 1 : i32
      %add3A_526 = arith.addi %select_n3A, %add3A_525 : i32
      %lt3A_527 = arith.constant 10 : i32
      %lt3A_528 = arith.cmpi slt, %add3A_526, %lt3A_527 : i32
      %and3A_529 = arith.andi %eq3A_524, %lt3A_528 : i1
      %convert_element_type3A_530 = arith.extui %and3A_529 : i1 to i32
      %cond3A_531 = arith.constant 0 : i32
      %cond3A_532 = arith.cmpi ne, %convert_element_type3A_530, %cond3A_531 : i32
      scf.if %cond3A_532 {
        %add3A_756 = arith.constant 1 : i32
        %add3A_757 = arith.addi %select_n3A, %add3A_756 : i32
        %rem3A_758 = arith.constant 2 : i32
        %rem3A_759 = arith.remsi %add3A_757, %rem3A_758 : i32
        %dma_start3A_760 = arith.constant 0 : i32
        %dma_start3A_761 = arith.constant 0 : i32
        %dma_start3A_762 = tpu.memref_slice %arg7[%rem3A_759, %dma_start3A_760, %dma_start3A_761] : memref<2x25x40xi32, #tpu.memory_space<vmem>> -> memref<1x25x40xi32, #tpu.memory_space<vmem>>
        %dma_start3A_763 = tpu.memref_squeeze %dma_start3A_762 : memref<1x25x40xi32, #tpu.memory_space<vmem>> -> memref<25x40xi32, #tpu.memory_space<vmem>>
        %dma_start3A_764 = arith.constant 0 : i32
        %dma_start3A_765 = arith.constant 0 : i32
        %dma_start3A_766 = tpu.memref_slice %arg2[%add3A, %add3A_757, %dma_start3A_764, %dma_start3A_765] : memref<32x10x25x40xi32, #tpu.memory_space<hbm>> -> memref<1x1x25x40xi32, #tpu.memory_space<hbm>>
        %dma_start3A_767 = tpu.memref_squeeze %dma_start3A_766 : memref<1x1x25x40xi32, #tpu.memory_space<hbm>> -> memref<25x40xi32, #tpu.memory_space<hbm>>
        %dma_start3A_768 = arith.constant 0 : i32
        %dma_start3A_769 = arith.constant 0 : i32
        %dma_start3A_770 = tpu.memref_slice %arg7[%rem3A_759, %dma_start3A_768, %dma_start3A_769] : memref<2x25x40xi32, #tpu.memory_space<vmem>> -> memref<1x25x40xi32, #tpu.memory_space<vmem>>
        %dma_start3A_771 = tpu.memref_squeeze %dma_start3A_770 : memref<1x25x40xi32, #tpu.memory_space<vmem>> -> memref<25x40xi32, #tpu.memory_space<vmem>>
        %dma_start3A_772 = arith.constant 0 : i32
        %dma_start3A_773 = arith.constant 0 : i32
        %dma_start3A_774 = tpu.memref_slice %arg2[%add3A, %add3A_757, %dma_start3A_772, %dma_start3A_773] : memref<32x10x25x40xi32, #tpu.memory_space<hbm>> -> memref<1x1x25x40xi32, #tpu.memory_space<hbm>>
        %dma_start3A_775 = tpu.memref_squeeze %dma_start3A_774 : memref<1x1x25x40xi32, #tpu.memory_space<hbm>> -> memref<25x40xi32, #tpu.memory_space<hbm>>
        tpu.enqueue_dma source(%dma_start3A_775 : memref<25x40xi32, #tpu.memory_space<hbm>>) target(%dma_start3A_771 : memref<25x40xi32, #tpu.memory_space<vmem>>) target_semaphore(%arg19 : memref<!tpu.dma_semaphore, #tpu.memory_space<semaphore_mem>>)
        %dma_start3A_776 = arith.constant 0 : i32
        %dma_start3A_777 = arith.constant 0 : i32
        %dma_start3A_778 = tpu.memref_slice %arg8[%rem3A_759, %dma_start3A_776, %dma_start3A_777] : memref<2x25x40xi32, #tpu.memory_space<vmem>> -> memref<1x25x40xi32, #tpu.memory_space<vmem>>
        %dma_start3A_779 = tpu.memref_squeeze %dma_start3A_778 : memref<1x25x40xi32, #tpu.memory_space<vmem>> -> memref<25x40xi32, #tpu.memory_space<vmem>>
        %dma_start3A_780 = arith.constant 0 : i32
        %dma_start3A_781 = arith.constant 0 : i32
        %dma_start3A_782 = tpu.memref_slice %arg3[%add3A, %add3A_757, %dma_start3A_780, %dma_start3A_781] : memref<32x10x25x40xi32, #tpu.memory_space<hbm>> -> memref<1x1x25x40xi32, #tpu.memory_space<hbm>>
        %dma_start3A_783 = tpu.memref_squeeze %dma_start3A_782 : memref<1x1x25x40xi32, #tpu.memory_space<hbm>> -> memref<25x40xi32, #tpu.memory_space<hbm>>
        %dma_start3A_784 = arith.constant 0 : i32
        %dma_start3A_785 = arith.constant 0 : i32
        %dma_start3A_786 = tpu.memref_slice %arg8[%rem3A_759, %dma_start3A_784, %dma_start3A_785] : memref<2x25x40xi32, #tpu.memory_space<vmem>> -> memref<1x25x40xi32, #tpu.memory_space<vmem>>
        %dma_start3A_787 = tpu.memref_squeeze %dma_start3A_786 : memref<1x25x40xi32, #tpu.memory_space<vmem>> -> memref<25x40xi32, #tpu.memory_space<vmem>>
        %dma_start3A_788 = arith.constant 0 : i32
        %dma_start3A_789 = arith.constant 0 : i32
        %dma_start3A_790 = tpu.memref_slice %arg3[%add3A, %add3A_757, %dma_start3A_788, %dma_start3A_789] : memref<32x10x25x40xi32, #tpu.memory_space<hbm>> -> memref<1x1x25x40xi32, #tpu.memory_space<hbm>>
        %dma_start3A_791 = tpu.memref_squeeze %dma_start3A_790 : memref<1x1x25x40xi32, #tpu.memory_space<hbm>> -> memref<25x40xi32, #tpu.memory_space<hbm>>
        tpu.enqueue_dma source(%dma_start3A_791 : memref<25x40xi32, #tpu.memory_space<hbm>>) target(%dma_start3A_787 : memref<25x40xi32, #tpu.memory_space<vmem>>) target_semaphore(%arg19 : memref<!tpu.dma_semaphore, #tpu.memory_space<semaphore_mem>>)
      } else {
      }
      %eq3A_533 = arith.constant 23 : i32
      %eq3A_534 = arith.cmpi eq, %rem3A_437, %eq3A_533 : i32
      %add3A_535 = arith.constant 1 : i32
      %add3A_536 = arith.addi %select_n3A, %add3A_535 : i32
      %lt3A_537 = arith.constant 10 : i32
      %lt3A_538 = arith.cmpi slt, %add3A_536, %lt3A_537 : i32
      %and3A_539 = arith.andi %eq3A_534, %lt3A_538 : i1
      %convert_element_type3A_540 = arith.extui %and3A_539 : i1 to i32
      %cond3A_541 = arith.constant 0 : i32
      %cond3A_542 = arith.cmpi ne, %convert_element_type3A_540, %cond3A_541 : i32
      scf.if %cond3A_542 {
        %add3A_756 = arith.constant 1 : i32
        %add3A_757 = arith.addi %select_n3A, %add3A_756 : i32
        %rem3A_758 = arith.constant 2 : i32
        %rem3A_759 = arith.remsi %add3A_757, %rem3A_758 : i32
        %dma_wait3A_760 = arith.constant 0 : i32
        %dma_wait3A_761 = arith.constant 0 : i32
        %dma_wait3A_762 = tpu.memref_slice %arg7[%rem3A_759, %dma_wait3A_760, %dma_wait3A_761] : memref<2x25x40xi32, #tpu.memory_space<vmem>> -> memref<1x25x40xi32, #tpu.memory_space<vmem>>
        %dma_wait3A_763 = tpu.memref_squeeze %dma_wait3A_762 : memref<1x25x40xi32, #tpu.memory_space<vmem>> -> memref<25x40xi32, #tpu.memory_space<vmem>>
        %dma_wait3A_764 = arith.constant 0 : i32
        %dma_wait3A_765 = arith.constant 0 : i32
        %dma_wait3A_766 = tpu.memref_slice %arg2[%add3A, %add3A_757, %dma_wait3A_764, %dma_wait3A_765] : memref<32x10x25x40xi32, #tpu.memory_space<hbm>> -> memref<1x1x25x40xi32, #tpu.memory_space<hbm>>
        %dma_wait3A_767 = tpu.memref_squeeze %dma_wait3A_766 : memref<1x1x25x40xi32, #tpu.memory_space<hbm>> -> memref<25x40xi32, #tpu.memory_space<hbm>>
        %dma_wait3A_768 = arith.constant 0 : i32
        %dma_wait3A_769 = arith.constant 0 : i32
        %dma_wait3A_770 = tpu.memref_slice %arg7[%rem3A_759, %dma_wait3A_768, %dma_wait3A_769] : memref<2x25x40xi32, #tpu.memory_space<vmem>> -> memref<1x25x40xi32, #tpu.memory_space<vmem>>
        %dma_wait3A_771 = tpu.memref_squeeze %dma_wait3A_770 : memref<1x25x40xi32, #tpu.memory_space<vmem>> -> memref<25x40xi32, #tpu.memory_space<vmem>>
        %dma_wait3A_772 = arith.constant 0 : i32
        %dma_wait3A_773 = arith.constant 0 : i32
        %dma_wait3A_774 = tpu.memref_slice %arg2[%add3A, %add3A_757, %dma_wait3A_772, %dma_wait3A_773] : memref<32x10x25x40xi32, #tpu.memory_space<hbm>> -> memref<1x1x25x40xi32, #tpu.memory_space<hbm>>
        %dma_wait3A_775 = tpu.memref_squeeze %dma_wait3A_774 : memref<1x1x25x40xi32, #tpu.memory_space<hbm>> -> memref<25x40xi32, #tpu.memory_space<hbm>>
        tpu.wait_dma2 semaphore(%arg19 : memref<!tpu.dma_semaphore, #tpu.memory_space<semaphore_mem>>) src(%dma_wait3A_775 : memref<25x40xi32, #tpu.memory_space<hbm>>) dst(%dma_wait3A_771 : memref<25x40xi32, #tpu.memory_space<vmem>>)
        %dma_wait3A_776 = arith.constant 0 : i32
        %dma_wait3A_777 = arith.constant 0 : i32
        %dma_wait3A_778 = tpu.memref_slice %arg8[%rem3A_759, %dma_wait3A_776, %dma_wait3A_777] : memref<2x25x40xi32, #tpu.memory_space<vmem>> -> memref<1x25x40xi32, #tpu.memory_space<vmem>>
        %dma_wait3A_779 = tpu.memref_squeeze %dma_wait3A_778 : memref<1x25x40xi32, #tpu.memory_space<vmem>> -> memref<25x40xi32, #tpu.memory_space<vmem>>
        %dma_wait3A_780 = arith.constant 0 : i32
        %dma_wait3A_781 = arith.constant 0 : i32
        %dma_wait3A_782 = tpu.memref_slice %arg3[%add3A, %add3A_757, %dma_wait3A_780, %dma_wait3A_781] : memref<32x10x25x40xi32, #tpu.memory_space<hbm>> -> memref<1x1x25x40xi32, #tpu.memory_space<hbm>>
        %dma_wait3A_783 = tpu.memref_squeeze %dma_wait3A_782 : memref<1x1x25x40xi32, #tpu.memory_space<hbm>> -> memref<25x40xi32, #tpu.memory_space<hbm>>
        %dma_wait3A_784 = arith.constant 0 : i32
        %dma_wait3A_785 = arith.constant 0 : i32
        %dma_wait3A_786 = tpu.memref_slice %arg8[%rem3A_759, %dma_wait3A_784, %dma_wait3A_785] : memref<2x25x40xi32, #tpu.memory_space<vmem>> -> memref<1x25x40xi32, #tpu.memory_space<vmem>>
        %dma_wait3A_787 = tpu.memref_squeeze %dma_wait3A_786 : memref<1x25x40xi32, #tpu.memory_space<vmem>> -> memref<25x40xi32, #tpu.memory_space<vmem>>
        %dma_wait3A_788 = arith.constant 0 : i32
        %dma_wait3A_789 = arith.constant 0 : i32
        %dma_wait3A_790 = tpu.memref_slice %arg3[%add3A, %add3A_757, %dma_wait3A_788, %dma_wait3A_789] : memref<32x10x25x40xi32, #tpu.memory_space<hbm>> -> memref<1x1x25x40xi32, #tpu.memory_space<hbm>>
        %dma_wait3A_791 = tpu.memref_squeeze %dma_wait3A_790 : memref<1x1x25x40xi32, #tpu.memory_space<hbm>> -> memref<25x40xi32, #tpu.memory_space<hbm>>
        tpu.wait_dma2 semaphore(%arg19 : memref<!tpu.dma_semaphore, #tpu.memory_space<semaphore_mem>>) src(%dma_wait3A_791 : memref<25x40xi32, #tpu.memory_space<hbm>>) dst(%dma_wait3A_787 : memref<25x40xi32, #tpu.memory_space<vmem>>)
      } else {
      }
      %add3A_543 = arith.constant 2 : i32
      %add3A_544 = arith.addi %add3A_435, %add3A_543 : i32
      %lt3A_545 = arith.constant 250 : i32
      %lt3A_546 = arith.cmpi slt, %add3A_544, %lt3A_545 : i32
      %convert_element_type3A_547 = arith.extui %lt3A_546 : i1 to i32
      %cond3A_548 = arith.constant 0 : i32
      %cond3A_549 = arith.cmpi ne, %convert_element_type3A_547, %cond3A_548 : i32
      scf.if %cond3A_549 {
        %add3A_756 = arith.constant 2 : i32
        %add3A_757 = arith.addi %add3A_435, %add3A_756 : i32
        %jit3A_758 = arith.constant 25 : i32
        %div3A_759 = arith.divsi %add3A_757, %jit3A_758 : i32
        %sign3A_760 = arith.constant 0 : i32
        %sign3A_761 = arith.cmpi sgt, %add3A_757, %sign3A_760 : i32
        %sign3A_762 = arith.extui %sign3A_761 : i1 to i32
        %sign3A_763 = arith.constant 0 : i32
        %sign3A_764 = arith.cmpi slt, %add3A_757, %sign3A_763 : i32
        %sign3A_765 = arith.extui %sign3A_764 : i1 to i32
        %sign3A_766 = arith.subi %sign3A_762, %sign3A_765 : i32
        %sign3A_767 = arith.constant 0 : i32
        %sign3A_768 = arith.cmpi sgt, %jit3A_758, %sign3A_767 : i32
        %sign3A_769 = arith.extui %sign3A_768 : i1 to i32
        %sign3A_770 = arith.constant 0 : i32
        %sign3A_771 = arith.cmpi slt, %jit3A_758, %sign3A_770 : i32
        %sign3A_772 = arith.extui %sign3A_771 : i1 to i32
        %sign3A_773 = arith.subi %sign3A_769, %sign3A_772 : i32
        %ne3A_774 = arith.cmpi ne, %sign3A_766, %sign3A_773 : i32
        %rem3A_775 = arith.remsi %add3A_757, %jit3A_758 : i32
        %ne3A_776 = arith.constant 0 : i32
        %ne3A_777 = arith.cmpi ne, %rem3A_775, %ne3A_776 : i32
        %and3A_778 = arith.andi %ne3A_774, %ne3A_777 : i1
        %sub3A_779 = arith.constant 1 : i32
        %sub3A_780 = arith.subi %div3A_759, %sub3A_779 : i32
        %select_n3A_781 = arith.select %and3A_778, %sub3A_780, %div3A_759 : i32
        %rem3A_782 = arith.constant 2 : i32
        %rem3A_783 = arith.remsi %select_n3A_781, %rem3A_782 : i32
        %rem3A_784 = arith.constant 25 : i32
        %rem3A_785 = arith.remsi %add3A_757, %rem3A_784 : i32
        %dma_start3A_786 = arith.constant 0 : i32
        %dma_start3A_787 = arith.constant 0 : i32
        %dma_start3A_788 = arith.constant 0 : i32
        %dma_start3A_789 = tpu.memref_slice %arg9[%dma_start3A_786, %dma_start3A_787, %dma_start3A_788] : memref<2x40x128xf32, #tpu.memory_space<vmem>> -> memref<1x40x128xf32, #tpu.memory_space<vmem>>
        %dma_start3A_790 = tpu.memref_squeeze %dma_start3A_789 : memref<1x40x128xf32, #tpu.memory_space<vmem>> -> memref<40x128xf32, #tpu.memory_space<vmem>>
        %dma_start3A_791 = arith.constant 0 : i32
        %dma_start3A_792 = tpu.memref_slice %arg7[%rem3A_783, %rem3A_785, %dma_start3A_791] : memref<2x25x40xi32, #tpu.memory_space<vmem>> -> memref<1x1x40xi32, #tpu.memory_space<vmem>>
        %dma_start3A_793 = tpu.memref_squeeze %dma_start3A_792 : memref<1x1x40xi32, #tpu.memory_space<vmem>> -> memref<40xi32, #tpu.memory_space<vmem>>
        %dma_start3A_794 = arith.constant 0 : i32
        %dma_start3A_795 = arith.constant 0 : i32
        %dma_start3A_796 = tpu.memref_slice %arg4[%dma_start3A_794, %dma_start3A_795] : memref<10000x128xf32, #tpu.memory_space<hbm>> -> memref<10000x128xf32, #tpu.memory_space<hbm>>
        tpu.enqueue_indirect_dma source(%dma_start3A_796 : memref<10000x128xf32, #tpu.memory_space<hbm>>) target(%dma_start3A_790 : memref<40x128xf32, #tpu.memory_space<vmem>>) offsets(%dma_start3A_793 : memref<40xi32, #tpu.memory_space<vmem>>) semaphore(%arg13 : memref<!tpu.dma_semaphore, #tpu.memory_space<semaphore_mem>>)
        %mul3A_797 = arith.constant 10000 : i32
        %mul3A_798 = arith.muli %add3A, %mul3A_797 : i32
        %mul3A_799 = arith.constant 40 : i32
        %mul3A_800 = arith.muli %add3A_757, %mul3A_799 : i32
        %add3A_801 = arith.addi %mul3A_798, %mul3A_800 : i32
        %multiple_of3A_802 = tpu.assume_multiple %add3A_801, 8 : i32
        %dma_start3A_803 = arith.constant 0 : i32
        %dma_start3A_804 = arith.constant 0 : i32
        %dma_start3A_805 = arith.constant 0 : i32
        %dma_start3A_806 = tpu.memref_slice %arg10[%dma_start3A_803, %dma_start3A_804, %dma_start3A_805] : memref<2x40x128xf32, #tpu.memory_space<vmem>> -> memref<1x40x128xf32, #tpu.memory_space<vmem>>
        %dma_start3A_807 = tpu.memref_squeeze %dma_start3A_806 : memref<1x40x128xf32, #tpu.memory_space<vmem>> -> memref<40x128xf32, #tpu.memory_space<vmem>>
        %dma_start3A_808 = arith.constant 0 : i32
        %dma_start3A_809 = tpu.memref_slice %arg5[%multiple_of3A_802, %dma_start3A_808] : memref<320000x128xf32, #tpu.memory_space<hbm>> -> memref<40x128xf32, #tpu.memory_space<hbm>>
        %dma_start3A_810 = arith.constant 0 : i32
        %dma_start3A_811 = arith.constant 0 : i32
        %dma_start3A_812 = tpu.memref_slice %arg10[%dma_start3A_803, %dma_start3A_810, %dma_start3A_811] : memref<2x40x128xf32, #tpu.memory_space<vmem>> -> memref<1x40x128xf32, #tpu.memory_space<vmem>>
        %dma_start3A_813 = tpu.memref_squeeze %dma_start3A_812 : memref<1x40x128xf32, #tpu.memory_space<vmem>> -> memref<40x128xf32, #tpu.memory_space<vmem>>
        %dma_start3A_814 = arith.constant 0 : i32
        %dma_start3A_815 = tpu.memref_slice %arg5[%multiple_of3A_802, %dma_start3A_814] : memref<320000x128xf32, #tpu.memory_space<hbm>> -> memref<40x128xf32, #tpu.memory_space<hbm>>
        tpu.enqueue_dma source(%dma_start3A_815 : memref<40x128xf32, #tpu.memory_space<hbm>>) target(%dma_start3A_813 : memref<40x128xf32, #tpu.memory_space<vmem>>) target_semaphore(%arg15 : memref<!tpu.dma_semaphore, #tpu.memory_space<semaphore_mem>>)
      } else {
      }
      %jit3A_550 = arith.constant 25 : i32
      %div3A_551 = arith.divsi %add3A_435, %jit3A_550 : i32
      %sign3A_552 = arith.constant 0 : i32
      %sign3A_553 = arith.cmpi sgt, %add3A_435, %sign3A_552 : i32
      %sign3A_554 = arith.extui %sign3A_553 : i1 to i32
      %sign3A_555 = arith.constant 0 : i32
      %sign3A_556 = arith.cmpi slt, %add3A_435, %sign3A_555 : i32
      %sign3A_557 = arith.extui %sign3A_556 : i1 to i32
      %sign3A_558 = arith.subi %sign3A_554, %sign3A_557 : i32
      %sign3A_559 = arith.constant 0 : i32
      %sign3A_560 = arith.cmpi sgt, %jit3A_550, %sign3A_559 : i32
      %sign3A_561 = arith.extui %sign3A_560 : i1 to i32
      %sign3A_562 = arith.constant 0 : i32
      %sign3A_563 = arith.cmpi slt, %jit3A_550, %sign3A_562 : i32
      %sign3A_564 = arith.extui %sign3A_563 : i1 to i32
      %sign3A_565 = arith.subi %sign3A_561, %sign3A_564 : i32
      %ne3A_566 = arith.cmpi ne, %sign3A_558, %sign3A_565 : i32
      %rem3A_567 = arith.remsi %add3A_435, %jit3A_550 : i32
      %ne3A_568 = arith.constant 0 : i32
      %ne3A_569 = arith.cmpi ne, %rem3A_567, %ne3A_568 : i32
      %and3A_570 = arith.andi %ne3A_566, %ne3A_569 : i1
      %sub3A_571 = arith.constant 1 : i32
      %sub3A_572 = arith.subi %div3A_551, %sub3A_571 : i32
      %select_n3A_573 = arith.select %and3A_570, %sub3A_572, %div3A_551 : i32
      %rem3A_574 = arith.constant 2 : i32
      %rem3A_575 = arith.remsi %select_n3A_573, %rem3A_574 : i32
      %rem3A_576 = arith.constant 25 : i32
      %rem3A_577 = arith.remsi %add3A_435, %rem3A_576 : i32
      %dma_start3A_578 = arith.constant 0 : i32
      %dma_start3A_579 = arith.constant 0 : i32
      %dma_start3A_580 = arith.constant 0 : i32
      %dma_start3A_581 = tpu.memref_slice %arg11[%dma_start3A_578, %dma_start3A_579, %dma_start3A_580] : memref<2x40x128xf32, #tpu.memory_space<vmem>> -> memref<1x40x128xf32, #tpu.memory_space<vmem>>
      %dma_start3A_582 = tpu.memref_squeeze %dma_start3A_581 : memref<1x40x128xf32, #tpu.memory_space<vmem>> -> memref<40x128xf32, #tpu.memory_space<vmem>>
      %dma_start3A_583 = arith.constant 0 : i32
      %dma_start3A_584 = tpu.memref_slice %arg8[%rem3A_575, %rem3A_577, %dma_start3A_583] : memref<2x25x40xi32, #tpu.memory_space<vmem>> -> memref<1x1x40xi32, #tpu.memory_space<vmem>>
      %dma_start3A_585 = tpu.memref_squeeze %dma_start3A_584 : memref<1x1x40xi32, #tpu.memory_space<vmem>> -> memref<40xi32, #tpu.memory_space<vmem>>
      %dma_start3A_586 = arith.constant 0 : i32
      %dma_start3A_587 = arith.constant 0 : i32
      %dma_start3A_588 = tpu.memref_slice %arg12[%dma_start3A_586, %dma_start3A_587] : memref<10000x128xf32, #tpu.memory_space<vmem_shared>> -> memref<10000x128xf32, #tpu.memory_space<vmem_shared>>
      tpu.enqueue_indirect_dma source(%dma_start3A_582 : memref<40x128xf32, #tpu.memory_space<vmem>>) target(%dma_start3A_588 : memref<10000x128xf32, #tpu.memory_space<vmem_shared>>) offsets(%dma_start3A_585 : memref<40xi32, #tpu.memory_space<vmem>>) semaphore(%arg17 : memref<!tpu.dma_semaphore, #tpu.memory_space<semaphore_mem>>) {add = true}
      %mul3A_589 = arith.constant 2 : i32
      %mul3A_590 = arith.muli %scan3A_430, %mul3A_589 : i32
      %add3A_591 = arith.constant 1 : i32
      %add3A_592 = arith.addi %mul3A_590, %add3A_591 : i32
      %rem3A_593 = arith.constant 25 : i32
      %rem3A_594 = arith.remsi %add3A_592, %rem3A_593 : i32
      %jit3A_595 = arith.constant 25 : i32
      %div3A_596 = arith.divsi %add3A_592, %jit3A_595 : i32
      %sign3A_597 = arith.constant 0 : i32
      %sign3A_598 = arith.cmpi sgt, %add3A_592, %sign3A_597 : i32
      %sign3A_599 = arith.extui %sign3A_598 : i1 to i32
      %sign3A_600 = arith.constant 0 : i32
      %sign3A_601 = arith.cmpi slt, %add3A_592, %sign3A_600 : i32
      %sign3A_602 = arith.extui %sign3A_601 : i1 to i32
      %sign3A_603 = arith.subi %sign3A_599, %sign3A_602 : i32
      %sign3A_604 = arith.constant 0 : i32
      %sign3A_605 = arith.cmpi sgt, %jit3A_595, %sign3A_604 : i32
      %sign3A_606 = arith.extui %sign3A_605 : i1 to i32
      %sign3A_607 = arith.constant 0 : i32
      %sign3A_608 = arith.cmpi slt, %jit3A_595, %sign3A_607 : i32
      %sign3A_609 = arith.extui %sign3A_608 : i1 to i32
      %sign3A_610 = arith.subi %sign3A_606, %sign3A_609 : i32
      %ne3A_611 = arith.cmpi ne, %sign3A_603, %sign3A_610 : i32
      %rem3A_612 = arith.remsi %add3A_592, %jit3A_595 : i32
      %ne3A_613 = arith.constant 0 : i32
      %ne3A_614 = arith.cmpi ne, %rem3A_612, %ne3A_613 : i32
      %and3A_615 = arith.andi %ne3A_611, %ne3A_614 : i1
      %sub3A_616 = arith.constant 1 : i32
      %sub3A_617 = arith.subi %div3A_596, %sub3A_616 : i32
      %select_n3A_618 = arith.select %and3A_615, %sub3A_617, %div3A_596 : i32
      %jit3A_619 = arith.constant 25 : i32
      %div3A_620 = arith.divsi %add3A_592, %jit3A_619 : i32
      %sign3A_621 = arith.constant 0 : i32
      %sign3A_622 = arith.cmpi sgt, %add3A_592, %sign3A_621 : i32
      %sign3A_623 = arith.extui %sign3A_622 : i1 to i32
      %sign3A_624 = arith.constant 0 : i32
      %sign3A_625 = arith.cmpi slt, %add3A_592, %sign3A_624 : i32
      %sign3A_626 = arith.extui %sign3A_625 : i1 to i32
      %sign3A_627 = arith.subi %sign3A_623, %sign3A_626 : i32
      %sign3A_628 = arith.constant 0 : i32
      %sign3A_629 = arith.cmpi sgt, %jit3A_619, %sign3A_628 : i32
      %sign3A_630 = arith.extui %sign3A_629 : i1 to i32
      %sign3A_631 = arith.constant 0 : i32
      %sign3A_632 = arith.cmpi slt, %jit3A_619, %sign3A_631 : i32
      %sign3A_633 = arith.extui %sign3A_632 : i1 to i32
      %sign3A_634 = arith.subi %sign3A_630, %sign3A_633 : i32
      %ne3A_635 = arith.cmpi ne, %sign3A_627, %sign3A_634 : i32
      %rem3A_636 = arith.remsi %add3A_592, %jit3A_619 : i32
      %ne3A_637 = arith.constant 0 : i32
      %ne3A_638 = arith.cmpi ne, %rem3A_636, %ne3A_637 : i32
      %and3A_639 = arith.andi %ne3A_635, %ne3A_638 : i1
      %sub3A_640 = arith.constant 1 : i32
      %sub3A_641 = arith.subi %div3A_620, %sub3A_640 : i32
      %select_n3A_642 = arith.select %and3A_639, %sub3A_641, %div3A_620 : i32
      %rem3A_643 = arith.constant 2 : i32
      %rem3A_644 = arith.remsi %select_n3A_642, %rem3A_643 : i32
      %rem3A_645 = arith.constant 25 : i32
      %rem3A_646 = arith.remsi %add3A_592, %rem3A_645 : i32
      %dma_wait3A_647 = arith.constant 1 : i32
      %dma_wait3A_648 = arith.constant 0 : i32
      %dma_wait3A_649 = arith.constant 0 : i32
      %dma_wait3A_650 = tpu.memref_slice %arg9[%dma_wait3A_647, %dma_wait3A_648, %dma_wait3A_649] : memref<2x40x128xf32, #tpu.memory_space<vmem>> -> memref<1x40x128xf32, #tpu.memory_space<vmem>>
      %dma_wait3A_651 = tpu.memref_squeeze %dma_wait3A_650 : memref<1x40x128xf32, #tpu.memory_space<vmem>> -> memref<40x128xf32, #tpu.memory_space<vmem>>
      %dma_wait3A_652 = arith.constant 0 : i32
      %dma_wait3A_653 = tpu.memref_slice %arg7[%rem3A_644, %rem3A_646, %dma_wait3A_652] : memref<2x25x40xi32, #tpu.memory_space<vmem>> -> memref<1x1x40xi32, #tpu.memory_space<vmem>>
      %dma_wait3A_654 = tpu.memref_squeeze %dma_wait3A_653 : memref<1x1x40xi32, #tpu.memory_space<vmem>> -> memref<40xi32, #tpu.memory_space<vmem>>
      %dma_wait3A_655 = arith.constant 0 : i32
      %dma_wait3A_656 = arith.constant 0 : i32
      %dma_wait3A_657 = tpu.memref_slice %arg4[%dma_wait3A_655, %dma_wait3A_656] : memref<10000x128xf32, #tpu.memory_space<hbm>> -> memref<10000x128xf32, #tpu.memory_space<hbm>>
      tpu.wait_indirect_dma semaphore(%arg14 : memref<!tpu.dma_semaphore, #tpu.memory_space<semaphore_mem>>) src(%dma_wait3A_657 : memref<10000x128xf32, #tpu.memory_space<hbm>>) dst(%dma_wait3A_651 : memref<40x128xf32, #tpu.memory_space<vmem>>)
      %mul3A_658 = arith.constant 10000 : i32
      %mul3A_659 = arith.muli %add3A, %mul3A_658 : i32
      %mul3A_660 = arith.constant 40 : i32
      %mul3A_661 = arith.muli %add3A_592, %mul3A_660 : i32
      %add3A_662 = arith.addi %mul3A_659, %mul3A_661 : i32
      %multiple_of3A_663 = tpu.assume_multiple %add3A_662, 8 : i32
      %dma_wait3A_664 = arith.constant 1 : i32
      %dma_wait3A_665 = arith.constant 0 : i32
      %dma_wait3A_666 = arith.constant 0 : i32
      %dma_wait3A_667 = tpu.memref_slice %arg10[%dma_wait3A_664, %dma_wait3A_665, %dma_wait3A_666] : memref<2x40x128xf32, #tpu.memory_space<vmem>> -> memref<1x40x128xf32, #tpu.memory_space<vmem>>
      %dma_wait3A_668 = tpu.memref_squeeze %dma_wait3A_667 : memref<1x40x128xf32, #tpu.memory_space<vmem>> -> memref<40x128xf32, #tpu.memory_space<vmem>>
      %dma_wait3A_669 = arith.constant 0 : i32
      %dma_wait3A_670 = tpu.memref_slice %arg5[%multiple_of3A_663, %dma_wait3A_669] : memref<320000x128xf32, #tpu.memory_space<hbm>> -> memref<40x128xf32, #tpu.memory_space<hbm>>
      %dma_wait3A_671 = arith.constant 0 : i32
      %dma_wait3A_672 = arith.constant 0 : i32
      %dma_wait3A_673 = tpu.memref_slice %arg10[%dma_wait3A_664, %dma_wait3A_671, %dma_wait3A_672] : memref<2x40x128xf32, #tpu.memory_space<vmem>> -> memref<1x40x128xf32, #tpu.memory_space<vmem>>
      %dma_wait3A_674 = tpu.memref_squeeze %dma_wait3A_673 : memref<1x40x128xf32, #tpu.memory_space<vmem>> -> memref<40x128xf32, #tpu.memory_space<vmem>>
      %dma_wait3A_675 = arith.constant 0 : i32
      %dma_wait3A_676 = tpu.memref_slice %arg5[%multiple_of3A_663, %dma_wait3A_675] : memref<320000x128xf32, #tpu.memory_space<hbm>> -> memref<40x128xf32, #tpu.memory_space<hbm>>
      tpu.wait_dma2 semaphore(%arg16 : memref<!tpu.dma_semaphore, #tpu.memory_space<semaphore_mem>>) src(%dma_wait3A_676 : memref<40x128xf32, #tpu.memory_space<hbm>>) dst(%dma_wait3A_674 : memref<40x128xf32, #tpu.memory_space<vmem>>)
      %ge3A_677 = arith.constant 2 : i32
      %ge3A_678 = arith.cmpi sge, %add3A_592, %ge3A_677 : i32
      %convert_element_type3A_679 = arith.extui %ge3A_678 : i1 to i32
      %cond3A_680 = arith.constant 0 : i32
      %cond3A_681 = arith.cmpi ne, %convert_element_type3A_679, %cond3A_680 : i32
      scf.if %cond3A_681 {
        %dma_wait3A_756 = arith.constant 1 : i32
        %dma_wait3A_757 = arith.constant 0 : i32
        %dma_wait3A_758 = arith.constant 0 : i32
        %dma_wait3A_759 = arith.constant 0 : i32
        %dma_wait3A_760 = arith.constant 0 : i32
        %dma_wait3A_761 = tpu.memref_slice %arg11[%dma_wait3A_756, %dma_wait3A_759, %dma_wait3A_760] : memref<2x40x128xf32, #tpu.memory_space<vmem>> -> memref<1x40x128xf32, #tpu.memory_space<vmem>>
        %dma_wait3A_762 = tpu.memref_squeeze %dma_wait3A_761 : memref<1x40x128xf32, #tpu.memory_space<vmem>> -> memref<40x128xf32, #tpu.memory_space<vmem>>
        %dma_wait3A_763 = arith.constant 0 : i32
        %dma_wait3A_764 = tpu.memref_slice %arg8[%dma_wait3A_757, %dma_wait3A_758, %dma_wait3A_763] : memref<2x25x40xi32, #tpu.memory_space<vmem>> -> memref<1x1x40xi32, #tpu.memory_space<vmem>>
        %dma_wait3A_765 = tpu.memref_squeeze %dma_wait3A_764 : memref<1x1x40xi32, #tpu.memory_space<vmem>> -> memref<40xi32, #tpu.memory_space<vmem>>
        %dma_wait3A_766 = arith.constant 0 : i32
        %dma_wait3A_767 = arith.constant 0 : i32
        %dma_wait3A_768 = tpu.memref_slice %arg12[%dma_wait3A_766, %dma_wait3A_767] : memref<10000x128xf32, #tpu.memory_space<vmem_shared>> -> memref<10000x128xf32, #tpu.memory_space<vmem_shared>>
        tpu.wait_indirect_dma semaphore(%arg18 : memref<!tpu.dma_semaphore, #tpu.memory_space<semaphore_mem>>) src(%dma_wait3A_762 : memref<40x128xf32, #tpu.memory_space<vmem>>) dst(%dma_wait3A_768 : memref<10000x128xf32, #tpu.memory_space<vmem_shared>>)
      } else {
      }
      %scan3A_682 = arith.constant 0 : i32
      %scan3A_683 = arith.constant 0 : i32
      %scan3A_684 = arith.constant 40 : i32
      %scan3A_685 = arith.addi %scan3A_683, %scan3A_684 : i32
      %scan3A_686 = arith.constant 1 : i32
      %scan3A_687 = scf.for %scan3A_756 = %scan3A_683 to %scan3A_685 step %scan3A_686 iter_args(%scan3A_757 = %scan3A_682) -> (i32)  : i32 {
        %get3A = arith.constant 1 : i32
        %get3A_758 = arith.index_cast %get3A : i32 to index
        %get3A_759 = arith.index_cast %scan3A_756 : i32 to index
        %get3A_760 = arith.constant 0 : index
        %get3A_761 = tpu.vector_load %arg9[%get3A_758, %get3A_759, %get3A_760] {strides = array<i32>} : memref<2x40x128xf32, #tpu.memory_space<vmem>>, vector<1x1x16xf32>,
        %get3A_762 = vector.shape_cast %get3A_761 : vector<1x1x16xf32> to vector<16xf32>
        %get3A_763 = arith.constant 1 : i32
        %get3A_764 = arith.index_cast %get3A_763 : i32 to index
        %get3A_765 = arith.index_cast %scan3A_756 : i32 to index
        %get3A_766 = arith.constant 0 : index
        %get3A_767 = tpu.vector_load %arg10[%get3A_764, %get3A_765, %get3A_766] {strides = array<i32>} : memref<2x40x128xf32, #tpu.memory_space<vmem>>, vector<1x1x16xf32>,
        %get3A_768 = vector.shape_cast %get3A_767 : vector<1x1x16xf32> to vector<16xf32>
        %add3A_769 = arith.addf %get3A_762, %get3A_768 : vector<16xf32>
        %max3A = arith.constant 0.000000e+00 : f32
        %max3A_770 = vector.broadcast %max3A : f32 to vector<16xf32>
        %max3A_771 = arith.maximumf %add3A_769, %max3A_770 : vector<16xf32>
        %swap3A = arith.constant 1 : i32
        %swap3A_772 = arith.index_cast %swap3A : i32 to index
        %swap3A_773 = arith.index_cast %scan3A_756 : i32 to index
        %swap3A_774 = arith.constant 0 : index
        %swap3A_775 = tpu.vector_load %arg11[%swap3A_772, %swap3A_773, %swap3A_774] {strides = array<i32>} : memref<2x40x128xf32, #tpu.memory_space<vmem>>, vector<1x1x16xf32>,
        %swap3A_776 = vector.shape_cast %swap3A_775 : vector<1x1x16xf32> to vector<16xf32>
        %swap3A_777 = vector.shape_cast %max3A_771 : vector<16xf32> to vector<1x1x16xf32>
        tpu.vector_store %arg11[%swap3A_772, %swap3A_773, %swap3A_774], %swap3A_777 {strides = array<i32>} : memref<2x40x128xf32, #tpu.memory_space<vmem>>, vector<1x1x16xf32>,
        %get3A_778 = arith.constant 1 : i32
        %get3A_779 = arith.index_cast %get3A_778 : i32 to index
        %get3A_780 = arith.index_cast %scan3A_756 : i32 to index
        %get3A_781 = arith.constant 16 : index
        %get3A_782 = tpu.vector_load %arg9[%get3A_779, %get3A_780, %get3A_781] {strides = array<i32>} : memref<2x40x128xf32, #tpu.memory_space<vmem>>, vector<1x1x16xf32>,
        %get3A_783 = vector.shape_cast %get3A_782 : vector<1x1x16xf32> to vector<16xf32>
        %get3A_784 = arith.constant 1 : i32
        %get3A_785 = arith.index_cast %get3A_784 : i32 to index
        %get3A_786 = arith.index_cast %scan3A_756 : i32 to index
        %get3A_787 = arith.constant 16 : index
        %get3A_788 = tpu.vector_load %arg10[%get3A_785, %get3A_786, %get3A_787] {strides = array<i32>} : memref<2x40x128xf32, #tpu.memory_space<vmem>>, vector<1x1x16xf32>,
        %get3A_789 = vector.shape_cast %get3A_788 : vector<1x1x16xf32> to vector<16xf32>
        %add3A_790 = arith.addf %get3A_783, %get3A_789 : vector<16xf32>
        %max3A_791 = arith.constant 0.000000e+00 : f32
        %max3A_792 = vector.broadcast %max3A_791 : f32 to vector<16xf32>
        %max3A_793 = arith.maximumf %add3A_790, %max3A_792 : vector<16xf32>
        %swap3A_794 = arith.constant 1 : i32
        %swap3A_795 = arith.index_cast %swap3A_794 : i32 to index
        %swap3A_796 = arith.index_cast %scan3A_756 : i32 to index
        %swap3A_797 = arith.constant 16 : index
        %swap3A_798 = tpu.vector_load %arg11[%swap3A_795, %swap3A_796, %swap3A_797] {strides = array<i32>} : memref<2x40x128xf32, #tpu.memory_space<vmem>>, vector<1x1x16xf32>,
        %swap3A_799 = vector.shape_cast %swap3A_798 : vector<1x1x16xf32> to vector<16xf32>
        %swap3A_800 = vector.shape_cast %max3A_793 : vector<16xf32> to vector<1x1x16xf32>
        tpu.vector_store %arg11[%swap3A_795, %swap3A_796, %swap3A_797], %swap3A_800 {strides = array<i32>} : memref<2x40x128xf32, #tpu.memory_space<vmem>>, vector<1x1x16xf32>,
        %get3A_801 = arith.constant 1 : i32
        %get3A_802 = arith.index_cast %get3A_801 : i32 to index
        %get3A_803 = arith.index_cast %scan3A_756 : i32 to index
        %get3A_804 = arith.constant 32 : index
        %get3A_805 = tpu.vector_load %arg9[%get3A_802, %get3A_803, %get3A_804] {strides = array<i32>} : memref<2x40x128xf32, #tpu.memory_space<vmem>>, vector<1x1x16xf32>,
        %get3A_806 = vector.shape_cast %get3A_805 : vector<1x1x16xf32> to vector<16xf32>
        %get3A_807 = arith.constant 1 : i32
        %get3A_808 = arith.index_cast %get3A_807 : i32 to index
        %get3A_809 = arith.index_cast %scan3A_756 : i32 to index
        %get3A_810 = arith.constant 32 : index
        %get3A_811 = tpu.vector_load %arg10[%get3A_808, %get3A_809, %get3A_810] {strides = array<i32>} : memref<2x40x128xf32, #tpu.memory_space<vmem>>, vector<1x1x16xf32>,
        %get3A_812 = vector.shape_cast %get3A_811 : vector<1x1x16xf32> to vector<16xf32>
        %add3A_813 = arith.addf %get3A_806, %get3A_812 : vector<16xf32>
        %max3A_814 = arith.constant 0.000000e+00 : f32
        %max3A_815 = vector.broadcast %max3A_814 : f32 to vector<16xf32>
        %max3A_816 = arith.maximumf %add3A_813, %max3A_815 : vector<16xf32>
        %swap3A_817 = arith.constant 1 : i32
        %swap3A_818 = arith.index_cast %swap3A_817 : i32 to index
        %swap3A_819 = arith.index_cast %scan3A_756 : i32 to index
        %swap3A_820 = arith.constant 32 : index
        %swap3A_821 = tpu.vector_load %arg11[%swap3A_818, %swap3A_819, %swap3A_820] {strides = array<i32>} : memref<2x40x128xf32, #tpu.memory_space<vmem>>, vector<1x1x16xf32>,
        %swap3A_822 = vector.shape_cast %swap3A_821 : vector<1x1x16xf32> to vector<16xf32>
        %swap3A_823 = vector.shape_cast %max3A_816 : vector<16xf32> to vector<1x1x16xf32>
        tpu.vector_store %arg11[%swap3A_818, %swap3A_819, %swap3A_820], %swap3A_823 {strides = array<i32>} : memref<2x40x128xf32, #tpu.memory_space<vmem>>, vector<1x1x16xf32>,
        %get3A_824 = arith.constant 1 : i32
        %get3A_825 = arith.index_cast %get3A_824 : i32 to index
        %get3A_826 = arith.index_cast %scan3A_756 : i32 to index
        %get3A_827 = arith.constant 48 : index
        %get3A_828 = tpu.vector_load %arg9[%get3A_825, %get3A_826, %get3A_827] {strides = array<i32>} : memref<2x40x128xf32, #tpu.memory_space<vmem>>, vector<1x1x16xf32>,
        %get3A_829 = vector.shape_cast %get3A_828 : vector<1x1x16xf32> to vector<16xf32>
        %get3A_830 = arith.constant 1 : i32
        %get3A_831 = arith.index_cast %get3A_830 : i32 to index
        %get3A_832 = arith.index_cast %scan3A_756 : i32 to index
        %get3A_833 = arith.constant 48 : index
        %get3A_834 = tpu.vector_load %arg10[%get3A_831, %get3A_832, %get3A_833] {strides = array<i32>} : memref<2x40x128xf32, #tpu.memory_space<vmem>>, vector<1x1x16xf32>,
        %get3A_835 = vector.shape_cast %get3A_834 : vector<1x1x16xf32> to vector<16xf32>
        %add3A_836 = arith.addf %get3A_829, %get3A_835 : vector<16xf32>
        %max3A_837 = arith.constant 0.000000e+00 : f32
        %max3A_838 = vector.broadcast %max3A_837 : f32 to vector<16xf32>
        %max3A_839 = arith.maximumf %add3A_836, %max3A_838 : vector<16xf32>
        %swap3A_840 = arith.constant 1 : i32
        %swap3A_841 = arith.index_cast %swap3A_840 : i32 to index
        %swap3A_842 = arith.index_cast %scan3A_756 : i32 to index
        %swap3A_843 = arith.constant 48 : index
        %swap3A_844 = tpu.vector_load %arg11[%swap3A_841, %swap3A_842, %swap3A_843] {strides = array<i32>} : memref<2x40x128xf32, #tpu.memory_space<vmem>>, vector<1x1x16xf32>,
        %swap3A_845 = vector.shape_cast %swap3A_844 : vector<1x1x16xf32> to vector<16xf32>
        %swap3A_846 = vector.shape_cast %max3A_839 : vector<16xf32> to vector<1x1x16xf32>
        tpu.vector_store %arg11[%swap3A_841, %swap3A_842, %swap3A_843], %swap3A_846 {strides = array<i32>} : memref<2x40x128xf32, #tpu.memory_space<vmem>>, vector<1x1x16xf32>,
        %get3A_847 = arith.constant 1 : i32
        %get3A_848 = arith.index_cast %get3A_847 : i32 to index
        %get3A_849 = arith.index_cast %scan3A_756 : i32 to index
        %get3A_850 = arith.constant 64 : index
        %get3A_851 = tpu.vector_load %arg9[%get3A_848, %get3A_849, %get3A_850] {strides = array<i32>} : memref<2x40x128xf32, #tpu.memory_space<vmem>>, vector<1x1x16xf32>,
        %get3A_852 = vector.shape_cast %get3A_851 : vector<1x1x16xf32> to vector<16xf32>
        %get3A_853 = arith.constant 1 : i32
        %get3A_854 = arith.index_cast %get3A_853 : i32 to index
        %get3A_855 = arith.index_cast %scan3A_756 : i32 to index
        %get3A_856 = arith.constant 64 : index
        %get3A_857 = tpu.vector_load %arg10[%get3A_854, %get3A_855, %get3A_856] {strides = array<i32>} : memref<2x40x128xf32, #tpu.memory_space<vmem>>, vector<1x1x16xf32>,
        %get3A_858 = vector.shape_cast %get3A_857 : vector<1x1x16xf32> to vector<16xf32>
        %add3A_859 = arith.addf %get3A_852, %get3A_858 : vector<16xf32>
        %max3A_860 = arith.constant 0.000000e+00 : f32
        %max3A_861 = vector.broadcast %max3A_860 : f32 to vector<16xf32>
        %max3A_862 = arith.maximumf %add3A_859, %max3A_861 : vector<16xf32>
        %swap3A_863 = arith.constant 1 : i32
        %swap3A_864 = arith.index_cast %swap3A_863 : i32 to index
        %swap3A_865 = arith.index_cast %scan3A_756 : i32 to index
        %swap3A_866 = arith.constant 64 : index
        %swap3A_867 = tpu.vector_load %arg11[%swap3A_864, %swap3A_865, %swap3A_866] {strides = array<i32>} : memref<2x40x128xf32, #tpu.memory_space<vmem>>, vector<1x1x16xf32>,
        %swap3A_868 = vector.shape_cast %swap3A_867 : vector<1x1x16xf32> to vector<16xf32>
        %swap3A_869 = vector.shape_cast %max3A_862 : vector<16xf32> to vector<1x1x16xf32>
        tpu.vector_store %arg11[%swap3A_864, %swap3A_865, %swap3A_866], %swap3A_869 {strides = array<i32>} : memref<2x40x128xf32, #tpu.memory_space<vmem>>, vector<1x1x16xf32>,
        %get3A_870 = arith.constant 1 : i32
        %get3A_871 = arith.index_cast %get3A_870 : i32 to index
        %get3A_872 = arith.index_cast %scan3A_756 : i32 to index
        %get3A_873 = arith.constant 80 : index
        %get3A_874 = tpu.vector_load %arg9[%get3A_871, %get3A_872, %get3A_873] {strides = array<i32>} : memref<2x40x128xf32, #tpu.memory_space<vmem>>, vector<1x1x16xf32>,
        %get3A_875 = vector.shape_cast %get3A_874 : vector<1x1x16xf32> to vector<16xf32>
        %get3A_876 = arith.constant 1 : i32
        %get3A_877 = arith.index_cast %get3A_876 : i32 to index
        %get3A_878 = arith.index_cast %scan3A_756 : i32 to index
        %get3A_879 = arith.constant 80 : index
        %get3A_880 = tpu.vector_load %arg10[%get3A_877, %get3A_878, %get3A_879] {strides = array<i32>} : memref<2x40x128xf32, #tpu.memory_space<vmem>>, vector<1x1x16xf32>,
        %get3A_881 = vector.shape_cast %get3A_880 : vector<1x1x16xf32> to vector<16xf32>
        %add3A_882 = arith.addf %get3A_875, %get3A_881 : vector<16xf32>
        %max3A_883 = arith.constant 0.000000e+00 : f32
        %max3A_884 = vector.broadcast %max3A_883 : f32 to vector<16xf32>
        %max3A_885 = arith.maximumf %add3A_882, %max3A_884 : vector<16xf32>
        %swap3A_886 = arith.constant 1 : i32
        %swap3A_887 = arith.index_cast %swap3A_886 : i32 to index
        %swap3A_888 = arith.index_cast %scan3A_756 : i32 to index
        %swap3A_889 = arith.constant 80 : index
        %swap3A_890 = tpu.vector_load %arg11[%swap3A_887, %swap3A_888, %swap3A_889] {strides = array<i32>} : memref<2x40x128xf32, #tpu.memory_space<vmem>>, vector<1x1x16xf32>,
        %swap3A_891 = vector.shape_cast %swap3A_890 : vector<1x1x16xf32> to vector<16xf32>
        %swap3A_892 = vector.shape_cast %max3A_885 : vector<16xf32> to vector<1x1x16xf32>
        tpu.vector_store %arg11[%swap3A_887, %swap3A_888, %swap3A_889], %swap3A_892 {strides = array<i32>} : memref<2x40x128xf32, #tpu.memory_space<vmem>>, vector<1x1x16xf32>,
        %get3A_893 = arith.constant 1 : i32
        %get3A_894 = arith.index_cast %get3A_893 : i32 to index
        %get3A_895 = arith.index_cast %scan3A_756 : i32 to index
        %get3A_896 = arith.constant 96 : index
        %get3A_897 = tpu.vector_load %arg9[%get3A_894, %get3A_895, %get3A_896] {strides = array<i32>} : memref<2x40x128xf32, #tpu.memory_space<vmem>>, vector<1x1x16xf32>,
        %get3A_898 = vector.shape_cast %get3A_897 : vector<1x1x16xf32> to vector<16xf32>
        %get3A_899 = arith.constant 1 : i32
        %get3A_900 = arith.index_cast %get3A_899 : i32 to index
        %get3A_901 = arith.index_cast %scan3A_756 : i32 to index
        %get3A_902 = arith.constant 96 : index
        %get3A_903 = tpu.vector_load %arg10[%get3A_900, %get3A_901, %get3A_902] {strides = array<i32>} : memref<2x40x128xf32, #tpu.memory_space<vmem>>, vector<1x1x16xf32>,
        %get3A_904 = vector.shape_cast %get3A_903 : vector<1x1x16xf32> to vector<16xf32>
        %add3A_905 = arith.addf %get3A_898, %get3A_904 : vector<16xf32>
        %max3A_906 = arith.constant 0.000000e+00 : f32
        %max3A_907 = vector.broadcast %max3A_906 : f32 to vector<16xf32>
        %max3A_908 = arith.maximumf %add3A_905, %max3A_907 : vector<16xf32>
        %swap3A_909 = arith.constant 1 : i32
        %swap3A_910 = arith.index_cast %swap3A_909 : i32 to index
        %swap3A_911 = arith.index_cast %scan3A_756 : i32 to index
        %swap3A_912 = arith.constant 96 : index
        %swap3A_913 = tpu.vector_load %arg11[%swap3A_910, %swap3A_911, %swap3A_912] {strides = array<i32>} : memref<2x40x128xf32, #tpu.memory_space<vmem>>, vector<1x1x16xf32>,
        %swap3A_914 = vector.shape_cast %swap3A_913 : vector<1x1x16xf32> to vector<16xf32>
        %swap3A_915 = vector.shape_cast %max3A_908 : vector<16xf32> to vector<1x1x16xf32>
        tpu.vector_store %arg11[%swap3A_910, %swap3A_911, %swap3A_912], %swap3A_915 {strides = array<i32>} : memref<2x40x128xf32, #tpu.memory_space<vmem>>, vector<1x1x16xf32>,
        %get3A_916 = arith.constant 1 : i32
        %get3A_917 = arith.index_cast %get3A_916 : i32 to index
        %get3A_918 = arith.index_cast %scan3A_756 : i32 to index
        %get3A_919 = arith.constant 112 : index
        %get3A_920 = tpu.vector_load %arg9[%get3A_917, %get3A_918, %get3A_919] {strides = array<i32>} : memref<2x40x128xf32, #tpu.memory_space<vmem>>, vector<1x1x16xf32>,
        %get3A_921 = vector.shape_cast %get3A_920 : vector<1x1x16xf32> to vector<16xf32>
        %get3A_922 = arith.constant 1 : i32
        %get3A_923 = arith.index_cast %get3A_922 : i32 to index
        %get3A_924 = arith.index_cast %scan3A_756 : i32 to index
        %get3A_925 = arith.constant 112 : index
        %get3A_926 = tpu.vector_load %arg10[%get3A_923, %get3A_924, %get3A_925] {strides = array<i32>} : memref<2x40x128xf32, #tpu.memory_space<vmem>>, vector<1x1x16xf32>,
        %get3A_927 = vector.shape_cast %get3A_926 : vector<1x1x16xf32> to vector<16xf32>
        %add3A_928 = arith.addf %get3A_921, %get3A_927 : vector<16xf32>
        %max3A_929 = arith.constant 0.000000e+00 : f32
        %max3A_930 = vector.broadcast %max3A_929 : f32 to vector<16xf32>
        %max3A_931 = arith.maximumf %add3A_928, %max3A_930 : vector<16xf32>
        %swap3A_932 = arith.constant 1 : i32
        %swap3A_933 = arith.index_cast %swap3A_932 : i32 to index
        %swap3A_934 = arith.index_cast %scan3A_756 : i32 to index
        %swap3A_935 = arith.constant 112 : index
        %swap3A_936 = tpu.vector_load %arg11[%swap3A_933, %swap3A_934, %swap3A_935] {strides = array<i32>} : memref<2x40x128xf32, #tpu.memory_space<vmem>>, vector<1x1x16xf32>,
        %swap3A_937 = vector.shape_cast %swap3A_936 : vector<1x1x16xf32> to vector<16xf32>
        %swap3A_938 = vector.shape_cast %max3A_931 : vector<16xf32> to vector<1x1x16xf32>
        tpu.vector_store %arg11[%swap3A_933, %swap3A_934, %swap3A_935], %swap3A_938 {strides = array<i32>} : memref<2x40x128xf32, #tpu.memory_space<vmem>>, vector<1x1x16xf32>,
        %scan3A_939 = arith.constant 0 : i32
        scf.yield %scan3A_939 : i32
      }
      %scan3A_688 = arith.constant 40 : i32
      %eq3A_689 = arith.constant 4 : i32
      %eq3A_690 = arith.cmpi eq, %rem3A_594, %eq3A_689 : i32
      %add3A_691 = arith.constant 1 : i32
      %add3A_692 = arith.addi %select_n3A_618, %add3A_691 : i32
      %lt3A_693 = arith.constant 10 : i32
      %lt3A_694 = arith.cmpi slt, %add3A_692, %lt3A_693 : i32
      %and3A_695 = arith.andi %eq3A_690, %lt3A_694 : i1
      %convert_element_type3A_696 = arith.extui %and3A_695 : i1 to i32
      %cond3A_697 = arith.constant 0 : i32
      %cond3A_698 = arith.cmpi ne, %convert_element_type3A_696, %cond3A_697 : i32
      scf.if %cond3A_698 {
        %add3A_756 = arith.constant 1 : i32
        %add3A_757 = arith.addi %select_n3A_618, %add3A_756 : i32
        %rem3A_758 = arith.constant 2 : i32
        %rem3A_759 = arith.remsi %add3A_757, %rem3A_758 : i32
        %dma_start3A_760 = arith.constant 0 : i32
        %dma_start3A_761 = arith.constant 0 : i32
        %dma_start3A_762 = tpu.memref_slice %arg7[%rem3A_759, %dma_start3A_760, %dma_start3A_761] : memref<2x25x40xi32, #tpu.memory_space<vmem>> -> memref<1x25x40xi32, #tpu.memory_space<vmem>>
        %dma_start3A_763 = tpu.memref_squeeze %dma_start3A_762 : memref<1x25x40xi32, #tpu.memory_space<vmem>> -> memref<25x40xi32, #tpu.memory_space<vmem>>
        %dma_start3A_764 = arith.constant 0 : i32
        %dma_start3A_765 = arith.constant 0 : i32
        %dma_start3A_766 = tpu.memref_slice %arg2[%add3A, %add3A_757, %dma_start3A_764, %dma_start3A_765] : memref<32x10x25x40xi32, #tpu.memory_space<hbm>> -> memref<1x1x25x40xi32, #tpu.memory_space<hbm>>
        %dma_start3A_767 = tpu.memref_squeeze %dma_start3A_766 : memref<1x1x25x40xi32, #tpu.memory_space<hbm>> -> memref<25x40xi32, #tpu.memory_space<hbm>>
        %dma_start3A_768 = arith.constant 0 : i32
        %dma_start3A_769 = arith.constant 0 : i32
        %dma_start3A_770 = tpu.memref_slice %arg7[%rem3A_759, %dma_start3A_768, %dma_start3A_769] : memref<2x25x40xi32, #tpu.memory_space<vmem>> -> memref<1x25x40xi32, #tpu.memory_space<vmem>>
        %dma_start3A_771 = tpu.memref_squeeze %dma_start3A_770 : memref<1x25x40xi32, #tpu.memory_space<vmem>> -> memref<25x40xi32, #tpu.memory_space<vmem>>
        %dma_start3A_772 = arith.constant 0 : i32
        %dma_start3A_773 = arith.constant 0 : i32
        %dma_start3A_774 = tpu.memref_slice %arg2[%add3A, %add3A_757, %dma_start3A_772, %dma_start3A_773] : memref<32x10x25x40xi32, #tpu.memory_space<hbm>> -> memref<1x1x25x40xi32, #tpu.memory_space<hbm>>
        %dma_start3A_775 = tpu.memref_squeeze %dma_start3A_774 : memref<1x1x25x40xi32, #tpu.memory_space<hbm>> -> memref<25x40xi32, #tpu.memory_space<hbm>>
        tpu.enqueue_dma source(%dma_start3A_775 : memref<25x40xi32, #tpu.memory_space<hbm>>) target(%dma_start3A_771 : memref<25x40xi32, #tpu.memory_space<vmem>>) target_semaphore(%arg19 : memref<!tpu.dma_semaphore, #tpu.memory_space<semaphore_mem>>)
        %dma_start3A_776 = arith.constant 0 : i32
        %dma_start3A_777 = arith.constant 0 : i32
        %dma_start3A_778 = tpu.memref_slice %arg8[%rem3A_759, %dma_start3A_776, %dma_start3A_777] : memref<2x25x40xi32, #tpu.memory_space<vmem>> -> memref<1x25x40xi32, #tpu.memory_space<vmem>>
        %dma_start3A_779 = tpu.memref_squeeze %dma_start3A_778 : memref<1x25x40xi32, #tpu.memory_space<vmem>> -> memref<25x40xi32, #tpu.memory_space<vmem>>
        %dma_start3A_780 = arith.constant 0 : i32
        %dma_start3A_781 = arith.constant 0 : i32
        %dma_start3A_782 = tpu.memref_slice %arg3[%add3A, %add3A_757, %dma_start3A_780, %dma_start3A_781] : memref<32x10x25x40xi32, #tpu.memory_space<hbm>> -> memref<1x1x25x40xi32, #tpu.memory_space<hbm>>
        %dma_start3A_783 = tpu.memref_squeeze %dma_start3A_782 : memref<1x1x25x40xi32, #tpu.memory_space<hbm>> -> memref<25x40xi32, #tpu.memory_space<hbm>>
        %dma_start3A_784 = arith.constant 0 : i32
        %dma_start3A_785 = arith.constant 0 : i32
        %dma_start3A_786 = tpu.memref_slice %arg8[%rem3A_759, %dma_start3A_784, %dma_start3A_785] : memref<2x25x40xi32, #tpu.memory_space<vmem>> -> memref<1x25x40xi32, #tpu.memory_space<vmem>>
        %dma_start3A_787 = tpu.memref_squeeze %dma_start3A_786 : memref<1x25x40xi32, #tpu.memory_space<vmem>> -> memref<25x40xi32, #tpu.memory_space<vmem>>
        %dma_start3A_788 = arith.constant 0 : i32
        %dma_start3A_789 = arith.constant 0 : i32
        %dma_start3A_790 = tpu.memref_slice %arg3[%add3A, %add3A_757, %dma_start3A_788, %dma_start3A_789] : memref<32x10x25x40xi32, #tpu.memory_space<hbm>> -> memref<1x1x25x40xi32, #tpu.memory_space<hbm>>
        %dma_start3A_791 = tpu.memref_squeeze %dma_start3A_790 : memref<1x1x25x40xi32, #tpu.memory_space<hbm>> -> memref<25x40xi32, #tpu.memory_space<hbm>>
        tpu.enqueue_dma source(%dma_start3A_791 : memref<25x40xi32, #tpu.memory_space<hbm>>) target(%dma_start3A_787 : memref<25x40xi32, #tpu.memory_space<vmem>>) target_semaphore(%arg19 : memref<!tpu.dma_semaphore, #tpu.memory_space<semaphore_mem>>)
      } else {
      }
      %eq3A_699 = arith.constant 23 : i32
      %eq3A_700 = arith.cmpi eq, %rem3A_594, %eq3A_699 : i32
      %add3A_701 = arith.constant 1 : i32
      %add3A_702 = arith.addi %select_n3A_618, %add3A_701 : i32
      %lt3A_703 = arith.constant 10 : i32
      %lt3A_704 = arith.cmpi slt, %add3A_702, %lt3A_703 : i32
      %and3A_705 = arith.andi %eq3A_700, %lt3A_704 : i1
      %convert_element_type3A_706 = arith.extui %and3A_705 : i1 to i32
      %cond3A_707 = arith.constant 0 : i32
      %cond3A_708 = arith.cmpi ne, %convert_element_type3A_706, %cond3A_707 : i32
      scf.if %cond3A_708 {
        %add3A_756 = arith.constant 1 : i32
        %add3A_757 = arith.addi %select_n3A_618, %add3A_756 : i32
        %rem3A_758 = arith.constant 2 : i32
        %rem3A_759 = arith.remsi %add3A_757, %rem3A_758 : i32
        %dma_wait3A_760 = arith.constant 0 : i32
        %dma_wait3A_761 = arith.constant 0 : i32
        %dma_wait3A_762 = tpu.memref_slice %arg7[%rem3A_759, %dma_wait3A_760, %dma_wait3A_761] : memref<2x25x40xi32, #tpu.memory_space<vmem>> -> memref<1x25x40xi32, #tpu.memory_space<vmem>>
        %dma_wait3A_763 = tpu.memref_squeeze %dma_wait3A_762 : memref<1x25x40xi32, #tpu.memory_space<vmem>> -> memref<25x40xi32, #tpu.memory_space<vmem>>
        %dma_wait3A_764 = arith.constant 0 : i32
        %dma_wait3A_765 = arith.constant 0 : i32
        %dma_wait3A_766 = tpu.memref_slice %arg2[%add3A, %add3A_757, %dma_wait3A_764, %dma_wait3A_765] : memref<32x10x25x40xi32, #tpu.memory_space<hbm>> -> memref<1x1x25x40xi32, #tpu.memory_space<hbm>>
        %dma_wait3A_767 = tpu.memref_squeeze %dma_wait3A_766 : memref<1x1x25x40xi32, #tpu.memory_space<hbm>> -> memref<25x40xi32, #tpu.memory_space<hbm>>
        %dma_wait3A_768 = arith.constant 0 : i32
        %dma_wait3A_769 = arith.constant 0 : i32
        %dma_wait3A_770 = tpu.memref_slice %arg7[%rem3A_759, %dma_wait3A_768, %dma_wait3A_769] : memref<2x25x40xi32, #tpu.memory_space<vmem>> -> memref<1x25x40xi32, #tpu.memory_space<vmem>>
        %dma_wait3A_771 = tpu.memref_squeeze %dma_wait3A_770 : memref<1x25x40xi32, #tpu.memory_space<vmem>> -> memref<25x40xi32, #tpu.memory_space<vmem>>
        %dma_wait3A_772 = arith.constant 0 : i32
        %dma_wait3A_773 = arith.constant 0 : i32
        %dma_wait3A_774 = tpu.memref_slice %arg2[%add3A, %add3A_757, %dma_wait3A_772, %dma_wait3A_773] : memref<32x10x25x40xi32, #tpu.memory_space<hbm>> -> memref<1x1x25x40xi32, #tpu.memory_space<hbm>>
        %dma_wait3A_775 = tpu.memref_squeeze %dma_wait3A_774 : memref<1x1x25x40xi32, #tpu.memory_space<hbm>> -> memref<25x40xi32, #tpu.memory_space<hbm>>
        tpu.wait_dma2 semaphore(%arg19 : memref<!tpu.dma_semaphore, #tpu.memory_space<semaphore_mem>>) src(%dma_wait3A_775 : memref<25x40xi32, #tpu.memory_space<hbm>>) dst(%dma_wait3A_771 : memref<25x40xi32, #tpu.memory_space<vmem>>)
        %dma_wait3A_776 = arith.constant 0 : i32
        %dma_wait3A_777 = arith.constant 0 : i32
        %dma_wait3A_778 = tpu.memref_slice %arg8[%rem3A_759, %dma_wait3A_776, %dma_wait3A_777] : memref<2x25x40xi32, #tpu.memory_space<vmem>> -> memref<1x25x40xi32, #tpu.memory_space<vmem>>
        %dma_wait3A_779 = tpu.memref_squeeze %dma_wait3A_778 : memref<1x25x40xi32, #tpu.memory_space<vmem>> -> memref<25x40xi32, #tpu.memory_space<vmem>>
        %dma_wait3A_780 = arith.constant 0 : i32
        %dma_wait3A_781 = arith.constant 0 : i32
        %dma_wait3A_782 = tpu.memref_slice %arg3[%add3A, %add3A_757, %dma_wait3A_780, %dma_wait3A_781] : memref<32x10x25x40xi32, #tpu.memory_space<hbm>> -> memref<1x1x25x40xi32, #tpu.memory_space<hbm>>
        %dma_wait3A_783 = tpu.memref_squeeze %dma_wait3A_782 : memref<1x1x25x40xi32, #tpu.memory_space<hbm>> -> memref<25x40xi32, #tpu.memory_space<hbm>>
        %dma_wait3A_784 = arith.constant 0 : i32
        %dma_wait3A_785 = arith.constant 0 : i32
        %dma_wait3A_786 = tpu.memref_slice %arg8[%rem3A_759, %dma_wait3A_784, %dma_wait3A_785] : memref<2x25x40xi32, #tpu.memory_space<vmem>> -> memref<1x25x40xi32, #tpu.memory_space<vmem>>
        %dma_wait3A_787 = tpu.memref_squeeze %dma_wait3A_786 : memref<1x25x40xi32, #tpu.memory_space<vmem>> -> memref<25x40xi32, #tpu.memory_space<vmem>>
        %dma_wait3A_788 = arith.constant 0 : i32
        %dma_wait3A_789 = arith.constant 0 : i32
        %dma_wait3A_790 = tpu.memref_slice %arg3[%add3A, %add3A_757, %dma_wait3A_788, %dma_wait3A_789] : memref<32x10x25x40xi32, #tpu.memory_space<hbm>> -> memref<1x1x25x40xi32, #tpu.memory_space<hbm>>
        %dma_wait3A_791 = tpu.memref_squeeze %dma_wait3A_790 : memref<1x1x25x40xi32, #tpu.memory_space<hbm>> -> memref<25x40xi32, #tpu.memory_space<hbm>>
        tpu.wait_dma2 semaphore(%arg19 : memref<!tpu.dma_semaphore, #tpu.memory_space<semaphore_mem>>) src(%dma_wait3A_791 : memref<25x40xi32, #tpu.memory_space<hbm>>) dst(%dma_wait3A_787 : memref<25x40xi32, #tpu.memory_space<vmem>>)
      } else {
      }
      %add3A_709 = arith.constant 2 : i32
      %add3A_710 = arith.addi %add3A_592, %add3A_709 : i32
      %lt3A_711 = arith.constant 250 : i32
      %lt3A_712 = arith.cmpi slt, %add3A_710, %lt3A_711 : i32
      %convert_element_type3A_713 = arith.extui %lt3A_712 : i1 to i32
      %cond3A_714 = arith.constant 0 : i32
      %cond3A_715 = arith.cmpi ne, %convert_element_type3A_713, %cond3A_714 : i32
      scf.if %cond3A_715 {
        %add3A_756 = arith.constant 2 : i32
        %add3A_757 = arith.addi %add3A_592, %add3A_756 : i32
        %jit3A_758 = arith.constant 25 : i32
        %div3A_759 = arith.divsi %add3A_757, %jit3A_758 : i32
        %sign3A_760 = arith.constant 0 : i32
        %sign3A_761 = arith.cmpi sgt, %add3A_757, %sign3A_760 : i32
        %sign3A_762 = arith.extui %sign3A_761 : i1 to i32
        %sign3A_763 = arith.constant 0 : i32
        %sign3A_764 = arith.cmpi slt, %add3A_757, %sign3A_763 : i32
        %sign3A_765 = arith.extui %sign3A_764 : i1 to i32
        %sign3A_766 = arith.subi %sign3A_762, %sign3A_765 : i32
        %sign3A_767 = arith.constant 0 : i32
        %sign3A_768 = arith.cmpi sgt, %jit3A_758, %sign3A_767 : i32
        %sign3A_769 = arith.extui %sign3A_768 : i1 to i32
        %sign3A_770 = arith.constant 0 : i32
        %sign3A_771 = arith.cmpi slt, %jit3A_758, %sign3A_770 : i32
        %sign3A_772 = arith.extui %sign3A_771 : i1 to i32
        %sign3A_773 = arith.subi %sign3A_769, %sign3A_772 : i32
        %ne3A_774 = arith.cmpi ne, %sign3A_766, %sign3A_773 : i32
        %rem3A_775 = arith.remsi %add3A_757, %jit3A_758 : i32
        %ne3A_776 = arith.constant 0 : i32
        %ne3A_777 = arith.cmpi ne, %rem3A_775, %ne3A_776 : i32
        %and3A_778 = arith.andi %ne3A_774, %ne3A_777 : i1
        %sub3A_779 = arith.constant 1 : i32
        %sub3A_780 = arith.subi %div3A_759, %sub3A_779 : i32
        %select_n3A_781 = arith.select %and3A_778, %sub3A_780, %div3A_759 : i32
        %rem3A_782 = arith.constant 2 : i32
        %rem3A_783 = arith.remsi %select_n3A_781, %rem3A_782 : i32
        %rem3A_784 = arith.constant 25 : i32
        %rem3A_785 = arith.remsi %add3A_757, %rem3A_784 : i32
        %dma_start3A_786 = arith.constant 1 : i32
        %dma_start3A_787 = arith.constant 0 : i32
        %dma_start3A_788 = arith.constant 0 : i32
        %dma_start3A_789 = tpu.memref_slice %arg9[%dma_start3A_786, %dma_start3A_787, %dma_start3A_788] : memref<2x40x128xf32, #tpu.memory_space<vmem>> -> memref<1x40x128xf32, #tpu.memory_space<vmem>>
        %dma_start3A_790 = tpu.memref_squeeze %dma_start3A_789 : memref<1x40x128xf32, #tpu.memory_space<vmem>> -> memref<40x128xf32, #tpu.memory_space<vmem>>
        %dma_start3A_791 = arith.constant 0 : i32
        %dma_start3A_792 = tpu.memref_slice %arg7[%rem3A_783, %rem3A_785, %dma_start3A_791] : memref<2x25x40xi32, #tpu.memory_space<vmem>> -> memref<1x1x40xi32, #tpu.memory_space<vmem>>
        %dma_start3A_793 = tpu.memref_squeeze %dma_start3A_792 : memref<1x1x40xi32, #tpu.memory_space<vmem>> -> memref<40xi32, #tpu.memory_space<vmem>>
        %dma_start3A_794 = arith.constant 0 : i32
        %dma_start3A_795 = arith.constant 0 : i32
        %dma_start3A_796 = tpu.memref_slice %arg4[%dma_start3A_794, %dma_start3A_795] : memref<10000x128xf32, #tpu.memory_space<hbm>> -> memref<10000x128xf32, #tpu.memory_space<hbm>>
        tpu.enqueue_indirect_dma source(%dma_start3A_796 : memref<10000x128xf32, #tpu.memory_space<hbm>>) target(%dma_start3A_790 : memref<40x128xf32, #tpu.memory_space<vmem>>) offsets(%dma_start3A_793 : memref<40xi32, #tpu.memory_space<vmem>>) semaphore(%arg14 : memref<!tpu.dma_semaphore, #tpu.memory_space<semaphore_mem>>)
        %mul3A_797 = arith.constant 10000 : i32
        %mul3A_798 = arith.muli %add3A, %mul3A_797 : i32
        %mul3A_799 = arith.constant 40 : i32
        %mul3A_800 = arith.muli %add3A_757, %mul3A_799 : i32
        %add3A_801 = arith.addi %mul3A_798, %mul3A_800 : i32
        %multiple_of3A_802 = tpu.assume_multiple %add3A_801, 8 : i32
        %dma_start3A_803 = arith.constant 1 : i32
        %dma_start3A_804 = arith.constant 0 : i32
        %dma_start3A_805 = arith.constant 0 : i32
        %dma_start3A_806 = tpu.memref_slice %arg10[%dma_start3A_803, %dma_start3A_804, %dma_start3A_805] : memref<2x40x128xf32, #tpu.memory_space<vmem>> -> memref<1x40x128xf32, #tpu.memory_space<vmem>>
        %dma_start3A_807 = tpu.memref_squeeze %dma_start3A_806 : memref<1x40x128xf32, #tpu.memory_space<vmem>> -> memref<40x128xf32, #tpu.memory_space<vmem>>
        %dma_start3A_808 = arith.constant 0 : i32
        %dma_start3A_809 = tpu.memref_slice %arg5[%multiple_of3A_802, %dma_start3A_808] : memref<320000x128xf32, #tpu.memory_space<hbm>> -> memref<40x128xf32, #tpu.memory_space<hbm>>
        %dma_start3A_810 = arith.constant 0 : i32
        %dma_start3A_811 = arith.constant 0 : i32
        %dma_start3A_812 = tpu.memref_slice %arg10[%dma_start3A_803, %dma_start3A_810, %dma_start3A_811] : memref<2x40x128xf32, #tpu.memory_space<vmem>> -> memref<1x40x128xf32, #tpu.memory_space<vmem>>
        %dma_start3A_813 = tpu.memref_squeeze %dma_start3A_812 : memref<1x40x128xf32, #tpu.memory_space<vmem>> -> memref<40x128xf32, #tpu.memory_space<vmem>>
        %dma_start3A_814 = arith.constant 0 : i32
        %dma_start3A_815 = tpu.memref_slice %arg5[%multiple_of3A_802, %dma_start3A_814] : memref<320000x128xf32, #tpu.memory_space<hbm>> -> memref<40x128xf32, #tpu.memory_space<hbm>>
        tpu.enqueue_dma source(%dma_start3A_815 : memref<40x128xf32, #tpu.memory_space<hbm>>) target(%dma_start3A_813 : memref<40x128xf32, #tpu.memory_space<vmem>>) target_semaphore(%arg16 : memref<!tpu.dma_semaphore, #tpu.memory_space<semaphore_mem>>)
      } else {
      }
      %jit3A_716 = arith.constant 25 : i32
      %div3A_717 = arith.divsi %add3A_592, %jit3A_716 : i32
      %sign3A_718 = arith.constant 0 : i32
      %sign3A_719 = arith.cmpi sgt, %add3A_592, %sign3A_718 : i32
      %sign3A_720 = arith.extui %sign3A_719 : i1 to i32
      %sign3A_721 = arith.constant 0 : i32
      %sign3A_722 = arith.cmpi slt, %add3A_592, %sign3A_721 : i32
      %sign3A_723 = arith.extui %sign3A_722 : i1 to i32
      %sign3A_724 = arith.subi %sign3A_720, %sign3A_723 : i32
      %sign3A_725 = arith.constant 0 : i32
      %sign3A_726 = arith.cmpi sgt, %jit3A_716, %sign3A_725 : i32
      %sign3A_727 = arith.extui %sign3A_726 : i1 to i32
      %sign3A_728 = arith.constant 0 : i32
      %sign3A_729 = arith.cmpi slt, %jit3A_716, %sign3A_728 : i32
      %sign3A_730 = arith.extui %sign3A_729 : i1 to i32
      %sign3A_731 = arith.subi %sign3A_727, %sign3A_730 : i32
      %ne3A_732 = arith.cmpi ne, %sign3A_724, %sign3A_731 : i32
      %rem3A_733 = arith.remsi %add3A_592, %jit3A_716 : i32
      %ne3A_734 = arith.constant 0 : i32
      %ne3A_735 = arith.cmpi ne, %rem3A_733, %ne3A_734 : i32
      %and3A_736 = arith.andi %ne3A_732, %ne3A_735 : i1
      %sub3A_737 = arith.constant 1 : i32
      %sub3A_738 = arith.subi %div3A_717, %sub3A_737 : i32
      %select_n3A_739 = arith.select %and3A_736, %sub3A_738, %div3A_717 : i32
      %rem3A_740 = arith.constant 2 : i32
      %rem3A_741 = arith.remsi %select_n3A_739, %rem3A_740 : i32
      %rem3A_742 = arith.constant 25 : i32
      %rem3A_743 = arith.remsi %add3A_592, %rem3A_742 : i32
      %dma_start3A_744 = arith.constant 1 : i32
      %dma_start3A_745 = arith.constant 0 : i32
      %dma_start3A_746 = arith.constant 0 : i32
      %dma_start3A_747 = tpu.memref_slice %arg11[%dma_start3A_744, %dma_start3A_745, %dma_start3A_746] : memref<2x40x128xf32, #tpu.memory_space<vmem>> -> memref<1x40x128xf32, #tpu.memory_space<vmem>>
      %dma_start3A_748 = tpu.memref_squeeze %dma_start3A_747 : memref<1x40x128xf32, #tpu.memory_space<vmem>> -> memref<40x128xf32, #tpu.memory_space<vmem>>
      %dma_start3A_749 = arith.constant 0 : i32
      %dma_start3A_750 = tpu.memref_slice %arg8[%rem3A_741, %rem3A_743, %dma_start3A_749] : memref<2x25x40xi32, #tpu.memory_space<vmem>> -> memref<1x1x40xi32, #tpu.memory_space<vmem>>
      %dma_start3A_751 = tpu.memref_squeeze %dma_start3A_750 : memref<1x1x40xi32, #tpu.memory_space<vmem>> -> memref<40xi32, #tpu.memory_space<vmem>>
      %dma_start3A_752 = arith.constant 0 : i32
      %dma_start3A_753 = arith.constant 0 : i32
      %dma_start3A_754 = tpu.memref_slice %arg12[%dma_start3A_752, %dma_start3A_753] : memref<10000x128xf32, #tpu.memory_space<vmem_shared>> -> memref<10000x128xf32, #tpu.memory_space<vmem_shared>>
      tpu.enqueue_indirect_dma source(%dma_start3A_748 : memref<40x128xf32, #tpu.memory_space<vmem>>) target(%dma_start3A_754 : memref<10000x128xf32, #tpu.memory_space<vmem_shared>>) offsets(%dma_start3A_751 : memref<40xi32, #tpu.memory_space<vmem>>) semaphore(%arg18 : memref<!tpu.dma_semaphore, #tpu.memory_space<semaphore_mem>>) {add = true}
      %scan3A_755 = arith.constant 0 : i32
      scf.yield %scan3A_755 : i32
    }
    %scan3A_374 = arith.constant 125 : i32
    %dma_wait3A_375 = arith.constant 0 : i32
    %dma_wait3A_376 = arith.constant 0 : i32
    %dma_wait3A_377 = arith.constant 0 : i32
    %dma_wait3A_378 = arith.constant 0 : i32
    %dma_wait3A_379 = arith.constant 0 : i32
    %dma_wait3A_380 = tpu.memref_slice %arg11[%dma_wait3A_375, %dma_wait3A_378, %dma_wait3A_379] : memref<2x40x128xf32, #tpu.memory_space<vmem>> -> memref<1x40x128xf32, #tpu.memory_space<vmem>>
    %dma_wait3A_381 = tpu.memref_squeeze %dma_wait3A_380 : memref<1x40x128xf32, #tpu.memory_space<vmem>> -> memref<40x128xf32, #tpu.memory_space<vmem>>
    %dma_wait3A_382 = arith.constant 0 : i32
    %dma_wait3A_383 = tpu.memref_slice %arg8[%dma_wait3A_376, %dma_wait3A_377, %dma_wait3A_382] : memref<2x25x40xi32, #tpu.memory_space<vmem>> -> memref<1x1x40xi32, #tpu.memory_space<vmem>>
    %dma_wait3A_384 = tpu.memref_squeeze %dma_wait3A_383 : memref<1x1x40xi32, #tpu.memory_space<vmem>> -> memref<40xi32, #tpu.memory_space<vmem>>
    %dma_wait3A_385 = arith.constant 0 : i32
    %dma_wait3A_386 = arith.constant 0 : i32
    %dma_wait3A_387 = tpu.memref_slice %arg12[%dma_wait3A_385, %dma_wait3A_386] : memref<10000x128xf32, #tpu.memory_space<vmem_shared>> -> memref<10000x128xf32, #tpu.memory_space<vmem_shared>>
    tpu.wait_indirect_dma semaphore(%arg17 : memref<!tpu.dma_semaphore, #tpu.memory_space<semaphore_mem>>) src(%dma_wait3A_381 : memref<40x128xf32, #tpu.memory_space<vmem>>) dst(%dma_wait3A_387 : memref<10000x128xf32, #tpu.memory_space<vmem_shared>>)
    %dma_wait3A_388 = arith.constant 1 : i32
    %dma_wait3A_389 = arith.constant 0 : i32
    %dma_wait3A_390 = arith.constant 0 : i32
    %dma_wait3A_391 = arith.constant 0 : i32
    %dma_wait3A_392 = arith.constant 0 : i32
    %dma_wait3A_393 = tpu.memref_slice %arg11[%dma_wait3A_388, %dma_wait3A_391, %dma_wait3A_392] : memref<2x40x128xf32, #tpu.memory_space<vmem>> -> memref<1x40x128xf32, #tpu.memory_space<vmem>>
    %dma_wait3A_394 = tpu.memref_squeeze %dma_wait3A_393 : memref<1x40x128xf32, #tpu.memory_space<vmem>> -> memref<40x128xf32, #tpu.memory_space<vmem>>
    %dma_wait3A_395 = arith.constant 0 : i32
    %dma_wait3A_396 = tpu.memref_slice %arg8[%dma_wait3A_389, %dma_wait3A_390, %dma_wait3A_395] : memref<2x25x40xi32, #tpu.memory_space<vmem>> -> memref<1x1x40xi32, #tpu.memory_space<vmem>>
    %dma_wait3A_397 = tpu.memref_squeeze %dma_wait3A_396 : memref<1x1x40xi32, #tpu.memory_space<vmem>> -> memref<40xi32, #tpu.memory_space<vmem>>
    %dma_wait3A_398 = arith.constant 0 : i32
    %dma_wait3A_399 = arith.constant 0 : i32
    %dma_wait3A_400 = tpu.memref_slice %arg12[%dma_wait3A_398, %dma_wait3A_399] : memref<10000x128xf32, #tpu.memory_space<vmem_shared>> -> memref<10000x128xf32, #tpu.memory_space<vmem_shared>>
    tpu.wait_indirect_dma semaphore(%arg18 : memref<!tpu.dma_semaphore, #tpu.memory_space<semaphore_mem>>) src(%dma_wait3A_394 : memref<40x128xf32, #tpu.memory_space<vmem>>) dst(%dma_wait3A_400 : memref<10000x128xf32, #tpu.memory_space<vmem_shared>>)
    %barrier3A_401 = arith.constant 0 : index
    tpu.barrier barrier_id(%barrier3A_401)
    %add3A_402 = arith.constant 0 : i32
    %add3A_403 = arith.addi %add3A_402, %arg1 : i32
    %lt3A_404 = arith.constant 50 : i32
    %lt3A_405 = arith.cmpi slt, %add3A_403, %lt3A_404 : i32
    %convert_element_type3A_406 = arith.extui %lt3A_405 : i1 to i32
    %cond3A_407 = arith.constant 0 : i32
    %cond3A_408 = arith.cmpi ne, %convert_element_type3A_406, %cond3A_407 : i32
    scf.if %cond3A_408 {
      %mul3A_430 = arith.constant 200 : i32
      %mul3A_431 = arith.muli %add3A_403, %mul3A_430 : i32
      %multiple_of3A_432 = tpu.assume_multiple %mul3A_431, 8 : i32
      "tpu.region"() ({
        %run_scoped3A = tpu.sem_alloc : memref<!tpu.dma_semaphore, #tpu.memory_space<semaphore_mem>>
        %dma_start3A_433 = arith.constant 0 : i32
        %dma_start3A_434 = tpu.memref_slice %arg6[%arg0, %multiple_of3A_432, %dma_start3A_433] : memref<2x10000x128xf32, #tpu.memory_space<hbm>> -> memref<1x200x128xf32, #tpu.memory_space<hbm>>
        %dma_start3A_435 = tpu.memref_squeeze %dma_start3A_434 : memref<1x200x128xf32, #tpu.memory_space<hbm>> -> memref<200x128xf32, #tpu.memory_space<hbm>>
        %dma_start3A_436 = arith.constant 0 : i32
        %dma_start3A_437 = tpu.memref_slice %arg12[%multiple_of3A_432, %dma_start3A_436] : memref<10000x128xf32, #tpu.memory_space<vmem_shared>> -> memref<200x128xf32, #tpu.memory_space<vmem_shared>>
        tpu.enqueue_dma source(%dma_start3A_437 : memref<200x128xf32, #tpu.memory_space<vmem_shared>>) target(%dma_start3A_435 : memref<200x128xf32, #tpu.memory_space<hbm>>) target_semaphore(%run_scoped3A : memref<!tpu.dma_semaphore, #tpu.memory_space<semaphore_mem>>)
        %dma_wait3A_438 = arith.constant 0 : i32
        %dma_wait3A_439 = tpu.memref_slice %arg6[%arg0, %multiple_of3A_432, %dma_wait3A_438] : memref<2x10000x128xf32, #tpu.memory_space<hbm>> -> memref<1x200x128xf32, #tpu.memory_space<hbm>>
        %dma_wait3A_440 = tpu.memref_squeeze %dma_wait3A_439 : memref<1x200x128xf32, #tpu.memory_space<hbm>> -> memref<200x128xf32, #tpu.memory_space<hbm>>
        %dma_wait3A_441 = arith.constant 0 : i32
        %dma_wait3A_442 = tpu.memref_slice %arg12[%multiple_of3A_432, %dma_wait3A_441] : memref<10000x128xf32, #tpu.memory_space<vmem_shared>> -> memref<200x128xf32, #tpu.memory_space<vmem_shared>>
        tpu.wait_dma2 semaphore(%run_scoped3A : memref<!tpu.dma_semaphore, #tpu.memory_space<semaphore_mem>>) src(%dma_wait3A_442 : memref<200x128xf32, #tpu.memory_space<vmem_shared>>) dst(%dma_wait3A_440 : memref<200x128xf32, #tpu.memory_space<hbm>>)
        tpu.yield
      }) : () -> ()
    } else {
    }
    %add3A_409 = arith.constant 16 : i32
    %add3A_410 = arith.addi %add3A_409, %arg1 : i32
    %lt3A_411 = arith.constant 50 : i32
    %lt3A_412 = arith.cmpi slt, %add3A_410, %lt3A_411 : i32
    %convert_element_type3A_413 = arith.extui %lt3A_412 : i1 to i32
    %cond3A_414 = arith.constant 0 : i32
    %cond3A_415 = arith.cmpi ne, %convert_element_type3A_413, %cond3A_414 : i32
    scf.if %cond3A_415 {
      %mul3A_430 = arith.constant 200 : i32
      %mul3A_431 = arith.muli %add3A_410, %mul3A_430 : i32
      %multiple_of3A_432 = tpu.assume_multiple %mul3A_431, 8 : i32
      "tpu.region"() ({
        %run_scoped3A = tpu.sem_alloc : memref<!tpu.dma_semaphore, #tpu.memory_space<semaphore_mem>>
        %dma_start3A_433 = arith.constant 0 : i32
        %dma_start3A_434 = tpu.memref_slice %arg6[%arg0, %multiple_of3A_432, %dma_start3A_433] : memref<2x10000x128xf32, #tpu.memory_space<hbm>> -> memref<1x200x128xf32, #tpu.memory_space<hbm>>
        %dma_start3A_435 = tpu.memref_squeeze %dma_start3A_434 : memref<1x200x128xf32, #tpu.memory_space<hbm>> -> memref<200x128xf32, #tpu.memory_space<hbm>>
        %dma_start3A_436 = arith.constant 0 : i32
        %dma_start3A_437 = tpu.memref_slice %arg12[%multiple_of3A_432, %dma_start3A_436] : memref<10000x128xf32, #tpu.memory_space<vmem_shared>> -> memref<200x128xf32, #tpu.memory_space<vmem_shared>>
        tpu.enqueue_dma source(%dma_start3A_437 : memref<200x128xf32, #tpu.memory_space<vmem_shared>>) target(%dma_start3A_435 : memref<200x128xf32, #tpu.memory_space<hbm>>) target_semaphore(%run_scoped3A : memref<!tpu.dma_semaphore, #tpu.memory_space<semaphore_mem>>)
        %dma_wait3A_438 = arith.constant 0 : i32
        %dma_wait3A_439 = tpu.memref_slice %arg6[%arg0, %multiple_of3A_432, %dma_wait3A_438] : memref<2x10000x128xf32, #tpu.memory_space<hbm>> -> memref<1x200x128xf32, #tpu.memory_space<hbm>>
        %dma_wait3A_440 = tpu.memref_squeeze %dma_wait3A_439 : memref<1x200x128xf32, #tpu.memory_space<hbm>> -> memref<200x128xf32, #tpu.memory_space<hbm>>
        %dma_wait3A_441 = arith.constant 0 : i32
        %dma_wait3A_442 = tpu.memref_slice %arg12[%multiple_of3A_432, %dma_wait3A_441] : memref<10000x128xf32, #tpu.memory_space<vmem_shared>> -> memref<200x128xf32, #tpu.memory_space<vmem_shared>>
        tpu.wait_dma2 semaphore(%run_scoped3A : memref<!tpu.dma_semaphore, #tpu.memory_space<semaphore_mem>>) src(%dma_wait3A_442 : memref<200x128xf32, #tpu.memory_space<vmem_shared>>) dst(%dma_wait3A_440 : memref<200x128xf32, #tpu.memory_space<hbm>>)
        tpu.yield
      }) : () -> ()
    } else {
    }
    %add3A_416 = arith.constant 32 : i32
    %add3A_417 = arith.addi %add3A_416, %arg1 : i32
    %lt3A_418 = arith.constant 50 : i32
    %lt3A_419 = arith.cmpi slt, %add3A_417, %lt3A_418 : i32
    %convert_element_type3A_420 = arith.extui %lt3A_419 : i1 to i32
    %cond3A_421 = arith.constant 0 : i32
    %cond3A_422 = arith.cmpi ne, %convert_element_type3A_420, %cond3A_421 : i32
    scf.if %cond3A_422 {
      %mul3A_430 = arith.constant 200 : i32
      %mul3A_431 = arith.muli %add3A_417, %mul3A_430 : i32
      %multiple_of3A_432 = tpu.assume_multiple %mul3A_431, 8 : i32
      "tpu.region"() ({
        %run_scoped3A = tpu.sem_alloc : memref<!tpu.dma_semaphore, #tpu.memory_space<semaphore_mem>>
        %dma_start3A_433 = arith.constant 0 : i32
        %dma_start3A_434 = tpu.memref_slice %arg6[%arg0, %multiple_of3A_432, %dma_start3A_433] : memref<2x10000x128xf32, #tpu.memory_space<hbm>> -> memref<1x200x128xf32, #tpu.memory_space<hbm>>
        %dma_start3A_435 = tpu.memref_squeeze %dma_start3A_434 : memref<1x200x128xf32, #tpu.memory_space<hbm>> -> memref<200x128xf32, #tpu.memory_space<hbm>>
        %dma_start3A_436 = arith.constant 0 : i32
        %dma_start3A_437 = tpu.memref_slice %arg12[%multiple_of3A_432, %dma_start3A_436] : memref<10000x128xf32, #tpu.memory_space<vmem_shared>> -> memref<200x128xf32, #tpu.memory_space<vmem_shared>>
        tpu.enqueue_dma source(%dma_start3A_437 : memref<200x128xf32, #tpu.memory_space<vmem_shared>>) target(%dma_start3A_435 : memref<200x128xf32, #tpu.memory_space<hbm>>) target_semaphore(%run_scoped3A : memref<!tpu.dma_semaphore, #tpu.memory_space<semaphore_mem>>)
        %dma_wait3A_438 = arith.constant 0 : i32
        %dma_wait3A_439 = tpu.memref_slice %arg6[%arg0, %multiple_of3A_432, %dma_wait3A_438] : memref<2x10000x128xf32, #tpu.memory_space<hbm>> -> memref<1x200x128xf32, #tpu.memory_space<hbm>>
        %dma_wait3A_440 = tpu.memref_squeeze %dma_wait3A_439 : memref<1x200x128xf32, #tpu.memory_space<hbm>> -> memref<200x128xf32, #tpu.memory_space<hbm>>
        %dma_wait3A_441 = arith.constant 0 : i32
        %dma_wait3A_442 = tpu.memref_slice %arg12[%multiple_of3A_432, %dma_wait3A_441] : memref<10000x128xf32, #tpu.memory_space<vmem_shared>> -> memref<200x128xf32, #tpu.memory_space<vmem_shared>>
        tpu.wait_dma2 semaphore(%run_scoped3A : memref<!tpu.dma_semaphore, #tpu.memory_space<semaphore_mem>>) src(%dma_wait3A_442 : memref<200x128xf32, #tpu.memory_space<vmem_shared>>) dst(%dma_wait3A_440 : memref<200x128xf32, #tpu.memory_space<hbm>>)
        tpu.yield
      }) : () -> ()
    } else {
    }
    %add3A_423 = arith.constant 48 : i32
    %add3A_424 = arith.addi %add3A_423, %arg1 : i32
    %lt3A_425 = arith.constant 50 : i32
    %lt3A_426 = arith.cmpi slt, %add3A_424, %lt3A_425 : i32
    %convert_element_type3A_427 = arith.extui %lt3A_426 : i1 to i32
    %cond3A_428 = arith.constant 0 : i32
    %cond3A_429 = arith.cmpi ne, %convert_element_type3A_427, %cond3A_428 : i32
    scf.if %cond3A_429 {
      %mul3A_430 = arith.constant 200 : i32
      %mul3A_431 = arith.muli %add3A_424, %mul3A_430 : i32
      %multiple_of3A_432 = tpu.assume_multiple %mul3A_431, 8 : i32
      "tpu.region"() ({
        %run_scoped3A = tpu.sem_alloc : memref<!tpu.dma_semaphore, #tpu.memory_space<semaphore_mem>>
        %dma_start3A_433 = arith.constant 0 : i32
        %dma_start3A_434 = tpu.memref_slice %arg6[%arg0, %multiple_of3A_432, %dma_start3A_433] : memref<2x10000x128xf32, #tpu.memory_space<hbm>> -> memref<1x200x128xf32, #tpu.memory_space<hbm>>
        %dma_start3A_435 = tpu.memref_squeeze %dma_start3A_434 : memref<1x200x128xf32, #tpu.memory_space<hbm>> -> memref<200x128xf32, #tpu.memory_space<hbm>>
        %dma_start3A_436 = arith.constant 0 : i32
        %dma_start3A_437 = tpu.memref_slice %arg12[%multiple_of3A_432, %dma_start3A_436] : memref<10000x128xf32, #tpu.memory_space<vmem_shared>> -> memref<200x128xf32, #tpu.memory_space<vmem_shared>>
        tpu.enqueue_dma source(%dma_start3A_437 : memref<200x128xf32, #tpu.memory_space<vmem_shared>>) target(%dma_start3A_435 : memref<200x128xf32, #tpu.memory_space<hbm>>) target_semaphore(%run_scoped3A : memref<!tpu.dma_semaphore, #tpu.memory_space<semaphore_mem>>)
        %dma_wait3A_438 = arith.constant 0 : i32
        %dma_wait3A_439 = tpu.memref_slice %arg6[%arg0, %multiple_of3A_432, %dma_wait3A_438] : memref<2x10000x128xf32, #tpu.memory_space<hbm>> -> memref<1x200x128xf32, #tpu.memory_space<hbm>>
        %dma_wait3A_440 = tpu.memref_squeeze %dma_wait3A_439 : memref<1x200x128xf32, #tpu.memory_space<hbm>> -> memref<200x128xf32, #tpu.memory_space<hbm>>
        %dma_wait3A_441 = arith.constant 0 : i32
        %dma_wait3A_442 = tpu.memref_slice %arg12[%multiple_of3A_432, %dma_wait3A_441] : memref<10000x128xf32, #tpu.memory_space<vmem_shared>> -> memref<200x128xf32, #tpu.memory_space<vmem_shared>>
        tpu.wait_dma2 semaphore(%run_scoped3A : memref<!tpu.dma_semaphore, #tpu.memory_space<semaphore_mem>>) src(%dma_wait3A_442 : memref<200x128xf32, #tpu.memory_space<vmem_shared>>) dst(%dma_wait3A_440 : memref<200x128xf32, #tpu.memory_space<hbm>>)
        tpu.yield
      }) : () -> ()
    } else {
    }
    return
  }
}

module attributes {stable_mosaic.version = 14 : i64} {
  func.func @_combine_body(%arg0: i32, %arg1: memref<1xf32, #tpu.memory_space<smem>>, %arg2: memref<1000x128xf32, #tpu.memory_space<vmem>>, %arg3: memref<1000x128xf32, #tpu.memory_space<vmem>>, %arg4: memref<1000x128xf32, #tpu.memory_space<vmem>>, %arg5: memref<1000x128xf32, #tpu.memory_space<vmem>>) attributes {dimension_semantics = [#tpu.dimension_semantics<arbitrary>], iteration_bounds = array<i64: 10>, scalar_prefetch = 0 : i64, scratch_operands = 0 : i64, tpu.core_type = #tpu.core_type<tc>, window_params = [{transform_indices = @transform_0, window_bounds = array<i64: 1>}, {transform_indices = @transform_1, window_bounds = array<i64: 1000, 128>}, {transform_indices = @transform_2, window_bounds = array<i64: 1000, 128>}, {transform_indices = @transform_3, window_bounds = array<i64: 1000, 128>}, {transform_indices = @transform_4, window_bounds = array<i64: 1000, 128>}]} {
    %get3A = arith.constant 0 : index
    %get3A_0 = arith.constant 0 : index
    %get3A_1 = vector.load %arg2[%get3A, %get3A_0] : memref<1000x128xf32, #tpu.memory_space<vmem>>, vector<1000x128xf32>
    %get3A_2 = arith.constant 0 : index
    %get3A_3 = memref.load %arg1[%get3A_2] : memref<1xf32, #tpu.memory_space<smem>>
    %add3A = arith.constant 1.000000e+00 : f32
    %add3A_4 = arith.addf %add3A, %get3A_3 : f32
    %mul3A = vector.broadcast %add3A_4 : f32 to vector<1000x128xf32>
    %mul3A_5 = arith.mulf %get3A_1, %mul3A : vector<1000x128xf32>
    %get3A_6 = arith.constant 0 : index
    %get3A_7 = arith.constant 0 : index
    %get3A_8 = vector.load %arg3[%get3A_6, %get3A_7] : memref<1000x128xf32, #tpu.memory_space<vmem>>, vector<1000x128xf32>
    %add3A_9 = arith.addf %mul3A_5, %get3A_8 : vector<1000x128xf32>
    %get3A_10 = arith.constant 0 : index
    %get3A_11 = arith.constant 0 : index
    %get3A_12 = vector.load %arg4[%get3A_10, %get3A_11] : memref<1000x128xf32, #tpu.memory_space<vmem>>, vector<1000x128xf32>
    %add3A_13 = arith.addf %add3A_9, %get3A_12 : vector<1000x128xf32>
    %swap3A = arith.constant 0 : index
    %swap3A_14 = arith.constant 0 : index
    %swap3A_15 = vector.load %arg5[%swap3A, %swap3A_14] : memref<1000x128xf32, #tpu.memory_space<vmem>>, vector<1000x128xf32>
    tpu.vector_store %arg5[%swap3A, %swap3A_14], %add3A_13 {strides = array<i32>} : memref<1000x128xf32, #tpu.memory_space<vmem>>, vector<1000x128xf32>,
    return
  }
  func.func @transform_0(%arg0: i32) -> i32 {
    %c0_i32 = arith.constant 0 : i32
    %c0_i32_0 = arith.constant 0 : i32
    return %c0_i32 : i32
  }
  func.func @transform_1(%arg0: i32) -> (i32, i32) {
    %c0_i32 = arith.constant 0 : i32
    %c0_i32_0 = arith.constant 0 : i32
    return %arg0, %c0_i32 : i32, i32
  }
  func.func @transform_2(%arg0: i32) -> (i32, i32) {
    %c0_i32 = arith.constant 0 : i32
    %c0_i32_0 = arith.constant 0 : i32
    return %arg0, %c0_i32 : i32, i32
  }
  func.func @transform_3(%arg0: i32) -> (i32, i32) {
    %c0_i32 = arith.constant 0 : i32
    %c0_i32_0 = arith.constant 0 : i32
    return %arg0, %c0_i32 : i32, i32
  }
  func.func @transform_4(%arg0: i32) -> (i32, i32) {
    %c0_i32 = arith.constant 0 : i32
    %c0_i32_0 = arith.constant 0 : i32
    return %arg0, %c0_i32 : i32, i32
  }
}

</mosaic_0001>

<sc_bundles>
// kernel: kernel.4.cloned.1.call-start
scs
__scs_entry_jumppad:
0x0: {  	(pc) =	sbr.rel $0x88, $3  }
0x1: {  	(tag) =	ssettag $0x0;
	lr =	simm.s32 $0x1  }
0x2: {  	[smem:$0x3F9D] =	sst lr;
	_ =	strace $0xD0000000  }
0x3: {  	_ = 	snop  }
0x4: {  	_ = 	snop  }
0x5: {  	_ = 	snop  }
0x6: {  	_ = 	snop  }
0x7: {  	_ = 	snop  }
__scs_overlays_trampoline_lowered:
0x8: {  	[smem:$0x3FAC] =	sst s0  }
0x9: {  	[smem:$0x3FAD] =	sst s1  }
0xa: {  	[smem:$0x3FAE] =	sst s2  }
0xb: {  	[smem:$0x3FAF] =	sst s3  }
0xc: {  	[smem:$0x3FB0] =	sst s4  }
0xd: {  	[smem:$0x3FB1] =	sst s5  }
0xe: {  	[smem:$0x3FB2] =	sst s6  }
0xf: {  	[smem:$0x3FB3] =	sst s7  }
0x10: {  	[smem:$0x3FB4] =	sst s8  }
0x11: {  	[smem:$0x3FB5] =	sst s9;
	s0 =	simm.s32 @!p0 $0x0  }
0x12: {  	s1 =	sld [smem:$0x3F9B];
	s0 =	simm.s32 @p0 $0x1  }
0x13: {  	[smem:$0x3FB6] =	sst s0;
	s0 =	simm.s32 @!p1 $0x0  }
0x14: {  	s2 =	sld [smem:$0x3F9A];
	s0 =	simm.s32 @p1 $0x1  }
0x15: {  	[smem:$0x3FB7] =	sst s0;
	s0 =	simm.s32 @!p2 $0x0  }
0x16: {  	s3 =	sld [smem:$0x3FDB];
	s0 =	simm.s32 @p2 $0x1  }
0x17: {  	s4 =	simm.s32 $0x1BF5;
	[smem:$0x3FB9] =	sst s0  }
0x18: {  	s0 =	sld [smem:$0x3F9C];
	_ =	swait.ge [sflag:s4], $0x0  }
0x19: {  	s7 =	sld [smem:$0x3F9D]  }
0x1a: {  	s8 =	sadd.s32 $0xFFFFE003, lr  }
0x1b: {  	s9 =	sadd.s32 $0xFFFFFEF7, lr;
	s5 =	simm.s32 $0xFFFFFFFF;
	p2 =	slt.u32 s8, $0xFFFFF086  }
0x1c: {  	p1 =	slt.u32 s9, $0xF7A;
	s5 =	simm.s32 @!p2 $0x0  }
0x1d: {  	s5 =	simm.s32 @p1 $0x1;
	p0 =	seq.s32 s7, s2  }
0x1e: {  	s7 =	smul.u32 @!p0 $0xF7A, s2;
	p2 =	seq.s32 @!p0 s5, $0x0  }
0x1f: {  	s9 =	smul.u32 $0xF7A, s1;
	s8 =	simm.s32 @!p0 $0x1BF5;
	p2 =	por !p2, p0  }
0x20: {  	[sflag:s8] =	ssyncset.s32 @!p0 $0xFFFFF086;
	s6 =	sadd.s32 @!p0 s3, s7;
	s7 =	simm.s32 @!p0 $0x108  }
0x21: {  	s3 =	sadd.s32 s3, s9;
	s6 =	sadd.s32 @!p0 $0x88, s6;
	s7 =	simm.s32 @p2 $0x1082  }
0x22: {  	[simem:s7], [sflag:s8] =	dma.local @!p0 [hbm:s6], $0xF7A  }
0x23: {  	s9 =	sor.u32 $0xD0000000, s2;
	s6 =	simm.s32 $0x108;
	_ =	swait.ge @!p0 [sflag:s8], $0x0  }
0x24: {  	s3 =	sadd.s32 $0x88, s3;
	s6 =	simm.s32 @!p1 $0x1082;
	[sflag:s4] =	ssyncset.s32 $0xFFFFF086  }
0x25: {  	[simem:s6], [sflag:s4] =	dma.local [hbm:s3], $0xF7A  }
0x26: {  	[smem:$0x3F9D] =	sst s1;
	(tag) =	ssettag s2;
	_ =	strace s9  }
0x27: {  	s1 =	sld [smem:$0x3FAD]  }
0x28: {  	s2 =	sld [smem:$0x3FAE]  }
0x29: {  	s4 =	sld [smem:$0x3FB0]  }
0x2a: {  	p0 =	seq.s32 s5, $0x0;
	s5 =	sld [smem:$0x3FB1]  }
0x2b: {  	s6 =	sld [smem:$0x3FB2]  }
0x2c: {  	s7 =	sld [smem:$0x3FB3]  }
0x2d: {  	s3 =	simm.s32 $0x108;
	s8 =	sld [smem:$0x3FB4]  }
0x2e: {  	s3 =	simm.s32 @!p0 $0x1082;
	s9 =	sld [smem:$0x3FB5]  }
0x2f: {  	lr =	sadd.s32 s0, s3;
	s0 =	sld [smem:$0x3FAC]  }
0x30: {  	s3 =	sld [smem:$0x3FAF]  }
0x31: {  	[smem:$0x3FB8] =	sst s10  }
0x32: {  	s10 =	sld [smem:$0x3FB6];
	_ =	sdelay $0x3  }
0x33: {  	p0 =	seq.s32 s10, $0x1;
	s10 =	sld [smem:$0x3FB8];
	_ =	sdelay $0x3  }
0x34: {  	[smem:$0x3FB8] =	sst s10  }
0x35: {  	s10 =	sld [smem:$0x3FB7];
	_ =	sdelay $0x3  }
0x36: {  	p1 =	seq.s32 s10, $0x1;
	s10 =	sld [smem:$0x3FB8];
	_ =	sdelay $0x3  }
0x37: {  	[smem:$0x3FB8] =	sst s10  }
0x38: {  	s10 =	sld [smem:$0x3FB9]  }
0x39: {  	_ = 	snop;
	(pc) =	sbr.ind lr, $3  }
0x3a: {  	_ = 	snop  }
0x3b: {  	_ = 	snop  }
0x3c: {  	p2 =	seq.s32 s10, $0x1;
	s10 =	sld [smem:$0x3FB8]  }
0x3d: {  	_ =	shalt  }
0x3e: {  	_ =	shalt  }
0x3f: {  	_ =	shalt  }
0x40: {  	_ =	shalt  }
0x41: {  	_ =	shalt  }
0x42: {  	_ =	shalt  }
0x43: {  	_ =	shalt  }
0x44: {  	_ =	shalt  }
0x45: {  	_ =	shalt  }
0x46: {  	_ =	shalt  }
0x47: {  	_ =	shalt  }
0x48: {  	_ =	shalt  }
0x49: {  	_ =	shalt  }
0x4a: {  	_ =	shalt  }
0x4b: {  	_ =	shalt  }
0x4c: {  	_ =	shalt  }
0x4d: {  	_ =	shalt  }
0x4e: {  	_ =	shalt  }
0x4f: {  	_ =	shalt  }
0x50: {  	_ =	shalt  }
0x51: {  	_ =	shalt  }
0x52: {  	_ =	shalt  }
0x53: {  	_ =	shalt  }
0x54: {  	_ =	shalt  }
0x55: {  	_ =	shalt  }
0x56: {  	_ =	shalt  }
0x57: {  	_ =	shalt  }
0x58: {  	_ =	shalt  }
0x59: {  	_ =	shalt  }
0x5a: {  	_ =	shalt  }
0x5b: {  	_ =	shalt  }
0x5c: {  	_ =	shalt  }
0x5d: {  	_ =	shalt  }
0x5e: {  	_ =	shalt  }
0x5f: {  	_ =	shalt  }
0x60: {  	_ =	shalt  }
0x61: {  	_ =	shalt  }
0x62: {  	_ =	shalt  }
0x63: {  	_ =	shalt  }
0x64: {  	_ =	shalt  }
0x65: {  	_ =	shalt  }
0x66: {  	_ =	shalt  }
0x67: {  	_ =	shalt  }
0x68: {  	_ =	shalt  }
0x69: {  	_ =	shalt  }
0x6a: {  	_ =	shalt  }
0x6b: {  	_ =	shalt  }
0x6c: {  	_ =	shalt  }
0x6d: {  	_ =	shalt  }
0x6e: {  	_ =	shalt  }
0x6f: {  	_ =	shalt  }
0x70: {  	_ =	shalt  }
0x71: {  	_ =	shalt  }
0x72: {  	_ =	shalt  }
0x73: {  	_ =	shalt  }
0x74: {  	_ =	shalt  }
0x75: {  	_ =	shalt  }
0x76: {  	_ =	shalt  }
0x77: {  	_ =	shalt  }
0x78: {  	_ =	shalt  }
0x79: {  	_ =	shalt  }
0x7a: {  	_ =	shalt  }
0x7b: {  	_ =	shalt  }
0x7c: {  	_ =	shalt  }
0x7d: {  	_ =	shalt  }
0x7e: {  	_ =	shalt  }
0x7f: {  	_ =	shalt  }
0x80: {  	_ =	shalt  }
0x81: {  	_ =	shalt  }
0x82: {  	_ =	shalt  }
0x83: {  	_ =	shalt  }
0x84: {  	_ =	shalt  }
0x85: {  	_ =	shalt  }
0x86: {  	_ =	shalt  }
0x87: {  	_ =	shalt  }
.Lfunc_end0:
.L_simem_size_0:
called_computation_lowered:
.L_overlay_start_0:
0x88: {  	s2 =	sld [smem:$0x3FD9]  }
0x89: {  	s3 =	sld [smem:$0x3FFE];
	_ =	sdelay $0x1  }
0x8a: {  	s1 =	srdreg.scid  }
0x8b: {  	s0 =	sand.u32 $0x1, s1  }
0x8c: {  	s17 =	sshll.u32 s0, $0xA;
	s2 =	sadd.s32 s3, s2  }
0x8d: {  	s2 =	sadd.s32 s2, s17  }
0x8e: {  	[smem:$0x3FC4] =	sst s2  }
0x8f: {  	_ = 	snop  }
0x90: {  	s2 =	sld [smem:$0x3FC9]  }
0x91: {  	s18 =	sld [smem:$0x3FC7];
	(tm) =	ssettm $0x1  }
0x92: {  	s4 =	sld [smem:$0x3FFB];
	_ =	sdelay $0x3  }
0x93: {  	_ =	strace s4  }
0x94: {  	s4 =	sld [smem:$0x3FFC];
	_ =	sdelay $0x3  }
0x95: {  	_ =	strace s4  }
0x96: {  	s4 =	sld [smem:$0x3FFD];
	_ =	sdelay $0x3  }
0x97: {  	_ =	strace s4  }
0x98: {  	_ =	strace $0x8FFFFFFF  }
0x99: {  	s19 =	sld [smem:$0x3FDB];
	_ =	sdelay $0x1  }
0x9a: {  	s5 =	simm.s32 $_scs_section_size  }
0x9b: {  	s6 =	simm.s32 $_size__tile_overlayer_lowered;
	s7 =	simm.s32 $_tile_overlayer_lowered  }
0x9c: {  	s22 =	simm.s32 $0x1BFF;
	s21 =	sshll.u32 s7, $0x1;
	s4 =	sadd.s32 s5, s19  }
0x9d: {  	s8 =	simm.s32 $0x0;
	s20 =	sshll.u32 s6, $0x1;
	s6 =	sadd.s32 s21, s4  }
0x9e: {  	[timem:s8], [sflag:s22] =	dma.local [hbm:s6], s20  }
0x9f: {  	_ =	swait.ge [sflag:s22], s20  }
0xa0: {  	s5 =	ssub.s32 $0x0, s20;
	[sflag:s22] =	ssyncset.done $0x0  }
0xa1: {  	[sflag:s22] =	ssyncadd.s32 s5;
	_ =	sdelay $0x1  }
0xa2: {  	s23 =	simm.s32 $0x1B8B  }
0xa3: {  	_ =	swait.ge [sflag:s23], $0x1  }
0xa4: {  	[sflag:s23] =	ssyncset.done $0x0  }
0xa5: {  	s25 =	simm.s32 $0x1B8E;
	s24 =	sld [smem:$0x3FFE];
	[sflag:s23] =	ssyncadd.s32 $0xFFFFFFFF  }
0xa6: {  	s26 =	simm.s32 $execute0_lowered;
	[smem:$0x3FD2] =	sst s25  }
0xa7: {  	s6 =	sshll.u32 s26, $0x1;
	_ =	strace $0x80000046;
	[dreg:$0x1] =	wrdreg $0xFFFFFFFF  }
0xa8: {  	s28 =	simm.s32 $_size_execute0_lowered;
	s4 =	sadd.s32 s4, s6;
	[dreg:$0x0] =	wrdreg $0x0  }
0xa9: {  	s6 =	sshll.u32 s28, $0x1;
	[dreg:$0x2] =	wrdreg s4  }
0xaa: {  	[dreg:$0x3] =	wrdreg s6  }
0xab: {  	[dreg:$0x4] =	wrdreg $0xC0  }
0xac: {  	_ =	task [dreg:s8], $0x5FFFF  }
0xad: {  	[dreg:$0x1] =	wrdreg $0xFFFFFFFF  }
0xae: {  	[dreg:$0x0] =	wrdreg $0x60  }
0xaf: {  	[dreg:$0x2] =	wrdreg s24  }
0xb0: {  	[dreg:$0x3] =	wrdreg s2  }
0xb1: {  	[dreg:$0x4] =	wrdreg s18  }
0xb2: {  	[dreg:$0x5] =	wrdreg $0xB8000  }
0xb3: {  	[dreg:$0x6] =	wrdreg $0x9  }
0xb4: {  	_ =	task.clear_ibuf [dreg:s8], $0x7FFFF;
	_ =	strace $0x90000046  }
0xb5: {  	s29 =	simm.s32 $0x9;
	_ =	strace $0x80000048  }
0xb6: {  	_ =	swait.ge [sflag:s29], $0x1  }
0xb7: {  	[sflag:s29] =	ssyncadd.s32 $0xFFFFFFFF  }
0xb8: {  	_ =	strace $0x90000048  }
0xb9: {  	_ =	sfence  }
0xba: {  	s30 =	sld [smem:$0x0];
	_ =	sdelay $0x2  }
0xbb: {  	s31 =	sshll.u32 s1, $0xD;
	s1 =	sshrl.u32 s1, $0x2  }
0xbc: {  	s3 =	sand.u32 $0x4000, s31;
	s1 =	sadd.s32 s1, s30  }
0xbd: {  	s0 =	sor.u32 s3, s0;
	s1 =	sshll.u32 s1, $0x11  }
0xbe: {  	s0 =	sor.u32 s1, s0  }
0xbf: {  	s0 =	sadd.s32 $0x8F2B, s0  }
0xc0: {  	[sflag:s0] =	ssyncadd.remote.s32 $0x1  }
0xc1: {  	_ =	sfence.sel $0xFFFF  }
0xc2: {  	[dreg:$0x0] =	wrdreg $0xFFFFFFFF;
	(pc) =	sbr.abs _section_cstart, $3  }
0xc3: {  	[dreg:$0x1] =	wrdreg $0xFFFFFFFF  }
0xc4: {  	_ =	task.clear_ibuf [dreg:s8], $0x2FFFF;
	_ =	strace $0x9FFFFFFF  }
0xc5: {  	(tm) =	ssettm $0x7FFFFFFF  }
tec
execute0_lowered:
.L_overlay_start_1:
0x0: {  	(tag) =	ssettag $0x1  }
0x1: {  	s0 =	rddreg [dreg:$0x0]  }
0x2: {  	s1 =	rddreg [dreg:$0x1]  }
0x3: {  	s3 =	rddreg [dreg:$0x2]  }
0x4: {  	s2 =	srdreg.scid;
	s20 =	stileid.u32  }
0x5: {  	s4 =	rddreg [dreg:$0x3];
	s5 =	simm.s32 $0x0;
	s28 =	simm.s32 $0xA400  }
0x6: {  	s29 =	simm.s32 $0x5;
	s2 =	sand.u32 $0x1, s2;
	s14 =	smul.u32 $0x5000, s20  }
0x7: {  	s6 =	sshll.u32 s20, $0x1;
	s21 =	sor.u32 $0x10, s20;
	s22 =	smul.u32 $0x6400, s20  }
0x8: {  	s10 =	sor.u32 s2, s6;
	s11 =	ssub.s32 $0x2, s2;
	s2 =	smul.u32 $0x138800, s2  }
0x9: {  	s30 =	simm.s32 $0x6;
	s17 =	sor.u32 $0x30, s20;
	s16 =	smul.u32 $0x6400, s21  }
0xa: {  	s31 =	simm.s32 $0x9;
	[smem:$0x7FF] =	sst s5;
	s24 =	smul.u32 $0x6400, s17  }
0xb: {  	s7 =	sadd.s32 $0x600, s0;
	s9 =	sadd.s32 $0x28600, s0;
	s6 =	smul.u32 $0xA000, s10  }
0xc: {  	s0 =	sadd.s32 $0x50600, s0;
	p0 =	sgt.u32 s20, $0x9;
	s8 =	smul.u32 $0x2710, s10  }
0xd: {  	p1 =	sgt.u32 s20, $0x1;
	_ =	strace $0x80000047;
	s12 =	smul.u32 $0x27100, s10  }
0xe: {  	s13 =	sshrl.u32 s11, $0x1;
	s10 =	smul.u32 $0x138800, s10;
	s14 =	sshrl.u32 s14, $0x2  }
0xf: {  	s11 =	ssub.s32 s11, s13;
	s23 =	sadd.s32 s22, s2;
	s16 =	sadd.s32 s2, s16  }
0x10: {  	s14 =	sadd.s32 s14, s4;
	s19 =	sshrl.u32 s6, $0x3;
	s12 =	sadd.s32 s3, s12  }
0x11: {  	s10 =	sshrl.u32 s10, $0x3;
	s11 =	smax.u32 s11, $0x1;
	[dreg:$0xd] =	wrdreg s14  }
0x12: {  	s15 =	sadd.s32 s7, s19;
	s13 =	sadd.s32 s9, s19;
	[dreg:$0x7] =	wrdreg s12  }
0x13: {  	s10 =	sadd.s32 s3, s10;
	s19 =	smul.u32 $0x5000, s21;
	[dreg:$0x11] =	wrdreg s11  }
0x14: {  	s21 =	smul.u32 $0x19000, s21;
	[dreg:$0x5] =	wrdreg s15;
	s15 =	sor.u32 $0x20, s20  }
0x15: {  	[dreg:$0x6] =	wrdreg s13;
	s10 =	sadd.s32 $0x280, s10;
	s18 =	smul.u32 $0x6400, s15  }
0x16: {  	s26 =	sshrl.u32 s16, $0x3;
	[dreg:$0x8] =	wrdreg s10;
	s25 =	smul.u32 $0x5000, s15  }
0x17: {  	s10 =	sshrl.u32 s23, $0x3;
	s23 =	smul.u32 $0x19000, s20;
	s20 =	sadd.s32 $0xB4000, s14  }
0x18: {  	s19 =	sshrl.u32 s19, $0x2;
	s10 =	sadd.s32 s0, s10;
	[dreg:$0x1b] =	wrdreg s20  }
0x19: {  	s20 =	simm.s32 $0x6800;
	s18 =	sadd.s32 s2, s18;
	s2 =	sadd.s32 s2, s24  }
0x1a: {  	[dreg:$0x9] =	wrdreg s10;
	s10 =	sadd.s32 s0, s26;
	s24 =	smul.u32 $0x19000, s15  }
0x1b: {  	s22 =	sshrl.u32 s25, $0x2;
	s25 =	sshrl.u32 s23, $0x2;
	s26 =	smul.u32 $0x19000, s17  }
0x1c: {  	s15 =	sadd.s32 $0x50000, s14;
	s23 =	sadd.s32 $0xF0000, s14;
	[dreg:$0xa] =	wrdreg s10  }
0x1d: {  	s16 =	sshrl.u32 s18, $0x3;
	s2 =	sshrl.u32 s2, $0x3;
	[dreg:$0x16] =	wrdreg s15  }
0x1e: {  	s18 =	smul.u32 $0x5000, s17;
	s17 =	sadd.s32 $0x78000, s14;
	[dreg:$0x1e] =	wrdreg s23  }
0x1f: {  	s23 =	simm.s32 $0x1;
	s10 =	sadd.s32 s0, s16;
	[dreg:$0x18] =	wrdreg s17  }
0x20: {  	s0 =	sadd.s32 s0, s2;
	s2 =	sadd.s32 s19, s4;
	[dreg:$0xb] =	wrdreg s10  }
0x21: {  	s12 =	sshrl.u32 s26, $0x2;
	s16 =	sadd.s32 $0x64000, s14;
	[dreg:$0xc] =	wrdreg s0  }
0x22: {  	s19 =	sadd.s32 $0xA0000, s14;
	s26 =	sadd.s32 $0x12C000, s14;
	[dreg:$0xe] =	wrdreg s2  }
0x23: {  	s17 =	simm.s32 $0x28;
	s2 =	sadd.s32 s22, s4;
	[dreg:$0x17] =	wrdreg s16  }
0x24: {  	s0 =	sshrl.u32 s18, $0x2;
	s10 =	sshrl.u32 s21, $0x2;
	[dreg:$0x1a] =	wrdreg s19  }
0x25: {  	s12 =	sadd.s32 s12, s4;
	s18 =	sadd.s32 $0x8C000, s14;
	[smem:$0x7FD] =	sst s26  }
0x26: {  	s21 =	sadd.s32 $0xC8000, s14;
	s22 =	sadd.s32 $0xDC000, s14;
	[dreg:$0xf] =	wrdreg s2  }
0x27: {  	s16 =	simm.s32 $0x7;
	s19 =	simm.s32 $0x4000;
	[dreg:$0x19] =	wrdreg s18  }
0x28: {  	s26 =	simm.s32 $0x4;
	s0 =	sadd.s32 s0, s4;
	[dreg:$0x1c] =	wrdreg s21  }
0x29: {  	s2 =	sshrl.u32 s24, $0x2;
	s10 =	sadd.s32 s10, s4;
	[dreg:$0x1d] =	wrdreg s22  }
0x2a: {  	s24 =	sadd.s32 $0x104000, s14;
	s21 =	simm.s32 $0x9000;
	[dreg:$0x10] =	wrdreg s0  }
0x2b: {  	s0 =	sadd.s32 s25, s4;
	s11 =	sshrl.u32 s10, $0x3;
	[dreg:$0x1f] =	wrdreg s24  }
.Ltmp0:
0x2c: {  	s25 =	sadd.s32 $0x118000, s14;
	[dreg:$0x13] =	wrdreg s11;
	(pc) =	sbr.rel .LBB2_1-.Ltmp0, $4  }
0x2d: {  	s2 =	sadd.s32 s2, s4;
	s0 =	sshrl.u32 s0, $0x3;
	[smem:$0x7FC] =	sst s25  }
0x2e: {  	s22 =	simm.s32 $0x8;
	s13 =	sshrl.u32 s2, $0x3;
	[dreg:$0x12] =	wrdreg s0  }
0x2f: {  	s24 =	simm.s32 $0x3;
	[dreg:$0x14] =	wrdreg s13;
	s0 =	sshrl.u32 @!p1 s12, $0x3  }
0x30: {  	v0 =	vimm.f32 $0.0e+00;
	s25 =	simm.s32 $0x2;
	s2 =	simm.s32 $0x0;
	[dreg:$0x15] =	wrdreg s0  }
.LBB2_18:
0x31: {  	_ =	swait.ge [sflag:s29], $0x1400  }
0x32: {  	[sflag:s29] =	ssyncset.done $0x0  }
0x33: {  	[sflag:s29] =	ssyncadd.s32 $0xFFFFEC00  }
0x34: {  	_ =	swait.ge [sflag:s30], $0x1400  }
0x35: {  	[sflag:s30] =	ssyncset.done $0x0  }
0x36: {  	[sflag:s30] =	ssyncadd.s32 $0xFFFFEC00  }
0x37: {  	s0 =	stileid.u32;
	[bflag:$0x0] =	sbarrier.arrive $0xFFFF  }
0x38: {  	s0 =	sshll.u32 s0, $0x6;
	s10 =	rddreg [dreg:$0x9]  }
0x39: {  	s0 =	sor.u32 $0x1C09, s0;
	s11 =	rddreg [dreg:$0x12]  }
0x3a: {  	[hbm:s10], [sflag:s0] =	dma.local [spmem:s11], $0xC80  }
0x3b: {  	_ =	swait.ge [sflag:s31], $0xC80  }
0x3c: {  	[sflag:s31] =	ssyncset.done $0x0;
	s12 =	rddreg [dreg:$0xa]  }
0x3d: {  	s13 =	rddreg [dreg:$0x13];
	[sflag:s31] =	ssyncadd.s32 $0xFFFFF380  }
0x3e: {  	[hbm:s12], [sflag:s0] =	dma.local [spmem:s13], $0xC80  }
0x3f: {  	_ =	swait.ge [sflag:s31], $0xC80  }
0x40: {  	[sflag:s31] =	ssyncset.done $0x0;
	s14 =	rddreg [dreg:$0xb]  }
0x41: {  	s15 =	rddreg [dreg:$0x14];
	[sflag:s31] =	ssyncadd.s32 $0xFFFFF380  }
0x42: {  	[hbm:s14], [sflag:s0] =	dma.local [spmem:s15], $0xC80  }
0x43: {  	_ =	swait.ge [sflag:s31], $0xC80  }
0x44: {  	[sflag:s31] =	ssyncset.done $0x0;
	s10 =	rddreg [dreg:$0xc]  }
0x45: {  	s11 =	rddreg [dreg:$0x15];
	[sflag:s31] =	ssyncadd.s32 $0xFFFFF380  }
0x46: {  	[hbm:s10], [sflag:s0] =	dma.local @!p1 [spmem:s11], $0xC80  }
0x47: {  	s0 =	simm.s32 @!p1 $0x9  }
0x48: {  	_ =	swait.ge @!p1 [sflag:s0], $0xC80  }
0x49: {  	s2 =	sadd.s32 $0x1, s2;
	s18 =	rddreg [dreg:$0x11]  }
0x4a: {  	p2 =	sne.s32 s2, s18  }
.Ltmp1:
0x4b: {  	_ = 	snop;
	(pc) =	sbr.rel @!p2 .LBB2_19-.Ltmp1, $3  }
0x4c: {  	_ =	sdelay $0x1  }
0x4d: {  	[sflag:s0] =	ssyncset.done @!p1 $0x0  }
0x4e: {  	[sflag:s0] =	ssyncadd.s32 @!p1 $0xFFFFF380  }
.LBB2_1:
0x4f: {  	s0 =	rddreg [dreg:$0x5]  }
0x50: {  	[tilespmem:s5], [sflag:$0x7] =	stream.linear.gather [hbm4b:s0+s5], $0xC80, $0x38;
	[tilespmem:$0x1F080] =	vst v63  }
0x51: {  	s11 =	rddreg [dreg:$0x6];
	s10 =	simm.s32 $0x2000  }
0x52: {  	[tilespmem:s10], [sflag:$0x7] =	stream.linear.gather [hbm4b:s11+s5], $0xC80, $0x38;
	[tilespmem:$0x1F080] =	vst v63  }
0x53: {  	_ =	swait.ge [sflag:s16], $0xC80  }
0x54: {  	[sflag:s16] =	ssyncset.done $0x0  }
0x55: {  	[sflag:s16] =	ssyncadd.s32 $0xFFFFF380  }
0x56: {  	_ =	swait.ge [sflag:s16], $0xC80  }
0x57: {  	[sflag:s16] =	ssyncset.done $0x0  }
0x58: {  	[sflag:s16] =	ssyncadd.s32 $0xFFFFF380  }
0x59: {  	[tilespmem:s19], [sflag:$0x1] =	stream.indirect.gather [hbm4b:s1+s17], $0x80, s5, s17, $0xb8;
	[tilespmem:$0x1F080] =	vst v63  }
0x5a: {  	s12 =	rddreg [dreg:$0x7]  }
0x5b: {  	[tilespmem:s20], [sflag:$0x3] =	stream.linear.gather [hbm4b:s12+s5], $0x1400, $0x38;
	[tilespmem:$0x1F080] =	vst v63  }
0x5c: {  	s13 =	simm.s32 $0x80;
	s14 =	simm.s32 $0x5400;
	s18 =	simm.s32 $0x7C00  }
0x5d: {  	[tilespmem:s14], [sflag:$0x2] =	stream.indirect.gather [hbm4b:s1+s17], $0x80, s13, s17, $0xb8;
	[tilespmem:$0x1F080] =	vst v63  }
0x5e: {  	s0 =	simm.s32 $0x0;
	s10 =	simm.s32 $0x200;
	s15 =	rddreg [dreg:$0x8]  }
0x5f: {  	[tilespmem:s18], [sflag:$0x4] =	stream.linear.gather [hbm4b:s15+s5], $0x1400, $0x38;
	[tilespmem:$0x1F080] =	vst v63  }
.LBB2_2:
0x60: {  	p2 =	sne.s32 s10, $0x4E00;
	[tilespmem:s0+$0x9070] =	vst v0  }
0x61: {  	[tilespmem:s0+$0x9000] =	vst v0  }
0x62: {  	[tilespmem:s0+$0x9010] =	vst v0  }
.Ltmp2:
0x63: {  	[tilespmem:s0+$0x9020] =	vst v0;
	(pc) =	sbr.rel @p2 .LBB2_2-.Ltmp2, $4  }
0x64: {  	[tilespmem:s0+$0x9030] =	vst v0  }
0x65: {  	[tilespmem:s0+$0x9040] =	vst v0  }
0x66: {  	[tilespmem:s0+$0x9050] =	vst v0  }
0x67: {  	[tilespmem:s0+$0x9060] =	vst v0;
	s0 =	sshra.s32 s10, $0x2;
	s10 =	sadd.s32 $0x200, s10  }
0x68: {  	[tilespmem:s0+$0x9070] =	vst v0  }
0x69: {  	[tilespmem:s0+$0x9000] =	vst v0  }
0x6a: {  	[tilespmem:s0+$0x9010] =	vst v0  }
0x6b: {  	[tilespmem:s0+$0x9020] =	vst v0  }
0x6c: {  	[tilespmem:s0+$0x9030] =	vst v0  }
0x6d: {  	[tilespmem:s0+$0x9040] =	vst v0  }
0x6e: {  	[tilespmem:s0+$0x9050] =	vst v0;
	s18 =	rddreg [dreg:$0xd]  }
0x6f: {  	[tilespmem:s0+$0x9060] =	vst v0;
	s10 =	rddreg [dreg:$0xe]  }
0x70: {  	[spmem:s18] =	stream.linear.scatter [tilespmem:s21], [sflag:$0x8], $0x1400, $0x38;
	[tilespmem:$0x1F080] =	vst v63  }
0x71: {  	s11 =	rddreg [dreg:$0xf]  }
0x72: {  	[spmem:s10] =	stream.linear.scatter [tilespmem:s21], [sflag:$0x8], $0x1400, $0x38;
	[tilespmem:$0x1F080] =	vst v63  }
0x73: {  	s12 =	rddreg [dreg:$0x10]  }
0x74: {  	[spmem:s11] =	stream.linear.scatter [tilespmem:s21], [sflag:$0x8], $0x1400, $0x38;
	[tilespmem:$0x1F080] =	vst v63  }
0x75: {  	s13 =	rddreg [dreg:$0x16]  }
0x76: {  	[spmem:s12] =	stream.linear.scatter [tilespmem:s21], [sflag:$0x8], $0x1400, $0x38;
	[tilespmem:$0x1F080] =	vst v63  }
0x77: {  	s14 =	rddreg [dreg:$0x17]  }
0x78: {  	[spmem:s13] =	stream.linear.scatter [tilespmem:s21], [sflag:$0x8], $0x1400, $0x38;
	[tilespmem:$0x1F080] =	vst v63  }
0x79: {  	s15 =	rddreg [dreg:$0x18]  }
0x7a: {  	[spmem:s14] =	stream.linear.scatter [tilespmem:s21], [sflag:$0x8], $0x1400, $0x38;
	[tilespmem:$0x1F080] =	vst v63  }
0x7b: {  	s18 =	rddreg [dreg:$0x19]  }
0x7c: {  	[spmem:s15] =	stream.linear.scatter [tilespmem:s21], [sflag:$0x8], $0x1400, $0x38;
	[tilespmem:$0x1F080] =	vst v63  }
0x7d: {  	s10 =	rddreg [dreg:$0x1a]  }
0x7e: {  	[spmem:s18] =	stream.linear.scatter [tilespmem:s21], [sflag:$0x8], $0x1400, $0x38;
	[tilespmem:$0x1F080] =	vst v63  }
0x7f: {  	s11 =	rddreg [dreg:$0x1b]  }
0x80: {  	[spmem:s10] =	stream.linear.scatter [tilespmem:s21], [sflag:$0x8], $0x1400, $0x38;
	[tilespmem:$0x1F080] =	vst v63  }
0x81: {  	s12 =	rddreg [dreg:$0x1c]  }
0x82: {  	[spmem:s11] =	stream.linear.scatter [tilespmem:s21], [sflag:$0x8], $0x1400, $0x38;
	[tilespmem:$0x1F080] =	vst v63  }
0x83: {  	s13 =	rddreg [dreg:$0x1d]  }
0x84: {  	[spmem:s12] =	stream.linear.scatter [tilespmem:s21], [sflag:$0x8], $0x1400, $0x38;
	[tilespmem:$0x1F080] =	vst v63  }
0x85: {  	s14 =	rddreg [dreg:$0x1e]  }
0x86: {  	[spmem:s13] =	stream.linear.scatter [tilespmem:s21], [sflag:$0x8], $0x1400, $0x38;
	[tilespmem:$0x1F080] =	vst v63  }
0x87: {  	s15 =	rddreg [dreg:$0x1f]  }
0x88: {  	[spmem:s14] =	stream.linear.scatter [tilespmem:s21], [sflag:$0x8], $0x1400, $0x38;
	[tilespmem:$0x1F080] =	vst v63  }
0x89: {  	s18 =	sld [smem:$0x7FC]  }
0x8a: {  	[spmem:s15] =	stream.linear.scatter [tilespmem:s21], [sflag:$0x8], $0x1400, $0x38;
	[tilespmem:$0x1F080] =	vst v63  }
0x8b: {  	s10 =	sld [smem:$0x7FD]  }
0x8c: {  	[spmem:s18] =	stream.linear.scatter [tilespmem:s21], [sflag:$0x8], $0x1400, $0x38;
	[tilespmem:$0x1F080] =	vst v63  }
0x8d: {  	s0 =	simm.s32 @!p0 $0x9000  }
0x8e: {  	[spmem:s10] =	stream.linear.scatter @!p0 [tilespmem:s0], [sflag:$0x8], $0x1400, $0x38;
	[tilespmem:$0x1F080] =	vst v63  }
0x8f: {  	_ =	swait.ge [sflag:s22], $0x1400  }
0x90: {  	[sflag:s22] =	ssyncset.done $0x0  }
0x91: {  	[sflag:s22] =	ssyncadd.s32 $0xFFFFEC00  }
0x92: {  	_ =	swait.ge [sflag:s22], $0x1400  }
0x93: {  	[sflag:s22] =	ssyncset.done $0x0  }
0x94: {  	[sflag:s22] =	ssyncadd.s32 $0xFFFFEC00  }
0x95: {  	_ =	swait.ge [sflag:s22], $0x1400  }
0x96: {  	[sflag:s22] =	ssyncset.done $0x0  }
0x97: {  	[sflag:s22] =	ssyncadd.s32 $0xFFFFEC00  }
0x98: {  	_ =	swait.ge [sflag:s22], $0x1400  }
0x99: {  	[sflag:s22] =	ssyncset.done $0x0  }
0x9a: {  	[sflag:s22] =	ssyncadd.s32 $0xFFFFEC00  }
0x9b: {  	_ =	swait.ge [sflag:s22], $0x1400  }
0x9c: {  	[sflag:s22] =	ssyncset.done $0x0  }
0x9d: {  	[sflag:s22] =	ssyncadd.s32 $0xFFFFEC00  }
0x9e: {  	_ =	swait.ge [sflag:s22], $0x1400  }
0x9f: {  	[sflag:s22] =	ssyncset.done $0x0  }
0xa0: {  	[sflag:s22] =	ssyncadd.s32 $0xFFFFEC00  }
0xa1: {  	_ =	swait.ge [sflag:s22], $0x1400  }
0xa2: {  	[sflag:s22] =	ssyncset.done $0x0  }
0xa3: {  	[sflag:s22] =	ssyncadd.s32 $0xFFFFEC00  }
0xa4: {  	_ =	swait.ge [sflag:s22], $0x1400  }
0xa5: {  	[sflag:s22] =	ssyncset.done $0x0  }
0xa6: {  	[sflag:s22] =	ssyncadd.s32 $0xFFFFEC00  }
0xa7: {  	_ =	swait.ge [sflag:s22], $0x1400  }
0xa8: {  	[sflag:s22] =	ssyncset.done $0x0  }
0xa9: {  	[sflag:s22] =	ssyncadd.s32 $0xFFFFEC00  }
0xaa: {  	_ =	swait.ge [sflag:s22], $0x1400  }
0xab: {  	[sflag:s22] =	ssyncset.done $0x0  }
0xac: {  	[sflag:s22] =	ssyncadd.s32 $0xFFFFEC00  }
0xad: {  	_ =	swait.ge [sflag:s22], $0x1400  }
0xae: {  	[sflag:s22] =	ssyncset.done $0x0  }
0xaf: {  	[sflag:s22] =	ssyncadd.s32 $0xFFFFEC00  }
0xb0: {  	_ =	swait.ge [sflag:s22], $0x1400  }
0xb1: {  	[sflag:s22] =	ssyncset.done $0x0  }
0xb2: {  	[sflag:s22] =	ssyncadd.s32 $0xFFFFEC00  }
0xb3: {  	_ =	swait.ge [sflag:s22], $0x1400  }
0xb4: {  	[sflag:s22] =	ssyncset.done $0x0  }
0xb5: {  	[sflag:s22] =	ssyncadd.s32 $0xFFFFEC00  }
0xb6: {  	_ =	swait.ge [sflag:s22], $0x1400  }
0xb7: {  	[sflag:s22] =	ssyncset.done $0x0  }
0xb8: {  	[sflag:s22] =	ssyncadd.s32 $0xFFFFEC00  }
0xb9: {  	_ =	swait.ge [sflag:s22], $0x1400  }
0xba: {  	[sflag:s22] =	ssyncset.done $0x0  }
0xbb: {  	s0 =	simm.s32 @!p0 $0x8;
	[sflag:s22] =	ssyncadd.s32 $0xFFFFEC00  }
.Ltmp3:
0xbc: {  	_ =	swait.ge @!p0 [sflag:s0], $0x1400;
	(pc) =	sbr.rel .LBB2_4-.Ltmp3, $4  }
0xbd: {  	[sflag:s0] =	ssyncset.done @!p0 $0x0  }
0xbe: {  	[sflag:s0] =	ssyncadd.s32 @!p0 $0xFFFFEC00  }
0xbf: {  	[bflag:$0x0] =	sbarrier.arrive $0xFFFF  }
0xc0: {  	s0 =	simm.s32 $0x0  }
.LBB2_16:
0xc1: {  	p4 =	sne.s32 @!p2 s11, $0x17  }
0xc2: {  	p2 =	por p4, p2  }
0xc3: {  	s13 =	simm.s32 @!p2 $0x7  }
0xc4: {  	_ =	swait.ge @!p2 [sflag:s13], $0xC80  }
0xc5: {  	[sflag:s13] =	ssyncset.done @!p2 $0x0  }
0xc6: {  	[sflag:s13] =	ssyncadd.s32 @!p2 $0xFFFFF380  }
0xc7: {  	_ =	swait.ge @!p2 [sflag:s13], $0xC80  }
0xc8: {  	[sflag:s13] =	ssyncset.done @!p2 $0x0  }
0xc9: {  	[sflag:s13] =	ssyncadd.s32 @!p2 $0xFFFFF380  }
.LBB2_17:
0xca: {  	s10 =	sadd.s32 @!p3 $0x3, s10  }
0xcb: {  	s13 =	smulhi.u32 @!p3 $0x51EB851F, s10;
	_ =	sdelay $0x1  }
0xcc: {  	s14 =	sshrl.u32 @!p3 s13, $0x3  }
0xcd: {  	s14 =	smul.u32 @!p3 $0x19, s14  }
0xce: {  	s15 =	simm.s32 @!p3 $0x5400  }
0xcf: {  	s13 =	sshll.u32 @!p3 s13, $0x9;
	s14 =	ssub.s32 @!p3 s10, s14;
	s10 =	smul.u32 @!p3 $0x28, s10  }
0xd0: {  	s0 =	sadd.s32 $0x1, s0;
	s13 =	sand.u32 @!p3 $0x1000, s13;
	s14 =	sshll.u32 @!p3 s14, $0x7  }
0xd1: {  	s13 =	sor.u32 @!p3 s14, s13;
	s14 =	simm.s32 @!p3 $0x28;
	s10 =	sadd.s32 @!p3 s8, s10  }
0xd2: {  	[tilespmem:s15], [sflag:$0x2] =	stream.indirect.gather @!p3 [hbm4b:s1+s14], $0x80, s13, s14, $0xb8;
	[tilespmem:$0x1F080] =	vst v63  }
0xd3: {  	p2 =	sne.s32 s0, $0x7D;
	s10 =	sshll.u32 @!p3 s10, $0x4  }
0xd4: {  	s13 =	simm.s32 @!p3 $0x0;
	s14 =	simm.s32 @!p3 $0x7C00;
	s10 =	sadd.s32 @!p3 s3, s10  }
0xd5: {  	[tilespmem:s14], [sflag:$0x4] =	stream.linear.gather @!p3 [hbm4b:s10+s13], $0x1400, $0x38;
	[tilespmem:$0x1F080] =	vst v63  }
.Ltmp4:
0xd6: {  	s15 =	sshll.u32 s11, $0x7;
	(pc) =	sbr.rel @!p2 .LBB2_18-.Ltmp4, $4  }
0xd7: {  	s18 =	sand.u32 $0x1000, s12;
	s10 =	sand.u32 $0x3FFFFF80, s15  }
0xd8: {  	s10 =	sadd.s32 s10, s18  }
0xd9: {  	s10 =	sadd.s32 $0x2000, s10  }
0xda: {  	[spmem:s4] =	stream.indirect.scatter.add.f32 [tilespmem:s28], [sflag:$0x6], $0x80, s10, s17, $0xb8;
	[tilespmem:$0x1F080] =	vst v63  }
.LBB2_4:
0xdb: {  	_ =	swait.ge [sflag:s23], $0x1400  }
0xdc: {  	[sflag:s23] =	ssyncset.done $0x0  }
0xdd: {  	[sflag:s23] =	ssyncadd.s32 $0xFFFFEC00  }
0xde: {  	_ =	swait.ge [sflag:s24], $0x1400  }
0xdf: {  	p2 =	seq.s32 s0, $0x0;
	[sflag:s24] =	ssyncset.done $0x0  }
0xe0: {  	s10 =	simm.s32 @!p2 $0x5;
	[sflag:s24] =	ssyncadd.s32 $0xFFFFEC00  }
0xe1: {  	_ =	swait.ge @!p2 [sflag:s10], $0x1400  }
0xe2: {  	[sflag:s10] =	ssyncset.done @!p2 $0x0  }
0xe3: {  	s13 =	simm.s32 $0x0;
	[sflag:s10] =	ssyncadd.s32 @!p2 $0xFFFFEC00  }
0xe4: {  	v1 =	vld [tilespmem:s13+$0x4070]  }
0xe5: {  	v2 =	vld [tilespmem:s13+$0x6870]  }
0xe6: {  	v3 =	vld [tilespmem:s13+$0x4000]  }
0xe7: {  	v4 =	vld [tilespmem:s13+$0x6800]  }
0xe8: {  	v5 =	vld [tilespmem:s13+$0x4010]  }
0xe9: {  	v6 =	vld [tilespmem:s13+$0x6810]  }
0xea: {  	v7 =	vld [tilespmem:s13+$0x4020]  }
0xeb: {  	v1 =	vadd.f32 v2, v1;
	v2 =	vld [tilespmem:s13+$0x6820]  }
0xec: {  	v8 =	vld [tilespmem:s13+$0x4030]  }
0xed: {  	s18 =	smul.u32 $0x52, s0;
	v9 =	vld [tilespmem:s13+$0x6830];
	v3 =	vadd.f32 v4, v3  }
0xee: {  	v10 =	vld [tilespmem:s13+$0x4040];
	v1 =	vmax.f32 v1, $0.0e+00  }
0xef: {  	s10 =	sshrl.u32 s18, $0xA;
	[tilespmem:s13+$0x9070] =	vst v1;
	v1 =	vmax.f32 v3, $0.0e+00;
	v3 =	vadd.f32 v6, v5;
	v6 =	vld [tilespmem:s13+$0x6840]  }
0xf0: {  	s12 =	sand.u32 $0x3F, s10;
	v4 =	vld [tilespmem:s13+$0x6850];
	v2 =	vadd.f32 v2, v7  }
0xf1: {  	s11 =	smul.u32 $0x19, s12;
	[tilespmem:s13+$0x9000] =	vst v1;
	v1 =	vld [tilespmem:s13+$0x4050];
	v3 =	vmax.f32 v3, $0.0e+00  }
0xf2: {  	s10 =	sshll.u32 s0, $0x1;
	v5 =	vld [tilespmem:s13+$0x6860];
	v7 =	vadd.f32 v9, v8;
	[tilespmem:s13+$0x9010] =	vst v3;
	v3 =	vmax.f32 v2, $0.0e+00  }
0xf3: {  	s15 =	simm.s32 $0x80;
	s14 =	ssub.s32 s10, s11;
	v2 =	vld [tilespmem:s13+$0x4060];
	[tilespmem:s13+$0x9020] =	vst v3  }
0xf4: {  	s18 =	simm.s32 $0x400;
	s11 =	sand.u32 $0xFF, s14;
	v7 =	vmax.f32 v7, $0.0e+00;
	v6 =	vadd.f32 v6, v10;
	v3 =	vld [tilespmem:s15+$0x4070]  }
.LBB2_5:
0xf5: {  	p3 =	sne.s32 s18, $0x4E00;
	v8 =	vld [tilespmem:s15+$0x6870];
	[tilespmem:s13+$0x9030] =	vst v7  }
0xf6: {  	v7 =	vld [tilespmem:s15+$0x4000];
	v6 =	vmax.f32 v6, $0.0e+00;
	v1 =	vadd.f32 v4, v1  }
0xf7: {  	v4 =	vld [tilespmem:s15+$0x6800];
	[tilespmem:s13+$0x9040] =	vst v6  }
0xf8: {  	v6 =	vld [tilespmem:s15+$0x4010];
	v1 =	vmax.f32 v1, $0.0e+00;
	v2 =	vadd.f32 v5, v2  }
0xf9: {  	v5 =	vld [tilespmem:s15+$0x6810];
	[tilespmem:s13+$0x9050] =	vst v1  }
0xfa: {  	v1 =	vld [tilespmem:s15+$0x4020];
	v3 =	vadd.f32 v8, v3;
	v2 =	vmax.f32 v2, $0.0e+00  }
0xfb: {  	v8 =	vld [tilespmem:s15+$0x6820];
	[tilespmem:s13+$0x9060] =	vst v2;
	s13 =	smov.u32 s15  }
0xfc: {  	v2 =	vadd.f32 v4, v7;
	v7 =	vld [tilespmem:s13+$0x4030];
	v3 =	vmax.f32 v3, $0.0e+00  }
0xfd: {  	v9 =	vld [tilespmem:s13+$0x6830];
	[tilespmem:s13+$0x9070] =	vst v3  }
0xfe: {  	v2 =	vmax.f32 v2, $0.0e+00;
	v3 =	vadd.f32 v5, v6;
	v6 =	vld [tilespmem:s13+$0x4040]  }
0xff: {  	[tilespmem:s13+$0x9000] =	vst v2;
	v10 =	vld [tilespmem:s13+$0x6840]  }
.Ltmp5:
0x100: {  	v2 =	vmax.f32 v3, $0.0e+00;
	v3 =	vadd.f32 v8, v1;
	v1 =	vld [tilespmem:s13+$0x4050];
	(pc) =	sbr.rel @p3 .LBB2_5-.Ltmp5, $4  }
0x101: {  	[tilespmem:s13+$0x9010] =	vst v2;
	v4 =	vld [tilespmem:s13+$0x6850]  }
0x102: {  	v3 =	vmax.f32 v3, $0.0e+00;
	v7 =	vadd.f32 v9, v7;
	v2 =	vld [tilespmem:s13+$0x4060]  }
0x103: {  	s15 =	sshra.s32 s18, $0x2;
	[tilespmem:s13+$0x9020] =	vst v3;
	v5 =	vld [tilespmem:s13+$0x6860]  }
0x104: {  	s18 =	sadd.s32 $0x200, s18;
	v3 =	vld [tilespmem:s15+$0x4070];
	v7 =	vmax.f32 v7, $0.0e+00;
	v6 =	vadd.f32 v10, v6  }
0x105: {  	v8 =	vld [tilespmem:s15+$0x6870];
	[tilespmem:s13+$0x9030] =	vst v7  }
0x106: {  	v7 =	vld [tilespmem:s15+$0x4000];
	v6 =	vmax.f32 v6, $0.0e+00;
	v1 =	vadd.f32 v4, v1  }
0x107: {  	v9 =	vld [tilespmem:s15+$0x6800];
	[tilespmem:s13+$0x9040] =	vst v6  }
0x108: {  	v57 =	vld [tilespmem:s15+$0x4010];
	v1 =	vmax.f32 v1, $0.0e+00;
	v2 =	vadd.f32 v5, v2  }
0x109: {  	v6 =	vld [tilespmem:s15+$0x6810];
	[tilespmem:s13+$0x9050] =	vst v1  }
0x10a: {  	v1 =	vld [tilespmem:s15+$0x4020];
	v2 =	vmax.f32 v2, $0.0e+00  }
0x10b: {  	v58 =	vld [tilespmem:s15+$0x6820];
	[tilespmem:s13+$0x9060] =	vst v2  }
0x10c: {  	v2 =	vld [tilespmem:s15+$0x4030]  }
0x10d: {  	v3 =	vadd.f32 v8, v3;
	v59 =	vld [tilespmem:s15+$0x6830]  }
0x10e: {  	v7 =	vadd.f32 v9, v7;
	v60 =	vld [tilespmem:s15+$0x4040]  }
0x10f: {  	v3 =	vmax.f32 v3, $0.0e+00;
	v61 =	vld [tilespmem:s15+$0x4050]  }
0x110: {  	v62 =	vld [tilespmem:s15+$0x6850];
	[tilespmem:s15+$0x9070] =	vst v3;
	v3 =	vmax.f32 v7, $0.0e+00;
	v1 =	vadd.f32 v58, v1  }
0x111: {  	[tilespmem:s15+$0x9000] =	vst v3;
	v3 =	vld [tilespmem:s15+$0x6840]  }
0x112: {  	v63 =	vld [tilespmem:s15+$0x4060];
	v1 =	vmax.f32 v1, $0.0e+00  }
0x113: {  	p3 =	sgt.u32 s0, $0x70;
	[tilespmem:s15+$0x9020] =	vst v1;
	v1 =	vld [tilespmem:s15+$0x6860]  }
0x114: {  	s13 =	sand.u32 @!p3 $0xFF, s14;
	v4 =	vadd.f32 v6, v57  }
0x115: {  	p4 =	sne.s32 @!p3 s13, $0x4;
	v2 =	vadd.f32 v59, v2  }
0x116: {  	p4 =	por p3, p4;
	v4 =	vmax.f32 v4, $0.0e+00;
	v3 =	vadd.f32 v3, v60  }
.Ltmp6:
0x117: {  	[tilespmem:s15+$0x9010] =	vst v4;
	v4 =	vadd.f32 v62, v61;
	v2 =	vmax.f32 v2, $0.0e+00;
	(pc) =	sbr.rel @p4 .LBB2_8-.Ltmp6, $4  }
0x118: {  	[tilespmem:s15+$0x9030] =	vst v2;
	v2 =	vmax.f32 v3, $0.0e+00;
	v1 =	vadd.f32 v1, v63  }
0x119: {  	[tilespmem:s15+$0x9040] =	vst v2;
	v2 =	vmax.f32 v4, $0.0e+00  }
0x11a: {  	[tilespmem:s15+$0x9050] =	vst v2;
	v1 =	vmax.f32 v1, $0.0e+00  }
0x11b: {  	s12 =	sshll.u32 s12, $0xC;
	[tilespmem:s15+$0x9060] =	vst v1  }
0x11c: {  	s13 =	sadd.s32 $0x1000, s12  }
0x11d: {  	s14 =	sadd.s32 s6, s13  }
.Ltmp7:
0x11e: {  	s14 =	sshrl.u32 s14, $0x3;
	(pc) =	sbr.rel .LBB2_11-.Ltmp7, $4  }
0x11f: {  	s13 =	sand.u32 $0x1000, s13;
	s15 =	sadd.s32 s7, s14  }
0x120: {  	[tilespmem:s13], [sflag:$0x7] =	stream.linear.gather [hbm4b:s15+s5], $0xC80, $0x38;
	[tilespmem:$0x1F080] =	vst v63  }
0x121: {  	s14 =	sadd.s32 s9, s14;
	s13 =	sor.u32 $0x2000, s13  }
0x122: {  	[tilespmem:s13], [sflag:$0x7] =	stream.linear.gather [hbm4b:s14+s5], $0xC80, $0x38;
	[tilespmem:$0x1F080] =	vst v63  }
.LBB2_8:
0x123: {  	p4 =	sne.s32 @!p3 s13, $0x17  }
0x124: {  	p3 =	por p3, p4  }
.Ltmp8:
0x125: {  	_ = 	snop;
	(pc) =	sbr.rel @p3 .LBB2_10-.Ltmp8, $1  }
0x126: {  	_ =	sdelay $0x3  }
0x127: {  	_ =	swait.ge [sflag:s16], $0xC80  }
0x128: {  	[sflag:s16] =	ssyncset.done $0x0  }
0x129: {  	[sflag:s16] =	ssyncadd.s32 $0xFFFFF380  }
0x12a: {  	_ =	swait.ge [sflag:s16], $0xC80  }
0x12b: {  	[sflag:s16] =	ssyncset.done $0x0  }
0x12c: {  	[sflag:s16] =	ssyncadd.s32 $0xFFFFF380  }
.LBB2_11:
0x12d: {  	s13 =	sadd.s32 $0x2, s10  }
0x12e: {  	s14 =	smulhi.u32 $0x51EB851F, s13;
	_ =	sdelay $0x1  }
0x12f: {  	s15 =	sshrl.u32 s14, $0x3  }
0x130: {  	s15 =	smul.u32 $0x19, s15;
	_ =	sdelay $0x1  }
0x131: {  	s14 =	sshll.u32 s14, $0x9;
	s15 =	ssub.s32 s13, s15;
	s13 =	smul.u32 $0x28, s13  }
0x132: {  	s14 =	sand.u32 $0x1000, s14;
	s15 =	sshll.u32 s15, $0x7  }
0x133: {  	s14 =	sor.u32 s15, s14;
	s13 =	sadd.s32 s8, s13  }
0x134: {  	[tilespmem:s19], [sflag:$0x1] =	stream.indirect.gather [hbm4b:s1+s17], $0x80, s14, s17, $0xb8;
	[tilespmem:$0x1F080] =	vst v63  }
0x135: {  	s13 =	sshll.u32 s13, $0x4  }
0x136: {  	p3 =	por $0x0, $0x0;
	s13 =	sadd.s32 s3, s13  }
0x137: {  	[tilespmem:s20], [sflag:$0x3] =	stream.linear.gather [hbm4b:s13+s5], $0x1400, $0x38;
	[tilespmem:$0x1F080] =	vst v63  }
.LBB2_12:
0x138: {  	s12 =	sand.u32 $0x1000, s12;
	s11 =	sshll.u32 s11, $0x7  }
0x139: {  	s11 =	sadd.s32 s11, s12  }
0x13a: {  	s11 =	sadd.s32 $0x2000, s11  }
0x13b: {  	[spmem:s4] =	stream.indirect.scatter.add.f32 [tilespmem:s21], [sflag:$0x5], $0x80, s11, s17, $0xb8;
	[tilespmem:$0x1F080] =	vst v63  }
0x13c: {  	_ =	swait.ge [sflag:s25], $0x1400  }
0x13d: {  	[sflag:s25] =	ssyncset.done $0x0  }
0x13e: {  	[sflag:s25] =	ssyncadd.s32 $0xFFFFEC00  }
0x13f: {  	_ =	swait.ge [sflag:s26], $0x1400  }
0x140: {  	[sflag:s26] =	ssyncset.done $0x0  }
0x141: {  	s11 =	simm.s32 @!p2 $0x6;
	[sflag:s26] =	ssyncadd.s32 $0xFFFFEC00  }
0x142: {  	_ =	swait.ge @!p2 [sflag:s11], $0x1400  }
0x143: {  	[sflag:s11] =	ssyncset.done @!p2 $0x0  }
0x144: {  	s14 =	simm.s32 $0x0;
	[sflag:s11] =	ssyncadd.s32 @!p2 $0xFFFFEC00  }
0x145: {  	v1 =	vld [tilespmem:s14+$0x5470]  }
0x146: {  	v2 =	vld [tilespmem:s14+$0x7C70]  }
0x147: {  	v3 =	vld [tilespmem:s14+$0x5400]  }
0x148: {  	v4 =	vld [tilespmem:s14+$0x7C00]  }
0x149: {  	v5 =	vld [tilespmem:s14+$0x5410]  }
0x14a: {  	v6 =	vld [tilespmem:s14+$0x7C10]  }
0x14b: {  	v7 =	vld [tilespmem:s14+$0x5420]  }
0x14c: {  	v1 =	vadd.f32 v2, v1;
	v2 =	vld [tilespmem:s14+$0x7C20]  }
0x14d: {  	v8 =	vld [tilespmem:s14+$0x5430]  }
0x14e: {  	v9 =	vld [tilespmem:s14+$0x7C30];
	v3 =	vadd.f32 v4, v3  }
0x14f: {  	s13 =	sor.u32 $0x1, s10;
	v10 =	vld [tilespmem:s14+$0x5440];
	v1 =	vmax.f32 v1, $0.0e+00  }
0x150: {  	s18 =	smulhi.u32 $0x51EB851F, s13;
	[tilespmem:s14+$0xA470] =	vst v1;
	v1 =	vmax.f32 v3, $0.0e+00;
	v3 =	vadd.f32 v6, v5;
	v6 =	vld [tilespmem:s14+$0x7C40]  }
0x151: {  	v4 =	vld [tilespmem:s14+$0x7C50];
	v2 =	vadd.f32 v2, v7  }
0x152: {  	s12 =	sshrl.u32 s18, $0x3;
	[tilespmem:s14+$0xA400] =	vst v1;
	v1 =	vld [tilespmem:s14+$0x5450];
	v3 =	vmax.f32 v3, $0.0e+00  }
0x153: {  	s11 =	smul.u32 $0x19, s12;
	v5 =	vld [tilespmem:s14+$0x7C60];
	v7 =	vadd.f32 v9, v8;
	[tilespmem:s14+$0xA410] =	vst v3;
	v3 =	vmax.f32 v2, $0.0e+00  }
0x154: {  	s15 =	simm.s32 $0x80;
	v2 =	vld [tilespmem:s14+$0x5460];
	[tilespmem:s14+$0xA420] =	vst v3  }
0x155: {  	s18 =	simm.s32 $0x400;
	s11 =	ssub.s32 s13, s11;
	v7 =	vmax.f32 v7, $0.0e+00;
	v6 =	vadd.f32 v6, v10;
	v3 =	vld [tilespmem:s15+$0x5470]  }
.LBB2_13:
0x156: {  	p2 =	sne.s32 s18, $0x4E00;
	v8 =	vld [tilespmem:s15+$0x7C70];
	[tilespmem:s14+$0xA430] =	vst v7  }
0x157: {  	v7 =	vld [tilespmem:s15+$0x5400];
	v6 =	vmax.f32 v6, $0.0e+00;
	v1 =	vadd.f32 v4, v1  }
0x158: {  	v4 =	vld [tilespmem:s15+$0x7C00];
	[tilespmem:s14+$0xA440] =	vst v6  }
0x159: {  	v6 =	vld [tilespmem:s15+$0x5410];
	v1 =	vmax.f32 v1, $0.0e+00;
	v2 =	vadd.f32 v5, v2  }
0x15a: {  	v5 =	vld [tilespmem:s15+$0x7C10];
	[tilespmem:s14+$0xA450] =	vst v1  }
0x15b: {  	v1 =	vld [tilespmem:s15+$0x5420];
	v3 =	vadd.f32 v8, v3;
	v2 =	vmax.f32 v2, $0.0e+00  }
0x15c: {  	v8 =	vld [tilespmem:s15+$0x7C20];
	[tilespmem:s14+$0xA460] =	vst v2;
	s14 =	smov.u32 s15  }
0x15d: {  	v2 =	vadd.f32 v4, v7;
	v7 =	vld [tilespmem:s14+$0x5430];
	v3 =	vmax.f32 v3, $0.0e+00  }
0x15e: {  	v9 =	vld [tilespmem:s14+$0x7C30];
	[tilespmem:s14+$0xA470] =	vst v3  }
0x15f: {  	v2 =	vmax.f32 v2, $0.0e+00;
	v3 =	vadd.f32 v5, v6;
	v6 =	vld [tilespmem:s14+$0x5440]  }
0x160: {  	[tilespmem:s14+$0xA400] =	vst v2;
	v10 =	vld [tilespmem:s14+$0x7C40]  }
.Ltmp9:
0x161: {  	v2 =	vmax.f32 v3, $0.0e+00;
	v3 =	vadd.f32 v8, v1;
	v1 =	vld [tilespmem:s14+$0x5450];
	(pc) =	sbr.rel @p2 .LBB2_13-.Ltmp9, $4  }
0x162: {  	[tilespmem:s14+$0xA410] =	vst v2;
	v4 =	vld [tilespmem:s14+$0x7C50]  }
0x163: {  	v3 =	vmax.f32 v3, $0.0e+00;
	v7 =	vadd.f32 v9, v7;
	v2 =	vld [tilespmem:s14+$0x5460]  }
0x164: {  	s15 =	sshra.s32 s18, $0x2;
	[tilespmem:s14+$0xA420] =	vst v3;
	v5 =	vld [tilespmem:s14+$0x7C60]  }
0x165: {  	s18 =	sadd.s32 $0x200, s18;
	v3 =	vld [tilespmem:s15+$0x5470];
	v7 =	vmax.f32 v7, $0.0e+00;
	v6 =	vadd.f32 v10, v6  }
0x166: {  	v8 =	vld [tilespmem:s15+$0x7C70];
	[tilespmem:s14+$0xA430] =	vst v7  }
0x167: {  	v7 =	vld [tilespmem:s15+$0x5400];
	v6 =	vmax.f32 v6, $0.0e+00;
	v1 =	vadd.f32 v4, v1  }
0x168: {  	v9 =	vld [tilespmem:s15+$0x7C00];
	[tilespmem:s14+$0xA440] =	vst v6  }
0x169: {  	v57 =	vld [tilespmem:s15+$0x5410];
	v1 =	vmax.f32 v1, $0.0e+00;
	v2 =	vadd.f32 v5, v2  }
0x16a: {  	v6 =	vld [tilespmem:s15+$0x7C10];
	[tilespmem:s14+$0xA450] =	vst v1  }
0x16b: {  	v1 =	vld [tilespmem:s15+$0x5420];
	v2 =	vmax.f32 v2, $0.0e+00  }
0x16c: {  	v58 =	vld [tilespmem:s15+$0x7C20];
	[tilespmem:s14+$0xA460] =	vst v2  }
0x16d: {  	v2 =	vld [tilespmem:s15+$0x5430]  }
0x16e: {  	v3 =	vadd.f32 v8, v3;
	v59 =	vld [tilespmem:s15+$0x7C30]  }
0x16f: {  	v7 =	vadd.f32 v9, v7;
	v60 =	vld [tilespmem:s15+$0x5440]  }
0x170: {  	v3 =	vmax.f32 v3, $0.0e+00;
	v61 =	vld [tilespmem:s15+$0x5450]  }
0x171: {  	v62 =	vld [tilespmem:s15+$0x7C50];
	[tilespmem:s15+$0xA470] =	vst v3;
	v3 =	vmax.f32 v7, $0.0e+00;
	v1 =	vadd.f32 v58, v1  }
0x172: {  	[tilespmem:s15+$0xA400] =	vst v3;
	v3 =	vld [tilespmem:s15+$0x7C40]  }
0x173: {  	v63 =	vld [tilespmem:s15+$0x5460];
	v1 =	vmax.f32 v1, $0.0e+00  }
0x174: {  	[tilespmem:s15+$0xA420] =	vst v1;
	v1 =	vld [tilespmem:s15+$0x7C60]  }
0x175: {  	p2 =	sgt.u32 s13, $0xE0;
	v4 =	vadd.f32 v6, v57  }
0x176: {  	p4 =	sne.s32 @!p2 s11, $0x4;
	v2 =	vadd.f32 v59, v2  }
0x177: {  	p4 =	por p2, p4;
	v4 =	vmax.f32 v4, $0.0e+00;
	v3 =	vadd.f32 v3, v60  }
.Ltmp10:
0x178: {  	[tilespmem:s15+$0xA410] =	vst v4;
	v4 =	vadd.f32 v62, v61;
	v2 =	vmax.f32 v2, $0.0e+00;
	(pc) =	sbr.rel @p4 .LBB2_16-.Ltmp10, $4  }
0x179: {  	[tilespmem:s15+$0xA430] =	vst v2;
	v2 =	vmax.f32 v3, $0.0e+00;
	v1 =	vadd.f32 v1, v63  }
0x17a: {  	[tilespmem:s15+$0xA440] =	vst v2;
	v2 =	vmax.f32 v4, $0.0e+00  }
0x17b: {  	[tilespmem:s15+$0xA450] =	vst v2;
	v1 =	vmax.f32 v1, $0.0e+00  }
0x17c: {  	s12 =	sshll.u32 s12, $0xC;
	[tilespmem:s15+$0xA460] =	vst v1  }
0x17d: {  	s13 =	sadd.s32 $0x1000, s12  }
0x17e: {  	s14 =	sadd.s32 s6, s13  }
.Ltmp11:
0x17f: {  	s14 =	sshrl.u32 s14, $0x3;
	(pc) =	sbr.rel .LBB2_17-.Ltmp11, $4  }
0x180: {  	s13 =	sand.u32 $0x1000, s13;
	s15 =	sadd.s32 s7, s14  }
0x181: {  	[tilespmem:s13], [sflag:$0x7] =	stream.linear.gather [hbm4b:s15+s5], $0xC80, $0x38;
	[tilespmem:$0x1F080] =	vst v63  }
0x182: {  	s14 =	sadd.s32 s9, s14;
	s13 =	sor.u32 $0x2000, s13  }
0x183: {  	[tilespmem:s13], [sflag:$0x7] =	stream.linear.gather [hbm4b:s14+s5], $0xC80, $0x38;
	[tilespmem:$0x1F080] =	vst v63  }
.LBB2_10:
0x184: {  	p4 =	seq.s32 s0, $0x7C  }
.Ltmp12:
0x185: {  	_ = 	snop;
	(pc) =	sbr.rel @p4 .LBB2_12-.Ltmp12, $4  }
.Ltmp13:
0x186: {  	_ = 	snop;
	(pc) =	sbr.rel @!p4 .LBB2_11-.Ltmp13, $4  }
0x187: {  	_ = 	snop  }
0x188: {  	_ = 	snop  }
0x189: {  	p3 =	por $0x1, $0x1  }
0x18a: {  	_ = 	snop  }
.LBB2_19:
0x18b: {  	_ =	sfence.sel $0x180000  }
0x18c: {  	[bflag:$0x0] =	sbarrier.arrive $0xFFFF  }
0x18d: {  	_ =	strace $0x90000047  }
0x18e: {  	s0 =	stileid.u32;
	[bflag:$0x2] =	sbarrier.arrive $0xFFFF  }
0x18f: {  	p0 =	sne.s32 s0, $0x0;
	s0 =	rddreg [dreg:$0x4]  }
0x190: {  	s0 =	sadd.s32 @!p0 $0x100000, s0  }
0x191: {  	[sflag:s0] =	ssyncadd.tile.s32 @!p0 $0x1;
	_ =	shalt  }
.Lfunc_end2:
_tile_overlayer_lowered:
.L_overlay_start_2:
0x192: {  	(tag) =	ssettag $0x2  }
0x193: {  	s0 =	rddreg [dreg:$0x0];
	s2 =	stileid.u32  }
0x194: {  	s1 =	rddreg [dreg:$0x1];
	p0 =	sne.s32 s2, $0x0  }
0x195: {  	s3 =	rddreg [dreg:$0x2];
	[bflag:$0x3] =	sbarrier.arrive $0xFFFF;
	s2 =	simm.s32 @!p0 $0x1C09  }
0x196: {  	[timem:s3], [sflag:s2] =	dma.local @!p0 [hbm:s0], s1  }
0x197: {  	s0 =	simm.s32 @!p0 $0x9  }
0x198: {  	_ =	swait.ge @!p0 [sflag:s0], s1  }
0x199: {  	s1 =	ssub.s32 @!p0 $0x0, s1;
	[sflag:s0] =	ssyncset.done @!p0 $0x0  }
0x19a: {  	[sflag:s0] =	ssyncadd.s32 @!p0 s1  }
0x19b: {  	[bflag:$0x3] =	sbarrier.arrive $0xFFFF  }
0x19c: {  	_ =	shalt  }

</sc_bundles>
